<compile_context>
chip_gen: v7x
topology: tpu7x:2x2x1
jax: 0.10.2.dev20260603
libtpu: 0.0.44.dev20260713+nightly
codegen_flags: <defaults>
</compile_context>

<pallas_src>
import functools

import jax
import jax.numpy as jnp
from jax import lax
from jax.experimental import pallas as pl
from jax.experimental.pallas import tpu as pltpu
from jax.experimental.pallas import tpu_sc as plsc

Q = 4096
D = 512
N = 100000
K = 20
DY = 64

QB = 1024
KB = 2048
NQ = Q // QB
NK = (N + KB - 1) // KB
NPAD = NK * KB
SB = KB // 128
NITER = 22

NEG = -3.0e38
POS = 3.0e38
IBIG = 2**30


def _rownorm(v):
    mean = v.mean(axis=-1, keepdims=True)
    std = jnp.std(v, axis=-1, keepdims=True, ddof=1) + 1e-06
    xn = (v - mean) / std
    n = jnp.linalg.norm(xn, axis=1, keepdims=True)
    return xn / jnp.maximum(n, 1e-12)


def _topk_kernel(x_ref, xt_ref, w_ref, oi_ref,
                 sims_ref, bv_ref, bi_ref, cm_ref, act_ref):
    k = pl.program_id(1)
    lane = lax.broadcasted_iota(jnp.int32, (QB, 128), 1)

    @pl.when(k == 0)
    def _init():
        bv_ref[...] = jnp.full((QB, 128), NEG, jnp.float32)
        bi_ref[...] = IBIG + lane

    sims = lax.dot_general(x_ref[...], xt_ref[...],
                           dimension_numbers=(((1,), (1,)), ((), ())),
                           preferred_element_type=jnp.float32)
    sims_ref[...] = sims

    @pl.when(k == NK - 1)
    def _mask_tail():
        col = lax.broadcasted_iota(jnp.int32, (QB, KB), 1)
        lim = N - k * KB
        sims_ref[...] = jnp.where(col >= lim, NEG, sims_ref[...])

    act_ref[0] = jnp.int32(1)

    def sweep(_, carry):
        @pl.when(act_ref[0] == 1)
        def _body():
            cm0 = jnp.min(jnp.where(lane < K, bv_ref[...], POS),
                          axis=1, keepdims=True)
            cm_ref[...] = jnp.broadcast_to(cm0, (QB, 128))
            mxs, flags = [], []
            anyc = jnp.int32(0)
            for s in range(SB):
                mx = jnp.max(sims_ref[:, s * 128:(s + 1) * 128],
                             axis=1, keepdims=True)
                mxs.append(mx)
                fl = jnp.max(jnp.where(mx > cm0, 1, 0)).astype(jnp.int32)
                flags.append(fl)
                anyc = jnp.maximum(anyc, fl)
            act_ref[0] = anyc

            for s in range(SB):
                @pl.when(flags[s] > 0)
                def _extract(s=s):
                    blk = sims_ref[:, s * 128:(s + 1) * 128]
                    mx = mxs[s]
                    cmf = cm_ref[...]
                    ins = mx > cmf
                    ai = jnp.min(jnp.where(blk == mx, lane, 128),
                                 axis=1, keepdims=True)
                    sims_ref[:, s * 128:(s + 1) * 128] = jnp.where(
                        lane == ai, NEG, blk)
                    gi = k * KB + s * 128 + ai
                    bv = bv_ref[...]
                    bi = bi_ref[...]
                    is_min = (bv == cmf) & (lane < K)
                    evict_bi = jnp.max(jnp.where(is_min, bi, -1),
                                       axis=1, keepdims=True)
                    sel = is_min & (bi == evict_bi) & ins
                    bv = jnp.where(sel, mx, bv)
                    bi = jnp.where(sel, gi, bi)
                    bv_ref[...] = bv
                    bi_ref[...] = bi
                    cm_ref[...] = jnp.broadcast_to(
                        jnp.min(jnp.where(lane < K, bv, POS),
                                axis=1, keepdims=True), (QB, 128))
        return carry

    lax.fori_loop(0, NITER, sweep, jnp.int32(0))

    @pl.when(k == NK - 1)
    def _emit():
        w_ref[...] = jnp.zeros((QB, 32), jnp.float32)
        oi_ref[...] = jnp.zeros((QB, 32), jnp.int32)
        bv = bv_ref[...]
        bi = bi_ref[...]
        vals = []
        for j in range(K):
            mx = jnp.max(jnp.where(lane < K, bv, NEG), axis=1, keepdims=True)
            tie = (bv == mx) & (lane < K)
            ti = jnp.min(jnp.where(tie, bi, 2**31 - 1),
                         axis=1, keepdims=True)
            oi_ref[:, j:j + 1] = ti
            vals.append(mx)
            bv = jnp.where(tie & (bi == ti), NEG, bv)
        m0 = vals[0]
        es = [jnp.exp(v - m0) for v in vals]
        tot = es[0]
        for e in es[1:]:
            tot = tot + e
        for j in range(K):
            w_ref[:, j:j + 1] = es[j] / tot


def _run_topk(x, X_pad):
    w, oi = pl.pallas_call(
        _topk_kernel,
        grid=(NQ, NK),
        in_specs=[
            pl.BlockSpec((QB, D), lambda q, k: (q, 0)),
            pl.BlockSpec((KB, D), lambda q, k: (k, 0)),
        ],
        out_specs=[
            pl.BlockSpec((QB, 32), lambda q, k: (q, 0)),
            pl.BlockSpec((QB, 32), lambda q, k: (q, 0)),
        ],
        out_shape=[
            jax.ShapeDtypeStruct((Q, 32), jnp.float32),
            jax.ShapeDtypeStruct((Q, 32), jnp.int32),
        ],
        scratch_shapes=[
            pltpu.VMEM((QB, KB), jnp.float32),
            pltpu.VMEM((QB, 128), jnp.float32),
            pltpu.VMEM((QB, 128), jnp.int32),
            pltpu.VMEM((QB, 128), jnp.float32),
            pltpu.SMEM((1,), jnp.int32),
        ],
        compiler_params=pltpu.CompilerParams(
            dimension_semantics=("arbitrary", "arbitrary")),
    )(x, X_pad)
    return w[:, :K], oi[:, :K]



_B = Q * K
_NW = 32
_BPW = _B // _NW
_CH = 128
_NCH = _BPW // _CH


def _make_gather():
    mesh = plsc.VectorSubcoreMesh(core_axis_name="c", subcore_axis_name="s")

    @functools.partial(
        pl.kernel, mesh=mesh,
        out_type=jax.ShapeDtypeStruct((_B, 128), jnp.float32),
        scratch_types=[
            pltpu.VMEM((_CH,), jnp.int32),
            pltpu.VMEM((_CH, 128), jnp.float32),
            pltpu.SemaphoreType.DMA,
        ],
    )
    def gather(idx_hbm, table_hbm, out_hbm, idx_v, rows_v, sem):
        wid = lax.axis_index("s") * 2 + lax.axis_index("c")
        base = wid * _BPW

        def body(c, carry):
            off = base + c * _CH
            pltpu.sync_copy(idx_hbm.at[pl.ds(off, _CH)], idx_v)
            pltpu.async_copy(table_hbm.at[idx_v], rows_v, sem).wait()
            pltpu.sync_copy(rows_v, out_hbm.at[pl.ds(off, _CH)])
            return carry

        lax.fori_loop(0, _NCH, body, jnp.int32(0))

    return gather


def kernel(x, X_train, Y_train):
    qn = _rownorm(x)
    rn = _rownorm(X_train)
    rn_pad = jnp.pad(rn, ((0, NPAD - N), (0, 0)))
    Y_pad = jnp.pad(Y_train, ((0, 0), (0, 128 - DY)))
    weights, idx = _run_topk(qn, rn_pad)
    yk_flat = _make_gather()(idx.reshape(_B), Y_pad)
    return (weights, yk_flat[:, :DY].reshape(Q, K, DY))

# --- scband reference (transcript-rebuilt; emitter-appended) ---
"""Pipeline reference for scband-global-retriever-5729486373216 (READ-ONLY COPY).

The authoritative reference and input builder live on the scoring server;
editing this copy changes nothing except your own understanding.
"""

import jax, jax.numpy as jnp
import numpy as np


def _enc(x):
    mean = x.mean(axis=-1, keepdims=True)
    std = jnp.std(x, axis=-1, keepdims=True, ddof=1) + 1e-06
    xn = (x - mean) / std
    return xn.reshape(x.shape[0], -1)


def _normalize(x, axis=1, eps=1e-12):
    n = jnp.linalg.norm(x, axis=axis, keepdims=True)
    return x / jnp.maximum(n, eps)


def setup_inputs(seed: int = 0) -> dict:
    key = jax.random.key(seed)
    k1, k2, k3 = jax.random.split(key, 3)
    x = jax.random.normal(k1, (4096, 512), dtype=jnp.float32)
    X_train = jax.random.normal(k2, (100000, 512), dtype=jnp.float32)
    Y_train = jax.random.normal(k3, (100000, 64), dtype=jnp.float32)
    return {"x": x, "X_train": X_train, "Y_train": Y_train}


def reference(x, X_train, Y_train):
    topk = 20
    # build(): buffers are detached encodings of the training set
    X_ref = _enc(X_train)
    Y_ref = Y_train
    # retrieve():
    q = _enc(x)
    qn = _normalize(q, axis=1)
    rn = _normalize(X_ref, axis=1)
    sims = jnp.matmul(qn, rn.T)
    k = min(topk, sims.shape[1])
    vals, idx = jax.lax.top_k(sims, k)
    Yk = Y_ref[idx]
    weights = jax.nn.softmax(vals, axis=1)
    return (weights, Yk)

if __name__ == "__main__":
    import jax
    _d = setup_inputs()
    print(jax.jit(kernel)(*tuple(_d.values())))

</pallas_src>

<mosaic_0001>
#map = affine_map<(d0, d1) -> (0)>
#map1 = affine_map<(d0, d1) -> (0, 0)>
module attributes {stable_mosaic.version = 14 : i64} {
  func.func @gather(%arg0: i32, %arg1: i32, %arg2: memref<81920xi32, #tpu.memory_space<hbm>>, %arg3: memref<100000x128xf32, #tpu.memory_space<hbm>>, %arg4: memref<81920x128xf32, #tpu.memory_space<hbm>>, %arg5: memref<128xi32, #tpu.memory_space<vmem>>, %arg6: memref<128x128xf32, #tpu.memory_space<vmem>>, %arg7: memref<!tpu.dma_semaphore, #tpu.memory_space<semaphore_mem>>) attributes {dimension_semantics = [#tpu.dimension_semantics<core_parallel>, #tpu.dimension_semantics<subcore_parallel>], iteration_bounds = array<i64: 2, 16>, scalar_prefetch = 0 : i64, scratch_operands = 3 : i64, tpu.core_type = #tpu.core_type<sc_vector_subcore>, window_params = [{transform_indices = #map}, {transform_indices = #map1}, {transform_indices = #map1}]} {
    %mul3A = arith.constant 2 : i32
    %mul3A_0 = arith.muli %arg1, %mul3A : i32
    %add3A = arith.addi %mul3A_0, %arg0 : i32
    %mul3A_1 = arith.constant 2560 : i32
    %mul3A_2 = arith.muli %add3A, %mul3A_1 : i32
    %scan3A = arith.constant 0 : i32
    %scan3A_3 = arith.constant 0 : i32
    %scan3A_4 = arith.constant 20 : i32
    %scan3A_5 = arith.addi %scan3A_3, %scan3A_4 : i32
    %scan3A_6 = arith.constant 1 : i32
    scf.for %scan3A_8 = %scan3A_3 to %scan3A_5 step %scan3A_6  : i32 {
      %mul3A_9 = arith.constant 128 : i32
      %mul3A_10 = arith.muli %scan3A_8, %mul3A_9 : i32
      %add3A_11 = arith.addi %mul3A_2, %mul3A_10 : i32
      "tpu.region"() ({
        %run_scoped3A = tpu.sem_alloc : memref<!tpu.dma_semaphore, #tpu.memory_space<semaphore_mem>>
        %dma_start3A_16 = tpu.memref_slice %arg2[%add3A_11] : memref<81920xi32, #tpu.memory_space<hbm>> -> memref<128xi32, #tpu.memory_space<hbm>>
        %dma_start3A_17 = tpu.memref_slice %arg2[%add3A_11] : memref<81920xi32, #tpu.memory_space<hbm>> -> memref<128xi32, #tpu.memory_space<hbm>>
        tpu.enqueue_dma source(%dma_start3A_17 : memref<128xi32, #tpu.memory_space<hbm>>) target(%arg5 : memref<128xi32, #tpu.memory_space<vmem>>) target_semaphore(%run_scoped3A : memref<!tpu.dma_semaphore, #tpu.memory_space<semaphore_mem>>)
        %dma_wait3A_18 = tpu.memref_slice %arg2[%add3A_11] : memref<81920xi32, #tpu.memory_space<hbm>> -> memref<128xi32, #tpu.memory_space<hbm>>
        %dma_wait3A_19 = tpu.memref_slice %arg2[%add3A_11] : memref<81920xi32, #tpu.memory_space<hbm>> -> memref<128xi32, #tpu.memory_space<hbm>>
        tpu.wait_dma2 semaphore(%run_scoped3A : memref<!tpu.dma_semaphore, #tpu.memory_space<semaphore_mem>>) src(%dma_wait3A_19 : memref<128xi32, #tpu.memory_space<hbm>>) dst(%arg5 : memref<128xi32, #tpu.memory_space<vmem>>)
        tpu.yield
      }) : () -> ()
      %dma_start3A = arith.constant 0 : i32
      %dma_start3A_12 = arith.constant 0 : i32
      %dma_start3A_13 = tpu.memref_slice %arg3[%dma_start3A, %dma_start3A_12] : memref<100000x128xf32, #tpu.memory_space<hbm>> -> memref<100000x128xf32, #tpu.memory_space<hbm>>
      tpu.enqueue_indirect_dma source(%dma_start3A_13 : memref<100000x128xf32, #tpu.memory_space<hbm>>) target(%arg6 : memref<128x128xf32, #tpu.memory_space<vmem>>) offsets(%arg5 : memref<128xi32, #tpu.memory_space<vmem>>) semaphore(%arg7 : memref<!tpu.dma_semaphore, #tpu.memory_space<semaphore_mem>>)
      %dma_wait3A = arith.constant 0 : i32
      %dma_wait3A_14 = arith.constant 0 : i32
      %dma_wait3A_15 = tpu.memref_slice %arg3[%dma_wait3A, %dma_wait3A_14] : memref<100000x128xf32, #tpu.memory_space<hbm>> -> memref<100000x128xf32, #tpu.memory_space<hbm>>
      tpu.wait_indirect_dma semaphore(%arg7 : memref<!tpu.dma_semaphore, #tpu.memory_space<semaphore_mem>>) src(%dma_wait3A_15 : memref<100000x128xf32, #tpu.memory_space<hbm>>) dst(%arg6 : memref<128x128xf32, #tpu.memory_space<vmem>>)
      "tpu.region"() ({
        %run_scoped3A = tpu.sem_alloc : memref<!tpu.dma_semaphore, #tpu.memory_space<semaphore_mem>>
        %dma_start3A_16 = arith.constant 0 : i32
        %dma_start3A_17 = tpu.memref_slice %arg4[%add3A_11, %dma_start3A_16] : memref<81920x128xf32, #tpu.memory_space<hbm>> -> memref<128x128xf32, #tpu.memory_space<hbm>>
        %dma_start3A_18 = arith.constant 0 : i32
        %dma_start3A_19 = tpu.memref_slice %arg4[%add3A_11, %dma_start3A_18] : memref<81920x128xf32, #tpu.memory_space<hbm>> -> memref<128x128xf32, #tpu.memory_space<hbm>>
        tpu.enqueue_dma source(%arg6 : memref<128x128xf32, #tpu.memory_space<vmem>>) target(%dma_start3A_19 : memref<128x128xf32, #tpu.memory_space<hbm>>) target_semaphore(%run_scoped3A : memref<!tpu.dma_semaphore, #tpu.memory_space<semaphore_mem>>)
        %dma_wait3A_20 = arith.constant 0 : i32
        %dma_wait3A_21 = tpu.memref_slice %arg4[%add3A_11, %dma_wait3A_20] : memref<81920x128xf32, #tpu.memory_space<hbm>> -> memref<128x128xf32, #tpu.memory_space<hbm>>
        %dma_wait3A_22 = arith.constant 0 : i32
        %dma_wait3A_23 = tpu.memref_slice %arg4[%add3A_11, %dma_wait3A_22] : memref<81920x128xf32, #tpu.memory_space<hbm>> -> memref<128x128xf32, #tpu.memory_space<hbm>>
        tpu.wait_dma2 semaphore(%run_scoped3A : memref<!tpu.dma_semaphore, #tpu.memory_space<semaphore_mem>>) src(%arg6 : memref<128x128xf32, #tpu.memory_space<vmem>>) dst(%dma_wait3A_23 : memref<128x128xf32, #tpu.memory_space<hbm>>)
        tpu.yield
      }) : () -> ()
    }
    %scan3A_7 = arith.constant 20 : i32
    return
  }
}

module attributes {stable_mosaic.version = 14 : i64} {
  func.func @_topk_kernel(%arg0: i32, %arg1: i32, %arg2: memref<1024x512xf32, #tpu.memory_space<vmem>>, %arg3: memref<2048x512xf32, #tpu.memory_space<vmem>>, %arg4: memref<1024x32xf32, #tpu.memory_space<vmem>>, %arg5: memref<1024x32xi32, #tpu.memory_space<vmem>>, %arg6: memref<1024x2048xf32, #tpu.memory_space<vmem>>, %arg7: memref<1024x128xf32, #tpu.memory_space<vmem>>, %arg8: memref<1024x128xi32, #tpu.memory_space<vmem>>, %arg9: memref<1024x128xf32, #tpu.memory_space<vmem>>, %arg10: memref<1xi32, #tpu.memory_space<smem>>) attributes {dimension_semantics = [#tpu.dimension_semantics<arbitrary>, #tpu.dimension_semantics<arbitrary>], iteration_bounds = array<i64: 4, 49>, scalar_prefetch = 0 : i64, scratch_operands = 5 : i64, tpu.core_type = #tpu.core_type<tc>, window_params = [{transform_indices = @transform_0, window_bounds = array<i64: 1024, 512>}, {transform_indices = @transform_1, window_bounds = array<i64: 2048, 512>}, {transform_indices = @transform_2, window_bounds = array<i64: 1024, 32>}, {transform_indices = @transform_3, window_bounds = array<i64: 1024, 32>}]} {
    %iota3A = tpu.iota {dimensions = array<i32: 1>} : vector<1024x128xi32>
    %eq3A = arith.constant 0 : i32
    %eq3A_0 = arith.cmpi eq, %arg1, %eq3A : i32
    %convert_element_type3A = arith.extui %eq3A_0 : i1 to i32
    %cond3A = arith.constant 0 : i32
    %cond3A_1 = arith.cmpi ne, %convert_element_type3A, %cond3A : i32
    scf.if %cond3A_1 {
      %broadcast_in_dim3A = arith.constant -3.000000e+38 : f32
      %broadcast_in_dim3A_26 = vector.broadcast %broadcast_in_dim3A : f32 to vector<1024x128xf32>
      %swap3A_27 = arith.constant 0 : index
      %swap3A_28 = arith.constant 0 : index
      %swap3A_29 = vector.load %arg7[%swap3A_27, %swap3A_28] : memref<1024x128xf32, #tpu.memory_space<vmem>>, vector<1024x128xf32>
      tpu.vector_store %arg7[%swap3A_27, %swap3A_28], %broadcast_in_dim3A_26 {strides = array<i32>} : memref<1024x128xf32, #tpu.memory_space<vmem>>, vector<1024x128xf32>,
      %add3A = arith.constant 1073741824 : i32
      %add3A_30 = vector.broadcast %add3A : i32 to vector<1024x128xi32>
      %add3A_31 = arith.addi %add3A_30, %iota3A : vector<1024x128xi32>
      %swap3A_32 = arith.constant 0 : index
      %swap3A_33 = arith.constant 0 : index
      %swap3A_34 = vector.load %arg8[%swap3A_32, %swap3A_33] : memref<1024x128xi32, #tpu.memory_space<vmem>>, vector<1024x128xi32>
      tpu.vector_store %arg8[%swap3A_32, %swap3A_33], %add3A_31 {strides = array<i32>} : memref<1024x128xi32, #tpu.memory_space<vmem>>, vector<1024x128xi32>,
    } else {
    }
    %get3A = arith.constant 0 : index
    %get3A_2 = arith.constant 0 : index
    %get3A_3 = vector.load %arg2[%get3A, %get3A_2] : memref<1024x512xf32, #tpu.memory_space<vmem>>, vector<1024x512xf32>
    %get3A_4 = arith.constant 0 : index
    %get3A_5 = arith.constant 0 : index
    %get3A_6 = vector.load %arg3[%get3A_4, %get3A_5] : memref<2048x512xf32, #tpu.memory_space<vmem>>, vector<2048x512xf32>
    %dot_general3A = arith.constant dense<0.000000e+00> : vector<1024x2048xf32>
    %dot_general3A_7 = tpu.matmul %get3A_3, %get3A_6, %dot_general3A {dimension_numbers = #tpu.dot_dimension_numbers<[1], [1], [0], [0], [0, 0, 1, 0], [], []>, transpose_lhs_hint = false} : vector<1024x512xf32>, vector<2048x512xf32>, vector<1024x2048xf32> -> vector<1024x2048xf32>
    %swap3A = arith.constant 0 : index
    %swap3A_8 = arith.constant 0 : index
    %swap3A_9 = vector.load %arg6[%swap3A, %swap3A_8] : memref<1024x2048xf32, #tpu.memory_space<vmem>>, vector<1024x2048xf32>
    tpu.vector_store %arg6[%swap3A, %swap3A_8], %dot_general3A_7 {strides = array<i32>} : memref<1024x2048xf32, #tpu.memory_space<vmem>>, vector<1024x2048xf32>,
    %eq3A_10 = arith.constant 48 : i32
    %eq3A_11 = arith.cmpi eq, %arg1, %eq3A_10 : i32
    %convert_element_type3A_12 = arith.extui %eq3A_11 : i1 to i32
    %cond3A_13 = arith.constant 0 : i32
    %cond3A_14 = arith.cmpi ne, %convert_element_type3A_12, %cond3A_13 : i32
    scf.if %cond3A_14 {
      %iota3A_26 = tpu.iota {dimensions = array<i32: 1>} : vector<1024x2048xi32>
      %mul3A = arith.constant 2048 : i32
      %mul3A_27 = arith.muli %arg1, %mul3A : i32
      %sub3A = arith.constant 100000 : i32
      %sub3A_28 = arith.subi %sub3A, %mul3A_27 : i32
      %ge3A = vector.broadcast %sub3A_28 : i32 to vector<1024x2048xi32>
      %ge3A_29 = arith.cmpi sge, %iota3A_26, %ge3A : vector<1024x2048xi32>
      %get3A_30 = arith.constant 0 : index
      %get3A_31 = arith.constant 0 : index
      %get3A_32 = vector.load %arg6[%get3A_30, %get3A_31] : memref<1024x2048xf32, #tpu.memory_space<vmem>>, vector<1024x2048xf32>
      %jit3A = arith.constant -3.000000e+38 : f32
      %broadcast_in_dim3A = vector.broadcast %jit3A : f32 to vector<1024x2048xf32>
      %select_n3A = arith.select %ge3A_29, %broadcast_in_dim3A, %get3A_32 : vector<1024x2048xi1>, vector<1024x2048xf32>
      %swap3A_33 = arith.constant 0 : index
      %swap3A_34 = arith.constant 0 : index
      %swap3A_35 = vector.load %arg6[%swap3A_33, %swap3A_34] : memref<1024x2048xf32, #tpu.memory_space<vmem>>, vector<1024x2048xf32>
      tpu.vector_store %arg6[%swap3A_33, %swap3A_34], %select_n3A {strides = array<i32>} : memref<1024x2048xf32, #tpu.memory_space<vmem>>, vector<1024x2048xf32>,
    } else {
    }
    %swap3A_15 = arith.constant 1 : i32
    %swap3A_16 = arith.constant 0 : index
    %swap3A_17 = memref.load %arg10[%swap3A_16] : memref<1xi32, #tpu.memory_space<smem>>
    memref.store %swap3A_15, %arg10[%swap3A_16] : memref<1xi32, #tpu.memory_space<smem>>
    %scan3A = arith.constant 0 : i32
    %scan3A_18 = arith.constant 22 : i32
    %scan3A_19 = arith.addi %scan3A, %scan3A_18 : i32
    %scan3A_20 = arith.constant 1 : i32
    scf.for %scan3A_26 = %scan3A to %scan3A_19 step %scan3A_20  : i32 {
      %get3A_27 = arith.constant 0 : index
      %get3A_28 = memref.load %arg10[%get3A_27] : memref<1xi32, #tpu.memory_space<smem>>
      %eq3A_29 = arith.constant 1 : i32
      %eq3A_30 = arith.cmpi eq, %get3A_28, %eq3A_29 : i32
      %convert_element_type3A_31 = arith.extui %eq3A_30 : i1 to i32
      %cond3A_32 = arith.constant 0 : i32
      %cond3A_33 = arith.cmpi ne, %convert_element_type3A_31, %cond3A_32 : i32
      scf.if %cond3A_33 {
        %lt3A = arith.constant 20 : i32
        %lt3A_34 = vector.broadcast %lt3A : i32 to vector<1024x128xi32>
        %lt3A_35 = arith.cmpi slt, %iota3A, %lt3A_34 : vector<1024x128xi32>
        %get3A_36 = arith.constant 0 : index
        %get3A_37 = arith.constant 0 : index
        %get3A_38 = vector.load %arg7[%get3A_36, %get3A_37] : memref<1024x128xf32, #tpu.memory_space<vmem>>, vector<1024x128xf32>
        %jit3A = arith.constant 3.000000e+38 : f32
        %broadcast_in_dim3A = vector.broadcast %jit3A : f32 to vector<1024x128xf32>
        %select_n3A = arith.select %lt3A_35, %get3A_38, %broadcast_in_dim3A : vector<1024x128xi1>, vector<1024x128xf32>
        %reduce_min3A = arith.constant dense<0x7F800000> : vector<1024xf32>
        %reduce_min3A_39 = vector.multi_reduction <minimumf>, %select_n3A, %reduce_min3A [1] : vector<1024x128xf32> to vector<1024xf32>
        %broadcast_in_dim3A_40 = vector.shape_cast %reduce_min3A_39 : vector<1024xf32> to vector<1024x1xf32>
        %broadcast_in_dim3A_41 = vector.shape_cast %broadcast_in_dim3A_40 : vector<1024x1xf32> to vector<1024x1xf32>
        %broadcast_in_dim3A_42 = vector.broadcast %broadcast_in_dim3A_41 : vector<1024x1xf32> to vector<1024x128xf32>
        %swap3A_43 = arith.constant 0 : index
        %swap3A_44 = arith.constant 0 : index
        %swap3A_45 = vector.load %arg9[%swap3A_43, %swap3A_44] : memref<1024x128xf32, #tpu.memory_space<vmem>>, vector<1024x128xf32>
        tpu.vector_store %arg9[%swap3A_43, %swap3A_44], %broadcast_in_dim3A_42 {strides = array<i32>} : memref<1024x128xf32, #tpu.memory_space<vmem>>, vector<1024x128xf32>,
        %get3A_46 = arith.constant 0 : index
        %get3A_47 = arith.constant 0 : index
        %get3A_48 = vector.load %arg6[%get3A_46, %get3A_47] : memref<1024x2048xf32, #tpu.memory_space<vmem>>, vector<1024x128xf32>
        %reduce_max3A = arith.constant dense<0xFF800000> : vector<1024xf32>
        %reduce_max3A_49 = vector.multi_reduction <maximumf>, %get3A_48, %reduce_max3A [1] : vector<1024x128xf32> to vector<1024xf32>
        %broadcast_in_dim3A_50 = vector.shape_cast %reduce_max3A_49 : vector<1024xf32> to vector<1024x1xf32>
        %gt3A = arith.cmpf ogt, %broadcast_in_dim3A_50, %broadcast_in_dim3A_40 : vector<1024x1xf32>
        %jit3A_51 = arith.constant 1 : i32
        %jit3A_52 = arith.constant 0 : i32
        %broadcast_in_dim3A_53 = vector.broadcast %jit3A_51 : i32 to vector<1024x1xi32>
        %broadcast_in_dim3A_54 = vector.broadcast %jit3A_52 : i32 to vector<1024x1xi32>
        %select_n3A_55 = arith.select %gt3A, %broadcast_in_dim3A_53, %broadcast_in_dim3A_54 : vector<1024x1xi1>, vector<1024x1xi32>
        %reduce_max3A_56 = vector.shape_cast %select_n3A_55 : vector<1024x1xi32> to vector<1x1024x1xi32>
        %reduce_max3A_57 = arith.constant dense<-2147483648> : vector<1xi32>
        %reduce_max3A_58 = vector.multi_reduction <maxsi>, %reduce_max3A_56, %reduce_max3A_57 [1, 2] : vector<1x1024x1xi32> to vector<1xi32>
        %reduce_max3A_59 = vector.shape_cast %reduce_max3A_58 : vector<1xi32> to vector<1x1x1xi32>
        %reduce_max3A_60 = vector.extract %reduce_max3A_59[0, 0, 0] : i32 from vector<1x1x1xi32>
        %max3A = arith.constant 0 : i32
        %max3A_61 = arith.maxsi %max3A, %reduce_max3A_60 : i32
        %get3A_62 = arith.constant 0 : index
        %get3A_63 = arith.constant 128 : index
        %get3A_64 = vector.load %arg6[%get3A_62, %get3A_63] : memref<1024x2048xf32, #tpu.memory_space<vmem>>, vector<1024x128xf32>
        %reduce_max3A_65 = arith.constant dense<0xFF800000> : vector<1024xf32>
        %reduce_max3A_66 = vector.multi_reduction <maximumf>, %get3A_64, %reduce_max3A_65 [1] : vector<1024x128xf32> to vector<1024xf32>
        %broadcast_in_dim3A_67 = vector.shape_cast %reduce_max3A_66 : vector<1024xf32> to vector<1024x1xf32>
        %gt3A_68 = arith.cmpf ogt, %broadcast_in_dim3A_67, %broadcast_in_dim3A_40 : vector<1024x1xf32>
        %jit3A_69 = arith.constant 1 : i32
        %jit3A_70 = arith.constant 0 : i32
        %broadcast_in_dim3A_71 = vector.broadcast %jit3A_69 : i32 to vector<1024x1xi32>
        %broadcast_in_dim3A_72 = vector.broadcast %jit3A_70 : i32 to vector<1024x1xi32>
        %select_n3A_73 = arith.select %gt3A_68, %broadcast_in_dim3A_71, %broadcast_in_dim3A_72 : vector<1024x1xi1>, vector<1024x1xi32>
        %reduce_max3A_74 = vector.shape_cast %select_n3A_73 : vector<1024x1xi32> to vector<1x1024x1xi32>
        %reduce_max3A_75 = arith.constant dense<-2147483648> : vector<1xi32>
        %reduce_max3A_76 = vector.multi_reduction <maxsi>, %reduce_max3A_74, %reduce_max3A_75 [1, 2] : vector<1x1024x1xi32> to vector<1xi32>
        %reduce_max3A_77 = vector.shape_cast %reduce_max3A_76 : vector<1xi32> to vector<1x1x1xi32>
        %reduce_max3A_78 = vector.extract %reduce_max3A_77[0, 0, 0] : i32 from vector<1x1x1xi32>
        %max3A_79 = arith.maxsi %max3A_61, %reduce_max3A_78 : i32
        %get3A_80 = arith.constant 0 : index
        %get3A_81 = arith.constant 256 : index
        %get3A_82 = vector.load %arg6[%get3A_80, %get3A_81] : memref<1024x2048xf32, #tpu.memory_space<vmem>>, vector<1024x128xf32>
        %reduce_max3A_83 = arith.constant dense<0xFF800000> : vector<1024xf32>
        %reduce_max3A_84 = vector.multi_reduction <maximumf>, %get3A_82, %reduce_max3A_83 [1] : vector<1024x128xf32> to vector<1024xf32>
        %broadcast_in_dim3A_85 = vector.shape_cast %reduce_max3A_84 : vector<1024xf32> to vector<1024x1xf32>
        %gt3A_86 = arith.cmpf ogt, %broadcast_in_dim3A_85, %broadcast_in_dim3A_40 : vector<1024x1xf32>
        %jit3A_87 = arith.constant 1 : i32
        %jit3A_88 = arith.constant 0 : i32
        %broadcast_in_dim3A_89 = vector.broadcast %jit3A_87 : i32 to vector<1024x1xi32>
        %broadcast_in_dim3A_90 = vector.broadcast %jit3A_88 : i32 to vector<1024x1xi32>
        %select_n3A_91 = arith.select %gt3A_86, %broadcast_in_dim3A_89, %broadcast_in_dim3A_90 : vector<1024x1xi1>, vector<1024x1xi32>
        %reduce_max3A_92 = vector.shape_cast %select_n3A_91 : vector<1024x1xi32> to vector<1x1024x1xi32>
        %reduce_max3A_93 = arith.constant dense<-2147483648> : vector<1xi32>
        %reduce_max3A_94 = vector.multi_reduction <maxsi>, %reduce_max3A_92, %reduce_max3A_93 [1, 2] : vector<1x1024x1xi32> to vector<1xi32>
        %reduce_max3A_95 = vector.shape_cast %reduce_max3A_94 : vector<1xi32> to vector<1x1x1xi32>
        %reduce_max3A_96 = vector.extract %reduce_max3A_95[0, 0, 0] : i32 from vector<1x1x1xi32>
        %max3A_97 = arith.maxsi %max3A_79, %reduce_max3A_96 : i32
        %get3A_98 = arith.constant 0 : index
        %get3A_99 = arith.constant 384 : index
        %get3A_100 = vector.load %arg6[%get3A_98, %get3A_99] : memref<1024x2048xf32, #tpu.memory_space<vmem>>, vector<1024x128xf32>
        %reduce_max3A_101 = arith.constant dense<0xFF800000> : vector<1024xf32>
        %reduce_max3A_102 = vector.multi_reduction <maximumf>, %get3A_100, %reduce_max3A_101 [1] : vector<1024x128xf32> to vector<1024xf32>
        %broadcast_in_dim3A_103 = vector.shape_cast %reduce_max3A_102 : vector<1024xf32> to vector<1024x1xf32>
        %gt3A_104 = arith.cmpf ogt, %broadcast_in_dim3A_103, %broadcast_in_dim3A_40 : vector<1024x1xf32>
        %jit3A_105 = arith.constant 1 : i32
        %jit3A_106 = arith.constant 0 : i32
        %broadcast_in_dim3A_107 = vector.broadcast %jit3A_105 : i32 to vector<1024x1xi32>
        %broadcast_in_dim3A_108 = vector.broadcast %jit3A_106 : i32 to vector<1024x1xi32>
        %select_n3A_109 = arith.select %gt3A_104, %broadcast_in_dim3A_107, %broadcast_in_dim3A_108 : vector<1024x1xi1>, vector<1024x1xi32>
        %reduce_max3A_110 = vector.shape_cast %select_n3A_109 : vector<1024x1xi32> to vector<1x1024x1xi32>
        %reduce_max3A_111 = arith.constant dense<-2147483648> : vector<1xi32>
        %reduce_max3A_112 = vector.multi_reduction <maxsi>, %reduce_max3A_110, %reduce_max3A_111 [1, 2] : vector<1x1024x1xi32> to vector<1xi32>
        %reduce_max3A_113 = vector.shape_cast %reduce_max3A_112 : vector<1xi32> to vector<1x1x1xi32>
        %reduce_max3A_114 = vector.extract %reduce_max3A_113[0, 0, 0] : i32 from vector<1x1x1xi32>
        %max3A_115 = arith.maxsi %max3A_97, %reduce_max3A_114 : i32
        %get3A_116 = arith.constant 0 : index
        %get3A_117 = arith.constant 512 : index
        %get3A_118 = vector.load %arg6[%get3A_116, %get3A_117] : memref<1024x2048xf32, #tpu.memory_space<vmem>>, vector<1024x128xf32>
        %reduce_max3A_119 = arith.constant dense<0xFF800000> : vector<1024xf32>
        %reduce_max3A_120 = vector.multi_reduction <maximumf>, %get3A_118, %reduce_max3A_119 [1] : vector<1024x128xf32> to vector<1024xf32>
        %broadcast_in_dim3A_121 = vector.shape_cast %reduce_max3A_120 : vector<1024xf32> to vector<1024x1xf32>
        %gt3A_122 = arith.cmpf ogt, %broadcast_in_dim3A_121, %broadcast_in_dim3A_40 : vector<1024x1xf32>
        %jit3A_123 = arith.constant 1 : i32
        %jit3A_124 = arith.constant 0 : i32
        %broadcast_in_dim3A_125 = vector.broadcast %jit3A_123 : i32 to vector<1024x1xi32>
        %broadcast_in_dim3A_126 = vector.broadcast %jit3A_124 : i32 to vector<1024x1xi32>
        %select_n3A_127 = arith.select %gt3A_122, %broadcast_in_dim3A_125, %broadcast_in_dim3A_126 : vector<1024x1xi1>, vector<1024x1xi32>
        %reduce_max3A_128 = vector.shape_cast %select_n3A_127 : vector<1024x1xi32> to vector<1x1024x1xi32>
        %reduce_max3A_129 = arith.constant dense<-2147483648> : vector<1xi32>
        %reduce_max3A_130 = vector.multi_reduction <maxsi>, %reduce_max3A_128, %reduce_max3A_129 [1, 2] : vector<1x1024x1xi32> to vector<1xi32>
        %reduce_max3A_131 = vector.shape_cast %reduce_max3A_130 : vector<1xi32> to vector<1x1x1xi32>
        %reduce_max3A_132 = vector.extract %reduce_max3A_131[0, 0, 0] : i32 from vector<1x1x1xi32>
        %max3A_133 = arith.maxsi %max3A_115, %reduce_max3A_132 : i32
        %get3A_134 = arith.constant 0 : index
        %get3A_135 = arith.constant 640 : index
        %get3A_136 = vector.load %arg6[%get3A_134, %get3A_135] : memref<1024x2048xf32, #tpu.memory_space<vmem>>, vector<1024x128xf32>
        %reduce_max3A_137 = arith.constant dense<0xFF800000> : vector<1024xf32>
        %reduce_max3A_138 = vector.multi_reduction <maximumf>, %get3A_136, %reduce_max3A_137 [1] : vector<1024x128xf32> to vector<1024xf32>
        %broadcast_in_dim3A_139 = vector.shape_cast %reduce_max3A_138 : vector<1024xf32> to vector<1024x1xf32>
        %gt3A_140 = arith.cmpf ogt, %broadcast_in_dim3A_139, %broadcast_in_dim3A_40 : vector<1024x1xf32>
        %jit3A_141 = arith.constant 1 : i32
        %jit3A_142 = arith.constant 0 : i32
        %broadcast_in_dim3A_143 = vector.broadcast %jit3A_141 : i32 to vector<1024x1xi32>
        %broadcast_in_dim3A_144 = vector.broadcast %jit3A_142 : i32 to vector<1024x1xi32>
        %select_n3A_145 = arith.select %gt3A_140, %broadcast_in_dim3A_143, %broadcast_in_dim3A_144 : vector<1024x1xi1>, vector<1024x1xi32>
        %reduce_max3A_146 = vector.shape_cast %select_n3A_145 : vector<1024x1xi32> to vector<1x1024x1xi32>
        %reduce_max3A_147 = arith.constant dense<-2147483648> : vector<1xi32>
        %reduce_max3A_148 = vector.multi_reduction <maxsi>, %reduce_max3A_146, %reduce_max3A_147 [1, 2] : vector<1x1024x1xi32> to vector<1xi32>
        %reduce_max3A_149 = vector.shape_cast %reduce_max3A_148 : vector<1xi32> to vector<1x1x1xi32>
        %reduce_max3A_150 = vector.extract %reduce_max3A_149[0, 0, 0] : i32 from vector<1x1x1xi32>
        %max3A_151 = arith.maxsi %max3A_133, %reduce_max3A_150 : i32
        %get3A_152 = arith.constant 0 : index
        %get3A_153 = arith.constant 768 : index
        %get3A_154 = vector.load %arg6[%get3A_152, %get3A_153] : memref<1024x2048xf32, #tpu.memory_space<vmem>>, vector<1024x128xf32>
        %reduce_max3A_155 = arith.constant dense<0xFF800000> : vector<1024xf32>
        %reduce_max3A_156 = vector.multi_reduction <maximumf>, %get3A_154, %reduce_max3A_155 [1] : vector<1024x128xf32> to vector<1024xf32>
        %broadcast_in_dim3A_157 = vector.shape_cast %reduce_max3A_156 : vector<1024xf32> to vector<1024x1xf32>
        %gt3A_158 = arith.cmpf ogt, %broadcast_in_dim3A_157, %broadcast_in_dim3A_40 : vector<1024x1xf32>
        %jit3A_159 = arith.constant 1 : i32
        %jit3A_160 = arith.constant 0 : i32
        %broadcast_in_dim3A_161 = vector.broadcast %jit3A_159 : i32 to vector<1024x1xi32>
        %broadcast_in_dim3A_162 = vector.broadcast %jit3A_160 : i32 to vector<1024x1xi32>
        %select_n3A_163 = arith.select %gt3A_158, %broadcast_in_dim3A_161, %broadcast_in_dim3A_162 : vector<1024x1xi1>, vector<1024x1xi32>
        %reduce_max3A_164 = vector.shape_cast %select_n3A_163 : vector<1024x1xi32> to vector<1x1024x1xi32>
        %reduce_max3A_165 = arith.constant dense<-2147483648> : vector<1xi32>
        %reduce_max3A_166 = vector.multi_reduction <maxsi>, %reduce_max3A_164, %reduce_max3A_165 [1, 2] : vector<1x1024x1xi32> to vector<1xi32>
        %reduce_max3A_167 = vector.shape_cast %reduce_max3A_166 : vector<1xi32> to vector<1x1x1xi32>
        %reduce_max3A_168 = vector.extract %reduce_max3A_167[0, 0, 0] : i32 from vector<1x1x1xi32>
        %max3A_169 = arith.maxsi %max3A_151, %reduce_max3A_168 : i32
        %get3A_170 = arith.constant 0 : index
        %get3A_171 = arith.constant 896 : index
        %get3A_172 = vector.load %arg6[%get3A_170, %get3A_171] : memref<1024x2048xf32, #tpu.memory_space<vmem>>, vector<1024x128xf32>
        %reduce_max3A_173 = arith.constant dense<0xFF800000> : vector<1024xf32>
        %reduce_max3A_174 = vector.multi_reduction <maximumf>, %get3A_172, %reduce_max3A_173 [1] : vector<1024x128xf32> to vector<1024xf32>
        %broadcast_in_dim3A_175 = vector.shape_cast %reduce_max3A_174 : vector<1024xf32> to vector<1024x1xf32>
        %gt3A_176 = arith.cmpf ogt, %broadcast_in_dim3A_175, %broadcast_in_dim3A_40 : vector<1024x1xf32>
        %jit3A_177 = arith.constant 1 : i32
        %jit3A_178 = arith.constant 0 : i32
        %broadcast_in_dim3A_179 = vector.broadcast %jit3A_177 : i32 to vector<1024x1xi32>
        %broadcast_in_dim3A_180 = vector.broadcast %jit3A_178 : i32 to vector<1024x1xi32>
        %select_n3A_181 = arith.select %gt3A_176, %broadcast_in_dim3A_179, %broadcast_in_dim3A_180 : vector<1024x1xi1>, vector<1024x1xi32>
        %reduce_max3A_182 = vector.shape_cast %select_n3A_181 : vector<1024x1xi32> to vector<1x1024x1xi32>
        %reduce_max3A_183 = arith.constant dense<-2147483648> : vector<1xi32>
        %reduce_max3A_184 = vector.multi_reduction <maxsi>, %reduce_max3A_182, %reduce_max3A_183 [1, 2] : vector<1x1024x1xi32> to vector<1xi32>
        %reduce_max3A_185 = vector.shape_cast %reduce_max3A_184 : vector<1xi32> to vector<1x1x1xi32>
        %reduce_max3A_186 = vector.extract %reduce_max3A_185[0, 0, 0] : i32 from vector<1x1x1xi32>
        %max3A_187 = arith.maxsi %max3A_169, %reduce_max3A_186 : i32
        %get3A_188 = arith.constant 0 : index
        %get3A_189 = arith.constant 1024 : index
        %get3A_190 = vector.load %arg6[%get3A_188, %get3A_189] : memref<1024x2048xf32, #tpu.memory_space<vmem>>, vector<1024x128xf32>
        %reduce_max3A_191 = arith.constant dense<0xFF800000> : vector<1024xf32>
        %reduce_max3A_192 = vector.multi_reduction <maximumf>, %get3A_190, %reduce_max3A_191 [1] : vector<1024x128xf32> to vector<1024xf32>
        %broadcast_in_dim3A_193 = vector.shape_cast %reduce_max3A_192 : vector<1024xf32> to vector<1024x1xf32>
        %gt3A_194 = arith.cmpf ogt, %broadcast_in_dim3A_193, %broadcast_in_dim3A_40 : vector<1024x1xf32>
        %jit3A_195 = arith.constant 1 : i32
        %jit3A_196 = arith.constant 0 : i32
        %broadcast_in_dim3A_197 = vector.broadcast %jit3A_195 : i32 to vector<1024x1xi32>
        %broadcast_in_dim3A_198 = vector.broadcast %jit3A_196 : i32 to vector<1024x1xi32>
        %select_n3A_199 = arith.select %gt3A_194, %broadcast_in_dim3A_197, %broadcast_in_dim3A_198 : vector<1024x1xi1>, vector<1024x1xi32>
        %reduce_max3A_200 = vector.shape_cast %select_n3A_199 : vector<1024x1xi32> to vector<1x1024x1xi32>
        %reduce_max3A_201 = arith.constant dense<-2147483648> : vector<1xi32>
        %reduce_max3A_202 = vector.multi_reduction <maxsi>, %reduce_max3A_200, %reduce_max3A_201 [1, 2] : vector<1x1024x1xi32> to vector<1xi32>
        %reduce_max3A_203 = vector.shape_cast %reduce_max3A_202 : vector<1xi32> to vector<1x1x1xi32>
        %reduce_max3A_204 = vector.extract %reduce_max3A_203[0, 0, 0] : i32 from vector<1x1x1xi32>
        %max3A_205 = arith.maxsi %max3A_187, %reduce_max3A_204 : i32
        %get3A_206 = arith.constant 0 : index
        %get3A_207 = arith.constant 1152 : index
        %get3A_208 = vector.load %arg6[%get3A_206, %get3A_207] : memref<1024x2048xf32, #tpu.memory_space<vmem>>, vector<1024x128xf32>
        %reduce_max3A_209 = arith.constant dense<0xFF800000> : vector<1024xf32>
        %reduce_max3A_210 = vector.multi_reduction <maximumf>, %get3A_208, %reduce_max3A_209 [1] : vector<1024x128xf32> to vector<1024xf32>
        %broadcast_in_dim3A_211 = vector.shape_cast %reduce_max3A_210 : vector<1024xf32> to vector<1024x1xf32>
        %gt3A_212 = arith.cmpf ogt, %broadcast_in_dim3A_211, %broadcast_in_dim3A_40 : vector<1024x1xf32>
        %jit3A_213 = arith.constant 1 : i32
        %jit3A_214 = arith.constant 0 : i32
        %broadcast_in_dim3A_215 = vector.broadcast %jit3A_213 : i32 to vector<1024x1xi32>
        %broadcast_in_dim3A_216 = vector.broadcast %jit3A_214 : i32 to vector<1024x1xi32>
        %select_n3A_217 = arith.select %gt3A_212, %broadcast_in_dim3A_215, %broadcast_in_dim3A_216 : vector<1024x1xi1>, vector<1024x1xi32>
        %reduce_max3A_218 = vector.shape_cast %select_n3A_217 : vector<1024x1xi32> to vector<1x1024x1xi32>
        %reduce_max3A_219 = arith.constant dense<-2147483648> : vector<1xi32>
        %reduce_max3A_220 = vector.multi_reduction <maxsi>, %reduce_max3A_218, %reduce_max3A_219 [1, 2] : vector<1x1024x1xi32> to vector<1xi32>
        %reduce_max3A_221 = vector.shape_cast %reduce_max3A_220 : vector<1xi32> to vector<1x1x1xi32>
        %reduce_max3A_222 = vector.extract %reduce_max3A_221[0, 0, 0] : i32 from vector<1x1x1xi32>
        %max3A_223 = arith.maxsi %max3A_205, %reduce_max3A_222 : i32
        %get3A_224 = arith.constant 0 : index
        %get3A_225 = arith.constant 1280 : index
        %get3A_226 = vector.load %arg6[%get3A_224, %get3A_225] : memref<1024x2048xf32, #tpu.memory_space<vmem>>, vector<1024x128xf32>
        %reduce_max3A_227 = arith.constant dense<0xFF800000> : vector<1024xf32>
        %reduce_max3A_228 = vector.multi_reduction <maximumf>, %get3A_226, %reduce_max3A_227 [1] : vector<1024x128xf32> to vector<1024xf32>
        %broadcast_in_dim3A_229 = vector.shape_cast %reduce_max3A_228 : vector<1024xf32> to vector<1024x1xf32>
        %gt3A_230 = arith.cmpf ogt, %broadcast_in_dim3A_229, %broadcast_in_dim3A_40 : vector<1024x1xf32>
        %jit3A_231 = arith.constant 1 : i32
        %jit3A_232 = arith.constant 0 : i32
        %broadcast_in_dim3A_233 = vector.broadcast %jit3A_231 : i32 to vector<1024x1xi32>
        %broadcast_in_dim3A_234 = vector.broadcast %jit3A_232 : i32 to vector<1024x1xi32>
        %select_n3A_235 = arith.select %gt3A_230, %broadcast_in_dim3A_233, %broadcast_in_dim3A_234 : vector<1024x1xi1>, vector<1024x1xi32>
        %reduce_max3A_236 = vector.shape_cast %select_n3A_235 : vector<1024x1xi32> to vector<1x1024x1xi32>
        %reduce_max3A_237 = arith.constant dense<-2147483648> : vector<1xi32>
        %reduce_max3A_238 = vector.multi_reduction <maxsi>, %reduce_max3A_236, %reduce_max3A_237 [1, 2] : vector<1x1024x1xi32> to vector<1xi32>
        %reduce_max3A_239 = vector.shape_cast %reduce_max3A_238 : vector<1xi32> to vector<1x1x1xi32>
        %reduce_max3A_240 = vector.extract %reduce_max3A_239[0, 0, 0] : i32 from vector<1x1x1xi32>
        %max3A_241 = arith.maxsi %max3A_223, %reduce_max3A_240 : i32
        %get3A_242 = arith.constant 0 : index
        %get3A_243 = arith.constant 1408 : index
        %get3A_244 = vector.load %arg6[%get3A_242, %get3A_243] : memref<1024x2048xf32, #tpu.memory_space<vmem>>, vector<1024x128xf32>
        %reduce_max3A_245 = arith.constant dense<0xFF800000> : vector<1024xf32>
        %reduce_max3A_246 = vector.multi_reduction <maximumf>, %get3A_244, %reduce_max3A_245 [1] : vector<1024x128xf32> to vector<1024xf32>
        %broadcast_in_dim3A_247 = vector.shape_cast %reduce_max3A_246 : vector<1024xf32> to vector<1024x1xf32>
        %gt3A_248 = arith.cmpf ogt, %broadcast_in_dim3A_247, %broadcast_in_dim3A_40 : vector<1024x1xf32>
        %jit3A_249 = arith.constant 1 : i32
        %jit3A_250 = arith.constant 0 : i32
        %broadcast_in_dim3A_251 = vector.broadcast %jit3A_249 : i32 to vector<1024x1xi32>
        %broadcast_in_dim3A_252 = vector.broadcast %jit3A_250 : i32 to vector<1024x1xi32>
        %select_n3A_253 = arith.select %gt3A_248, %broadcast_in_dim3A_251, %broadcast_in_dim3A_252 : vector<1024x1xi1>, vector<1024x1xi32>
        %reduce_max3A_254 = vector.shape_cast %select_n3A_253 : vector<1024x1xi32> to vector<1x1024x1xi32>
        %reduce_max3A_255 = arith.constant dense<-2147483648> : vector<1xi32>
        %reduce_max3A_256 = vector.multi_reduction <maxsi>, %reduce_max3A_254, %reduce_max3A_255 [1, 2] : vector<1x1024x1xi32> to vector<1xi32>
        %reduce_max3A_257 = vector.shape_cast %reduce_max3A_256 : vector<1xi32> to vector<1x1x1xi32>
        %reduce_max3A_258 = vector.extract %reduce_max3A_257[0, 0, 0] : i32 from vector<1x1x1xi32>
        %max3A_259 = arith.maxsi %max3A_241, %reduce_max3A_258 : i32
        %get3A_260 = arith.constant 0 : index
        %get3A_261 = arith.constant 1536 : index
        %get3A_262 = vector.load %arg6[%get3A_260, %get3A_261] : memref<1024x2048xf32, #tpu.memory_space<vmem>>, vector<1024x128xf32>
        %reduce_max3A_263 = arith.constant dense<0xFF800000> : vector<1024xf32>
        %reduce_max3A_264 = vector.multi_reduction <maximumf>, %get3A_262, %reduce_max3A_263 [1] : vector<1024x128xf32> to vector<1024xf32>
        %broadcast_in_dim3A_265 = vector.shape_cast %reduce_max3A_264 : vector<1024xf32> to vector<1024x1xf32>
        %gt3A_266 = arith.cmpf ogt, %broadcast_in_dim3A_265, %broadcast_in_dim3A_40 : vector<1024x1xf32>
        %jit3A_267 = arith.constant 1 : i32
        %jit3A_268 = arith.constant 0 : i32
        %broadcast_in_dim3A_269 = vector.broadcast %jit3A_267 : i32 to vector<1024x1xi32>
        %broadcast_in_dim3A_270 = vector.broadcast %jit3A_268 : i32 to vector<1024x1xi32>
        %select_n3A_271 = arith.select %gt3A_266, %broadcast_in_dim3A_269, %broadcast_in_dim3A_270 : vector<1024x1xi1>, vector<1024x1xi32>
        %reduce_max3A_272 = vector.shape_cast %select_n3A_271 : vector<1024x1xi32> to vector<1x1024x1xi32>
        %reduce_max3A_273 = arith.constant dense<-2147483648> : vector<1xi32>
        %reduce_max3A_274 = vector.multi_reduction <maxsi>, %reduce_max3A_272, %reduce_max3A_273 [1, 2] : vector<1x1024x1xi32> to vector<1xi32>
        %reduce_max3A_275 = vector.shape_cast %reduce_max3A_274 : vector<1xi32> to vector<1x1x1xi32>
        %reduce_max3A_276 = vector.extract %reduce_max3A_275[0, 0, 0] : i32 from vector<1x1x1xi32>
        %max3A_277 = arith.maxsi %max3A_259, %reduce_max3A_276 : i32
        %get3A_278 = arith.constant 0 : index
        %get3A_279 = arith.constant 1664 : index
        %get3A_280 = vector.load %arg6[%get3A_278, %get3A_279] : memref<1024x2048xf32, #tpu.memory_space<vmem>>, vector<1024x128xf32>
        %reduce_max3A_281 = arith.constant dense<0xFF800000> : vector<1024xf32>
        %reduce_max3A_282 = vector.multi_reduction <maximumf>, %get3A_280, %reduce_max3A_281 [1] : vector<1024x128xf32> to vector<1024xf32>
        %broadcast_in_dim3A_283 = vector.shape_cast %reduce_max3A_282 : vector<1024xf32> to vector<1024x1xf32>
        %gt3A_284 = arith.cmpf ogt, %broadcast_in_dim3A_283, %broadcast_in_dim3A_40 : vector<1024x1xf32>
        %jit3A_285 = arith.constant 1 : i32
        %jit3A_286 = arith.constant 0 : i32
        %broadcast_in_dim3A_287 = vector.broadcast %jit3A_285 : i32 to vector<1024x1xi32>
        %broadcast_in_dim3A_288 = vector.broadcast %jit3A_286 : i32 to vector<1024x1xi32>
        %select_n3A_289 = arith.select %gt3A_284, %broadcast_in_dim3A_287, %broadcast_in_dim3A_288 : vector<1024x1xi1>, vector<1024x1xi32>
        %reduce_max3A_290 = vector.shape_cast %select_n3A_289 : vector<1024x1xi32> to vector<1x1024x1xi32>
        %reduce_max3A_291 = arith.constant dense<-2147483648> : vector<1xi32>
        %reduce_max3A_292 = vector.multi_reduction <maxsi>, %reduce_max3A_290, %reduce_max3A_291 [1, 2] : vector<1x1024x1xi32> to vector<1xi32>
        %reduce_max3A_293 = vector.shape_cast %reduce_max3A_292 : vector<1xi32> to vector<1x1x1xi32>
        %reduce_max3A_294 = vector.extract %reduce_max3A_293[0, 0, 0] : i32 from vector<1x1x1xi32>
        %max3A_295 = arith.maxsi %max3A_277, %reduce_max3A_294 : i32
        %get3A_296 = arith.constant 0 : index
        %get3A_297 = arith.constant 1792 : index
        %get3A_298 = vector.load %arg6[%get3A_296, %get3A_297] : memref<1024x2048xf32, #tpu.memory_space<vmem>>, vector<1024x128xf32>
        %reduce_max3A_299 = arith.constant dense<0xFF800000> : vector<1024xf32>
        %reduce_max3A_300 = vector.multi_reduction <maximumf>, %get3A_298, %reduce_max3A_299 [1] : vector<1024x128xf32> to vector<1024xf32>
        %broadcast_in_dim3A_301 = vector.shape_cast %reduce_max3A_300 : vector<1024xf32> to vector<1024x1xf32>
        %gt3A_302 = arith.cmpf ogt, %broadcast_in_dim3A_301, %broadcast_in_dim3A_40 : vector<1024x1xf32>
        %jit3A_303 = arith.constant 1 : i32
        %jit3A_304 = arith.constant 0 : i32
        %broadcast_in_dim3A_305 = vector.broadcast %jit3A_303 : i32 to vector<1024x1xi32>
        %broadcast_in_dim3A_306 = vector.broadcast %jit3A_304 : i32 to vector<1024x1xi32>
        %select_n3A_307 = arith.select %gt3A_302, %broadcast_in_dim3A_305, %broadcast_in_dim3A_306 : vector<1024x1xi1>, vector<1024x1xi32>
        %reduce_max3A_308 = vector.shape_cast %select_n3A_307 : vector<1024x1xi32> to vector<1x1024x1xi32>
        %reduce_max3A_309 = arith.constant dense<-2147483648> : vector<1xi32>
        %reduce_max3A_310 = vector.multi_reduction <maxsi>, %reduce_max3A_308, %reduce_max3A_309 [1, 2] : vector<1x1024x1xi32> to vector<1xi32>
        %reduce_max3A_311 = vector.shape_cast %reduce_max3A_310 : vector<1xi32> to vector<1x1x1xi32>
        %reduce_max3A_312 = vector.extract %reduce_max3A_311[0, 0, 0] : i32 from vector<1x1x1xi32>
        %max3A_313 = arith.maxsi %max3A_295, %reduce_max3A_312 : i32
        %get3A_314 = arith.constant 0 : index
        %get3A_315 = arith.constant 1920 : index
        %get3A_316 = vector.load %arg6[%get3A_314, %get3A_315] : memref<1024x2048xf32, #tpu.memory_space<vmem>>, vector<1024x128xf32>
        %reduce_max3A_317 = arith.constant dense<0xFF800000> : vector<1024xf32>
        %reduce_max3A_318 = vector.multi_reduction <maximumf>, %get3A_316, %reduce_max3A_317 [1] : vector<1024x128xf32> to vector<1024xf32>
        %broadcast_in_dim3A_319 = vector.shape_cast %reduce_max3A_318 : vector<1024xf32> to vector<1024x1xf32>
        %gt3A_320 = arith.cmpf ogt, %broadcast_in_dim3A_319, %broadcast_in_dim3A_40 : vector<1024x1xf32>
        %jit3A_321 = arith.constant 1 : i32
        %jit3A_322 = arith.constant 0 : i32
        %broadcast_in_dim3A_323 = vector.broadcast %jit3A_321 : i32 to vector<1024x1xi32>
        %broadcast_in_dim3A_324 = vector.broadcast %jit3A_322 : i32 to vector<1024x1xi32>
        %select_n3A_325 = arith.select %gt3A_320, %broadcast_in_dim3A_323, %broadcast_in_dim3A_324 : vector<1024x1xi1>, vector<1024x1xi32>
        %reduce_max3A_326 = vector.shape_cast %select_n3A_325 : vector<1024x1xi32> to vector<1x1024x1xi32>
        %reduce_max3A_327 = arith.constant dense<-2147483648> : vector<1xi32>
        %reduce_max3A_328 = vector.multi_reduction <maxsi>, %reduce_max3A_326, %reduce_max3A_327 [1, 2] : vector<1x1024x1xi32> to vector<1xi32>
        %reduce_max3A_329 = vector.shape_cast %reduce_max3A_328 : vector<1xi32> to vector<1x1x1xi32>
        %reduce_max3A_330 = vector.extract %reduce_max3A_329[0, 0, 0] : i32 from vector<1x1x1xi32>
        %max3A_331 = arith.maxsi %max3A_313, %reduce_max3A_330 : i32
        %swap3A_332 = arith.constant 0 : index
        %swap3A_333 = memref.load %arg10[%swap3A_332] : memref<1xi32, #tpu.memory_space<smem>>
        memref.store %max3A_331, %arg10[%swap3A_332] : memref<1xi32, #tpu.memory_space<smem>>
        %gt3A_334 = arith.constant 0 : i32
        %gt3A_335 = arith.cmpi sgt, %reduce_max3A_60, %gt3A_334 : i32
        %convert_element_type3A_336 = arith.extui %gt3A_335 : i1 to i32
        %cond3A_337 = arith.constant 0 : i32
        %cond3A_338 = arith.cmpi ne, %convert_element_type3A_336, %cond3A_337 : i32
        scf.if %cond3A_338 {
          %get3A_414 = arith.constant 0 : index
          %get3A_415 = arith.constant 0 : index
          %get3A_416 = vector.load %arg6[%get3A_414, %get3A_415] : memref<1024x2048xf32, #tpu.memory_space<vmem>>, vector<1024x128xf32>
          %get3A_417 = arith.constant 0 : index
          %get3A_418 = arith.constant 0 : index
          %get3A_419 = vector.load %arg9[%get3A_417, %get3A_418] : memref<1024x128xf32, #tpu.memory_space<vmem>>, vector<1024x128xf32>
          %gt3A_420 = vector.broadcast %broadcast_in_dim3A_50 : vector<1024x1xf32> to vector<1024x128xf32>
          %gt3A_421 = arith.cmpf ogt, %gt3A_420, %get3A_419 : vector<1024x128xf32>
          %eq3A_422 = vector.broadcast %broadcast_in_dim3A_50 : vector<1024x1xf32> to vector<1024x128xf32>
          %eq3A_423 = arith.cmpf oeq, %get3A_416, %eq3A_422 : vector<1024x128xf32>
          %jit3A_424 = arith.constant 128 : i32
          %broadcast_in_dim3A_425 = vector.broadcast %jit3A_424 : i32 to vector<1024x128xi32>
          %select_n3A_426 = arith.select %eq3A_423, %iota3A, %broadcast_in_dim3A_425 : vector<1024x128xi1>, vector<1024x128xi32>
          %reduce_min3A_427 = arith.constant dense<2147483647> : vector<1024xi32>
          %reduce_min3A_428 = vector.multi_reduction <minsi>, %select_n3A_426, %reduce_min3A_427 [1] : vector<1024x128xi32> to vector<1024xi32>
          %broadcast_in_dim3A_429 = vector.shape_cast %reduce_min3A_428 : vector<1024xi32> to vector<1024x1xi32>
          %eq3A_430 = vector.broadcast %broadcast_in_dim3A_429 : vector<1024x1xi32> to vector<1024x128xi32>
          %eq3A_431 = arith.cmpi eq, %iota3A, %eq3A_430 : vector<1024x128xi32>
          %jit3A_432 = arith.constant -3.000000e+38 : f32
          %broadcast_in_dim3A_433 = vector.broadcast %jit3A_432 : f32 to vector<1024x128xf32>
          %select_n3A_434 = arith.select %eq3A_431, %broadcast_in_dim3A_433, %get3A_416 : vector<1024x128xi1>, vector<1024x128xf32>
          %swap3A_435 = arith.constant 0 : index
          %swap3A_436 = arith.constant 0 : index
          %swap3A_437 = vector.load %arg6[%swap3A_435, %swap3A_436] : memref<1024x2048xf32, #tpu.memory_space<vmem>>, vector<1024x128xf32>
          tpu.vector_store %arg6[%swap3A_435, %swap3A_436], %select_n3A_434 {strides = array<i32>} : memref<1024x2048xf32, #tpu.memory_space<vmem>>, vector<1024x128xf32>,
          %mul3A = arith.constant 2048 : i32
          %mul3A_438 = arith.muli %arg1, %mul3A : i32
          %add3A = arith.constant 0 : i32
          %add3A_439 = arith.addi %mul3A_438, %add3A : i32
          %add3A_440 = vector.broadcast %add3A_439 : i32 to vector<1024x1xi32>
          %add3A_441 = arith.addi %add3A_440, %broadcast_in_dim3A_429 : vector<1024x1xi32>
          %get3A_442 = arith.constant 0 : index
          %get3A_443 = arith.constant 0 : index
          %get3A_444 = vector.load %arg7[%get3A_442, %get3A_443] : memref<1024x128xf32, #tpu.memory_space<vmem>>, vector<1024x128xf32>
          %get3A_445 = arith.constant 0 : index
          %get3A_446 = arith.constant 0 : index
          %get3A_447 = vector.load %arg8[%get3A_445, %get3A_446] : memref<1024x128xi32, #tpu.memory_space<vmem>>, vector<1024x128xi32>
          %eq3A_448 = arith.cmpf oeq, %get3A_444, %get3A_419 : vector<1024x128xf32>
          %lt3A_449 = arith.constant 20 : i32
          %lt3A_450 = vector.broadcast %lt3A_449 : i32 to vector<1024x128xi32>
          %lt3A_451 = arith.cmpi slt, %iota3A, %lt3A_450 : vector<1024x128xi32>
          %and3A = arith.andi %eq3A_448, %lt3A_451 : vector<1024x128xi1>
          %jit3A_452 = arith.constant -1 : i32
          %broadcast_in_dim3A_453 = vector.broadcast %jit3A_452 : i32 to vector<1024x128xi32>
          %select_n3A_454 = arith.select %and3A, %get3A_447, %broadcast_in_dim3A_453 : vector<1024x128xi1>, vector<1024x128xi32>
          %reduce_max3A_455 = arith.constant dense<-2147483648> : vector<1024xi32>
          %reduce_max3A_456 = vector.multi_reduction <maxsi>, %select_n3A_454, %reduce_max3A_455 [1] : vector<1024x128xi32> to vector<1024xi32>
          %broadcast_in_dim3A_457 = vector.shape_cast %reduce_max3A_456 : vector<1024xi32> to vector<1024x1xi32>
          %eq3A_458 = vector.broadcast %broadcast_in_dim3A_457 : vector<1024x1xi32> to vector<1024x128xi32>
          %eq3A_459 = arith.cmpi eq, %get3A_447, %eq3A_458 : vector<1024x128xi32>
          %and3A_460 = arith.andi %and3A, %eq3A_459 : vector<1024x128xi1>
          %and3A_461 = arith.andi %and3A_460, %gt3A_421 : vector<1024x128xi1>
          %broadcast_in_dim3A_462 = vector.shape_cast %broadcast_in_dim3A_50 : vector<1024x1xf32> to vector<1024x1xf32>
          %broadcast_in_dim3A_463 = vector.broadcast %broadcast_in_dim3A_462 : vector<1024x1xf32> to vector<1024x128xf32>
          %select_n3A_464 = arith.select %and3A_461, %broadcast_in_dim3A_463, %get3A_444 : vector<1024x128xi1>, vector<1024x128xf32>
          %broadcast_in_dim3A_465 = vector.shape_cast %add3A_441 : vector<1024x1xi32> to vector<1024x1xi32>
          %broadcast_in_dim3A_466 = vector.broadcast %broadcast_in_dim3A_465 : vector<1024x1xi32> to vector<1024x128xi32>
          %select_n3A_467 = arith.select %and3A_461, %broadcast_in_dim3A_466, %get3A_447 : vector<1024x128xi1>, vector<1024x128xi32>
          %swap3A_468 = arith.constant 0 : index
          %swap3A_469 = arith.constant 0 : index
          %swap3A_470 = vector.load %arg7[%swap3A_468, %swap3A_469] : memref<1024x128xf32, #tpu.memory_space<vmem>>, vector<1024x128xf32>
          tpu.vector_store %arg7[%swap3A_468, %swap3A_469], %select_n3A_464 {strides = array<i32>} : memref<1024x128xf32, #tpu.memory_space<vmem>>, vector<1024x128xf32>,
          %swap3A_471 = arith.constant 0 : index
          %swap3A_472 = arith.constant 0 : index
          %swap3A_473 = vector.load %arg8[%swap3A_471, %swap3A_472] : memref<1024x128xi32, #tpu.memory_space<vmem>>, vector<1024x128xi32>
          tpu.vector_store %arg8[%swap3A_471, %swap3A_472], %select_n3A_467 {strides = array<i32>} : memref<1024x128xi32, #tpu.memory_space<vmem>>, vector<1024x128xi32>,
          %lt3A_474 = arith.constant 20 : i32
          %lt3A_475 = vector.broadcast %lt3A_474 : i32 to vector<1024x128xi32>
          %lt3A_476 = arith.cmpi slt, %iota3A, %lt3A_475 : vector<1024x128xi32>
          %jit3A_477 = arith.constant 3.000000e+38 : f32
          %broadcast_in_dim3A_478 = vector.broadcast %jit3A_477 : f32 to vector<1024x128xf32>
          %select_n3A_479 = arith.select %lt3A_476, %select_n3A_464, %broadcast_in_dim3A_478 : vector<1024x128xi1>, vector<1024x128xf32>
          %reduce_min3A_480 = arith.constant dense<0x7F800000> : vector<1024xf32>
          %reduce_min3A_481 = vector.multi_reduction <minimumf>, %select_n3A_479, %reduce_min3A_480 [1] : vector<1024x128xf32> to vector<1024xf32>
          %broadcast_in_dim3A_482 = vector.shape_cast %reduce_min3A_481 : vector<1024xf32> to vector<1024x1xf32>
          %broadcast_in_dim3A_483 = vector.shape_cast %broadcast_in_dim3A_482 : vector<1024x1xf32> to vector<1024x1xf32>
          %broadcast_in_dim3A_484 = vector.broadcast %broadcast_in_dim3A_483 : vector<1024x1xf32> to vector<1024x128xf32>
          %swap3A_485 = arith.constant 0 : index
          %swap3A_486 = arith.constant 0 : index
          %swap3A_487 = vector.load %arg9[%swap3A_485, %swap3A_486] : memref<1024x128xf32, #tpu.memory_space<vmem>>, vector<1024x128xf32>
          tpu.vector_store %arg9[%swap3A_485, %swap3A_486], %broadcast_in_dim3A_484 {strides = array<i32>} : memref<1024x128xf32, #tpu.memory_space<vmem>>, vector<1024x128xf32>,
        } else {
        }
        %gt3A_339 = arith.constant 0 : i32
        %gt3A_340 = arith.cmpi sgt, %reduce_max3A_78, %gt3A_339 : i32
        %convert_element_type3A_341 = arith.extui %gt3A_340 : i1 to i32
        %cond3A_342 = arith.constant 0 : i32
        %cond3A_343 = arith.cmpi ne, %convert_element_type3A_341, %cond3A_342 : i32
        scf.if %cond3A_343 {
          %get3A_414 = arith.constant 0 : index
          %get3A_415 = arith.constant 128 : index
          %get3A_416 = vector.load %arg6[%get3A_414, %get3A_415] : memref<1024x2048xf32, #tpu.memory_space<vmem>>, vector<1024x128xf32>
          %get3A_417 = arith.constant 0 : index
          %get3A_418 = arith.constant 0 : index
          %get3A_419 = vector.load %arg9[%get3A_417, %get3A_418] : memref<1024x128xf32, #tpu.memory_space<vmem>>, vector<1024x128xf32>
          %gt3A_420 = vector.broadcast %broadcast_in_dim3A_67 : vector<1024x1xf32> to vector<1024x128xf32>
          %gt3A_421 = arith.cmpf ogt, %gt3A_420, %get3A_419 : vector<1024x128xf32>
          %eq3A_422 = vector.broadcast %broadcast_in_dim3A_67 : vector<1024x1xf32> to vector<1024x128xf32>
          %eq3A_423 = arith.cmpf oeq, %get3A_416, %eq3A_422 : vector<1024x128xf32>
          %jit3A_424 = arith.constant 128 : i32
          %broadcast_in_dim3A_425 = vector.broadcast %jit3A_424 : i32 to vector<1024x128xi32>
          %select_n3A_426 = arith.select %eq3A_423, %iota3A, %broadcast_in_dim3A_425 : vector<1024x128xi1>, vector<1024x128xi32>
          %reduce_min3A_427 = arith.constant dense<2147483647> : vector<1024xi32>
          %reduce_min3A_428 = vector.multi_reduction <minsi>, %select_n3A_426, %reduce_min3A_427 [1] : vector<1024x128xi32> to vector<1024xi32>
          %broadcast_in_dim3A_429 = vector.shape_cast %reduce_min3A_428 : vector<1024xi32> to vector<1024x1xi32>
          %eq3A_430 = vector.broadcast %broadcast_in_dim3A_429 : vector<1024x1xi32> to vector<1024x128xi32>
          %eq3A_431 = arith.cmpi eq, %iota3A, %eq3A_430 : vector<1024x128xi32>
          %jit3A_432 = arith.constant -3.000000e+38 : f32
          %broadcast_in_dim3A_433 = vector.broadcast %jit3A_432 : f32 to vector<1024x128xf32>
          %select_n3A_434 = arith.select %eq3A_431, %broadcast_in_dim3A_433, %get3A_416 : vector<1024x128xi1>, vector<1024x128xf32>
          %swap3A_435 = arith.constant 0 : index
          %swap3A_436 = arith.constant 128 : index
          %swap3A_437 = vector.load %arg6[%swap3A_435, %swap3A_436] : memref<1024x2048xf32, #tpu.memory_space<vmem>>, vector<1024x128xf32>
          tpu.vector_store %arg6[%swap3A_435, %swap3A_436], %select_n3A_434 {strides = array<i32>} : memref<1024x2048xf32, #tpu.memory_space<vmem>>, vector<1024x128xf32>,
          %mul3A = arith.constant 2048 : i32
          %mul3A_438 = arith.muli %arg1, %mul3A : i32
          %add3A = arith.constant 128 : i32
          %add3A_439 = arith.addi %mul3A_438, %add3A : i32
          %add3A_440 = vector.broadcast %add3A_439 : i32 to vector<1024x1xi32>
          %add3A_441 = arith.addi %add3A_440, %broadcast_in_dim3A_429 : vector<1024x1xi32>
          %get3A_442 = arith.constant 0 : index
          %get3A_443 = arith.constant 0 : index
          %get3A_444 = vector.load %arg7[%get3A_442, %get3A_443] : memref<1024x128xf32, #tpu.memory_space<vmem>>, vector<1024x128xf32>
          %get3A_445 = arith.constant 0 : index
          %get3A_446 = arith.constant 0 : index
          %get3A_447 = vector.load %arg8[%get3A_445, %get3A_446] : memref<1024x128xi32, #tpu.memory_space<vmem>>, vector<1024x128xi32>
          %eq3A_448 = arith.cmpf oeq, %get3A_444, %get3A_419 : vector<1024x128xf32>
          %lt3A_449 = arith.constant 20 : i32
          %lt3A_450 = vector.broadcast %lt3A_449 : i32 to vector<1024x128xi32>
          %lt3A_451 = arith.cmpi slt, %iota3A, %lt3A_450 : vector<1024x128xi32>
          %and3A = arith.andi %eq3A_448, %lt3A_451 : vector<1024x128xi1>
          %jit3A_452 = arith.constant -1 : i32
          %broadcast_in_dim3A_453 = vector.broadcast %jit3A_452 : i32 to vector<1024x128xi32>
          %select_n3A_454 = arith.select %and3A, %get3A_447, %broadcast_in_dim3A_453 : vector<1024x128xi1>, vector<1024x128xi32>
          %reduce_max3A_455 = arith.constant dense<-2147483648> : vector<1024xi32>
          %reduce_max3A_456 = vector.multi_reduction <maxsi>, %select_n3A_454, %reduce_max3A_455 [1] : vector<1024x128xi32> to vector<1024xi32>
          %broadcast_in_dim3A_457 = vector.shape_cast %reduce_max3A_456 : vector<1024xi32> to vector<1024x1xi32>
          %eq3A_458 = vector.broadcast %broadcast_in_dim3A_457 : vector<1024x1xi32> to vector<1024x128xi32>
          %eq3A_459 = arith.cmpi eq, %get3A_447, %eq3A_458 : vector<1024x128xi32>
          %and3A_460 = arith.andi %and3A, %eq3A_459 : vector<1024x128xi1>
          %and3A_461 = arith.andi %and3A_460, %gt3A_421 : vector<1024x128xi1>
          %broadcast_in_dim3A_462 = vector.shape_cast %broadcast_in_dim3A_67 : vector<1024x1xf32> to vector<1024x1xf32>
          %broadcast_in_dim3A_463 = vector.broadcast %broadcast_in_dim3A_462 : vector<1024x1xf32> to vector<1024x128xf32>
          %select_n3A_464 = arith.select %and3A_461, %broadcast_in_dim3A_463, %get3A_444 : vector<1024x128xi1>, vector<1024x128xf32>
          %broadcast_in_dim3A_465 = vector.shape_cast %add3A_441 : vector<1024x1xi32> to vector<1024x1xi32>
          %broadcast_in_dim3A_466 = vector.broadcast %broadcast_in_dim3A_465 : vector<1024x1xi32> to vector<1024x128xi32>
          %select_n3A_467 = arith.select %and3A_461, %broadcast_in_dim3A_466, %get3A_447 : vector<1024x128xi1>, vector<1024x128xi32>
          %swap3A_468 = arith.constant 0 : index
          %swap3A_469 = arith.constant 0 : index
          %swap3A_470 = vector.load %arg7[%swap3A_468, %swap3A_469] : memref<1024x128xf32, #tpu.memory_space<vmem>>, vector<1024x128xf32>
          tpu.vector_store %arg7[%swap3A_468, %swap3A_469], %select_n3A_464 {strides = array<i32>} : memref<1024x128xf32, #tpu.memory_space<vmem>>, vector<1024x128xf32>,
          %swap3A_471 = arith.constant 0 : index
          %swap3A_472 = arith.constant 0 : index
          %swap3A_473 = vector.load %arg8[%swap3A_471, %swap3A_472] : memref<1024x128xi32, #tpu.memory_space<vmem>>, vector<1024x128xi32>
          tpu.vector_store %arg8[%swap3A_471, %swap3A_472], %select_n3A_467 {strides = array<i32>} : memref<1024x128xi32, #tpu.memory_space<vmem>>, vector<1024x128xi32>,
          %lt3A_474 = arith.constant 20 : i32
          %lt3A_475 = vector.broadcast %lt3A_474 : i32 to vector<1024x128xi32>
          %lt3A_476 = arith.cmpi slt, %iota3A, %lt3A_475 : vector<1024x128xi32>
          %jit3A_477 = arith.constant 3.000000e+38 : f32
          %broadcast_in_dim3A_478 = vector.broadcast %jit3A_477 : f32 to vector<1024x128xf32>
          %select_n3A_479 = arith.select %lt3A_476, %select_n3A_464, %broadcast_in_dim3A_478 : vector<1024x128xi1>, vector<1024x128xf32>
          %reduce_min3A_480 = arith.constant dense<0x7F800000> : vector<1024xf32>
          %reduce_min3A_481 = vector.multi_reduction <minimumf>, %select_n3A_479, %reduce_min3A_480 [1] : vector<1024x128xf32> to vector<1024xf32>
          %broadcast_in_dim3A_482 = vector.shape_cast %reduce_min3A_481 : vector<1024xf32> to vector<1024x1xf32>
          %broadcast_in_dim3A_483 = vector.shape_cast %broadcast_in_dim3A_482 : vector<1024x1xf32> to vector<1024x1xf32>
          %broadcast_in_dim3A_484 = vector.broadcast %broadcast_in_dim3A_483 : vector<1024x1xf32> to vector<1024x128xf32>
          %swap3A_485 = arith.constant 0 : index
          %swap3A_486 = arith.constant 0 : index
          %swap3A_487 = vector.load %arg9[%swap3A_485, %swap3A_486] : memref<1024x128xf32, #tpu.memory_space<vmem>>, vector<1024x128xf32>
          tpu.vector_store %arg9[%swap3A_485, %swap3A_486], %broadcast_in_dim3A_484 {strides = array<i32>} : memref<1024x128xf32, #tpu.memory_space<vmem>>, vector<1024x128xf32>,
        } else {
        }
        %gt3A_344 = arith.constant 0 : i32
        %gt3A_345 = arith.cmpi sgt, %reduce_max3A_96, %gt3A_344 : i32
        %convert_element_type3A_346 = arith.extui %gt3A_345 : i1 to i32
        %cond3A_347 = arith.constant 0 : i32
        %cond3A_348 = arith.cmpi ne, %convert_element_type3A_346, %cond3A_347 : i32
        scf.if %cond3A_348 {
          %get3A_414 = arith.constant 0 : index
          %get3A_415 = arith.constant 256 : index
          %get3A_416 = vector.load %arg6[%get3A_414, %get3A_415] : memref<1024x2048xf32, #tpu.memory_space<vmem>>, vector<1024x128xf32>
          %get3A_417 = arith.constant 0 : index
          %get3A_418 = arith.constant 0 : index
          %get3A_419 = vector.load %arg9[%get3A_417, %get3A_418] : memref<1024x128xf32, #tpu.memory_space<vmem>>, vector<1024x128xf32>
          %gt3A_420 = vector.broadcast %broadcast_in_dim3A_85 : vector<1024x1xf32> to vector<1024x128xf32>
          %gt3A_421 = arith.cmpf ogt, %gt3A_420, %get3A_419 : vector<1024x128xf32>
          %eq3A_422 = vector.broadcast %broadcast_in_dim3A_85 : vector<1024x1xf32> to vector<1024x128xf32>
          %eq3A_423 = arith.cmpf oeq, %get3A_416, %eq3A_422 : vector<1024x128xf32>
          %jit3A_424 = arith.constant 128 : i32
          %broadcast_in_dim3A_425 = vector.broadcast %jit3A_424 : i32 to vector<1024x128xi32>
          %select_n3A_426 = arith.select %eq3A_423, %iota3A, %broadcast_in_dim3A_425 : vector<1024x128xi1>, vector<1024x128xi32>
          %reduce_min3A_427 = arith.constant dense<2147483647> : vector<1024xi32>
          %reduce_min3A_428 = vector.multi_reduction <minsi>, %select_n3A_426, %reduce_min3A_427 [1] : vector<1024x128xi32> to vector<1024xi32>
          %broadcast_in_dim3A_429 = vector.shape_cast %reduce_min3A_428 : vector<1024xi32> to vector<1024x1xi32>
          %eq3A_430 = vector.broadcast %broadcast_in_dim3A_429 : vector<1024x1xi32> to vector<1024x128xi32>
          %eq3A_431 = arith.cmpi eq, %iota3A, %eq3A_430 : vector<1024x128xi32>
          %jit3A_432 = arith.constant -3.000000e+38 : f32
          %broadcast_in_dim3A_433 = vector.broadcast %jit3A_432 : f32 to vector<1024x128xf32>
          %select_n3A_434 = arith.select %eq3A_431, %broadcast_in_dim3A_433, %get3A_416 : vector<1024x128xi1>, vector<1024x128xf32>
          %swap3A_435 = arith.constant 0 : index
          %swap3A_436 = arith.constant 256 : index
          %swap3A_437 = vector.load %arg6[%swap3A_435, %swap3A_436] : memref<1024x2048xf32, #tpu.memory_space<vmem>>, vector<1024x128xf32>
          tpu.vector_store %arg6[%swap3A_435, %swap3A_436], %select_n3A_434 {strides = array<i32>} : memref<1024x2048xf32, #tpu.memory_space<vmem>>, vector<1024x128xf32>,
          %mul3A = arith.constant 2048 : i32
          %mul3A_438 = arith.muli %arg1, %mul3A : i32
          %add3A = arith.constant 256 : i32
          %add3A_439 = arith.addi %mul3A_438, %add3A : i32
          %add3A_440 = vector.broadcast %add3A_439 : i32 to vector<1024x1xi32>
          %add3A_441 = arith.addi %add3A_440, %broadcast_in_dim3A_429 : vector<1024x1xi32>
          %get3A_442 = arith.constant 0 : index
          %get3A_443 = arith.constant 0 : index
          %get3A_444 = vector.load %arg7[%get3A_442, %get3A_443] : memref<1024x128xf32, #tpu.memory_space<vmem>>, vector<1024x128xf32>
          %get3A_445 = arith.constant 0 : index
          %get3A_446 = arith.constant 0 : index
          %get3A_447 = vector.load %arg8[%get3A_445, %get3A_446] : memref<1024x128xi32, #tpu.memory_space<vmem>>, vector<1024x128xi32>
          %eq3A_448 = arith.cmpf oeq, %get3A_444, %get3A_419 : vector<1024x128xf32>
          %lt3A_449 = arith.constant 20 : i32
          %lt3A_450 = vector.broadcast %lt3A_449 : i32 to vector<1024x128xi32>
          %lt3A_451 = arith.cmpi slt, %iota3A, %lt3A_450 : vector<1024x128xi32>
          %and3A = arith.andi %eq3A_448, %lt3A_451 : vector<1024x128xi1>
          %jit3A_452 = arith.constant -1 : i32
          %broadcast_in_dim3A_453 = vector.broadcast %jit3A_452 : i32 to vector<1024x128xi32>
          %select_n3A_454 = arith.select %and3A, %get3A_447, %broadcast_in_dim3A_453 : vector<1024x128xi1>, vector<1024x128xi32>
          %reduce_max3A_455 = arith.constant dense<-2147483648> : vector<1024xi32>
          %reduce_max3A_456 = vector.multi_reduction <maxsi>, %select_n3A_454, %reduce_max3A_455 [1] : vector<1024x128xi32> to vector<1024xi32>
          %broadcast_in_dim3A_457 = vector.shape_cast %reduce_max3A_456 : vector<1024xi32> to vector<1024x1xi32>
          %eq3A_458 = vector.broadcast %broadcast_in_dim3A_457 : vector<1024x1xi32> to vector<1024x128xi32>
          %eq3A_459 = arith.cmpi eq, %get3A_447, %eq3A_458 : vector<1024x128xi32>
          %and3A_460 = arith.andi %and3A, %eq3A_459 : vector<1024x128xi1>
          %and3A_461 = arith.andi %and3A_460, %gt3A_421 : vector<1024x128xi1>
          %broadcast_in_dim3A_462 = vector.shape_cast %broadcast_in_dim3A_85 : vector<1024x1xf32> to vector<1024x1xf32>
          %broadcast_in_dim3A_463 = vector.broadcast %broadcast_in_dim3A_462 : vector<1024x1xf32> to vector<1024x128xf32>
          %select_n3A_464 = arith.select %and3A_461, %broadcast_in_dim3A_463, %get3A_444 : vector<1024x128xi1>, vector<1024x128xf32>
          %broadcast_in_dim3A_465 = vector.shape_cast %add3A_441 : vector<1024x1xi32> to vector<1024x1xi32>
          %broadcast_in_dim3A_466 = vector.broadcast %broadcast_in_dim3A_465 : vector<1024x1xi32> to vector<1024x128xi32>
          %select_n3A_467 = arith.select %and3A_461, %broadcast_in_dim3A_466, %get3A_447 : vector<1024x128xi1>, vector<1024x128xi32>
          %swap3A_468 = arith.constant 0 : index
          %swap3A_469 = arith.constant 0 : index
          %swap3A_470 = vector.load %arg7[%swap3A_468, %swap3A_469] : memref<1024x128xf32, #tpu.memory_space<vmem>>, vector<1024x128xf32>
          tpu.vector_store %arg7[%swap3A_468, %swap3A_469], %select_n3A_464 {strides = array<i32>} : memref<1024x128xf32, #tpu.memory_space<vmem>>, vector<1024x128xf32>,
          %swap3A_471 = arith.constant 0 : index
          %swap3A_472 = arith.constant 0 : index
          %swap3A_473 = vector.load %arg8[%swap3A_471, %swap3A_472] : memref<1024x128xi32, #tpu.memory_space<vmem>>, vector<1024x128xi32>
          tpu.vector_store %arg8[%swap3A_471, %swap3A_472], %select_n3A_467 {strides = array<i32>} : memref<1024x128xi32, #tpu.memory_space<vmem>>, vector<1024x128xi32>,
          %lt3A_474 = arith.constant 20 : i32
          %lt3A_475 = vector.broadcast %lt3A_474 : i32 to vector<1024x128xi32>
          %lt3A_476 = arith.cmpi slt, %iota3A, %lt3A_475 : vector<1024x128xi32>
          %jit3A_477 = arith.constant 3.000000e+38 : f32
          %broadcast_in_dim3A_478 = vector.broadcast %jit3A_477 : f32 to vector<1024x128xf32>
          %select_n3A_479 = arith.select %lt3A_476, %select_n3A_464, %broadcast_in_dim3A_478 : vector<1024x128xi1>, vector<1024x128xf32>
          %reduce_min3A_480 = arith.constant dense<0x7F800000> : vector<1024xf32>
          %reduce_min3A_481 = vector.multi_reduction <minimumf>, %select_n3A_479, %reduce_min3A_480 [1] : vector<1024x128xf32> to vector<1024xf32>
          %broadcast_in_dim3A_482 = vector.shape_cast %reduce_min3A_481 : vector<1024xf32> to vector<1024x1xf32>
          %broadcast_in_dim3A_483 = vector.shape_cast %broadcast_in_dim3A_482 : vector<1024x1xf32> to vector<1024x1xf32>
          %broadcast_in_dim3A_484 = vector.broadcast %broadcast_in_dim3A_483 : vector<1024x1xf32> to vector<1024x128xf32>
          %swap3A_485 = arith.constant 0 : index
          %swap3A_486 = arith.constant 0 : index
          %swap3A_487 = vector.load %arg9[%swap3A_485, %swap3A_486] : memref<1024x128xf32, #tpu.memory_space<vmem>>, vector<1024x128xf32>
          tpu.vector_store %arg9[%swap3A_485, %swap3A_486], %broadcast_in_dim3A_484 {strides = array<i32>} : memref<1024x128xf32, #tpu.memory_space<vmem>>, vector<1024x128xf32>,
        } else {
        }
        %gt3A_349 = arith.constant 0 : i32
        %gt3A_350 = arith.cmpi sgt, %reduce_max3A_114, %gt3A_349 : i32
        %convert_element_type3A_351 = arith.extui %gt3A_350 : i1 to i32
        %cond3A_352 = arith.constant 0 : i32
        %cond3A_353 = arith.cmpi ne, %convert_element_type3A_351, %cond3A_352 : i32
        scf.if %cond3A_353 {
          %get3A_414 = arith.constant 0 : index
          %get3A_415 = arith.constant 384 : index
          %get3A_416 = vector.load %arg6[%get3A_414, %get3A_415] : memref<1024x2048xf32, #tpu.memory_space<vmem>>, vector<1024x128xf32>
          %get3A_417 = arith.constant 0 : index
          %get3A_418 = arith.constant 0 : index
          %get3A_419 = vector.load %arg9[%get3A_417, %get3A_418] : memref<1024x128xf32, #tpu.memory_space<vmem>>, vector<1024x128xf32>
          %gt3A_420 = vector.broadcast %broadcast_in_dim3A_103 : vector<1024x1xf32> to vector<1024x128xf32>
          %gt3A_421 = arith.cmpf ogt, %gt3A_420, %get3A_419 : vector<1024x128xf32>
          %eq3A_422 = vector.broadcast %broadcast_in_dim3A_103 : vector<1024x1xf32> to vector<1024x128xf32>
          %eq3A_423 = arith.cmpf oeq, %get3A_416, %eq3A_422 : vector<1024x128xf32>
          %jit3A_424 = arith.constant 128 : i32
          %broadcast_in_dim3A_425 = vector.broadcast %jit3A_424 : i32 to vector<1024x128xi32>
          %select_n3A_426 = arith.select %eq3A_423, %iota3A, %broadcast_in_dim3A_425 : vector<1024x128xi1>, vector<1024x128xi32>
          %reduce_min3A_427 = arith.constant dense<2147483647> : vector<1024xi32>
          %reduce_min3A_428 = vector.multi_reduction <minsi>, %select_n3A_426, %reduce_min3A_427 [1] : vector<1024x128xi32> to vector<1024xi32>
          %broadcast_in_dim3A_429 = vector.shape_cast %reduce_min3A_428 : vector<1024xi32> to vector<1024x1xi32>
          %eq3A_430 = vector.broadcast %broadcast_in_dim3A_429 : vector<1024x1xi32> to vector<1024x128xi32>
          %eq3A_431 = arith.cmpi eq, %iota3A, %eq3A_430 : vector<1024x128xi32>
          %jit3A_432 = arith.constant -3.000000e+38 : f32
          %broadcast_in_dim3A_433 = vector.broadcast %jit3A_432 : f32 to vector<1024x128xf32>
          %select_n3A_434 = arith.select %eq3A_431, %broadcast_in_dim3A_433, %get3A_416 : vector<1024x128xi1>, vector<1024x128xf32>
          %swap3A_435 = arith.constant 0 : index
          %swap3A_436 = arith.constant 384 : index
          %swap3A_437 = vector.load %arg6[%swap3A_435, %swap3A_436] : memref<1024x2048xf32, #tpu.memory_space<vmem>>, vector<1024x128xf32>
          tpu.vector_store %arg6[%swap3A_435, %swap3A_436], %select_n3A_434 {strides = array<i32>} : memref<1024x2048xf32, #tpu.memory_space<vmem>>, vector<1024x128xf32>,
          %mul3A = arith.constant 2048 : i32
          %mul3A_438 = arith.muli %arg1, %mul3A : i32
          %add3A = arith.constant 384 : i32
          %add3A_439 = arith.addi %mul3A_438, %add3A : i32
          %add3A_440 = vector.broadcast %add3A_439 : i32 to vector<1024x1xi32>
          %add3A_441 = arith.addi %add3A_440, %broadcast_in_dim3A_429 : vector<1024x1xi32>
          %get3A_442 = arith.constant 0 : index
          %get3A_443 = arith.constant 0 : index
          %get3A_444 = vector.load %arg7[%get3A_442, %get3A_443] : memref<1024x128xf32, #tpu.memory_space<vmem>>, vector<1024x128xf32>
          %get3A_445 = arith.constant 0 : index
          %get3A_446 = arith.constant 0 : index
          %get3A_447 = vector.load %arg8[%get3A_445, %get3A_446] : memref<1024x128xi32, #tpu.memory_space<vmem>>, vector<1024x128xi32>
          %eq3A_448 = arith.cmpf oeq, %get3A_444, %get3A_419 : vector<1024x128xf32>
          %lt3A_449 = arith.constant 20 : i32
          %lt3A_450 = vector.broadcast %lt3A_449 : i32 to vector<1024x128xi32>
          %lt3A_451 = arith.cmpi slt, %iota3A, %lt3A_450 : vector<1024x128xi32>
          %and3A = arith.andi %eq3A_448, %lt3A_451 : vector<1024x128xi1>
          %jit3A_452 = arith.constant -1 : i32
          %broadcast_in_dim3A_453 = vector.broadcast %jit3A_452 : i32 to vector<1024x128xi32>
          %select_n3A_454 = arith.select %and3A, %get3A_447, %broadcast_in_dim3A_453 : vector<1024x128xi1>, vector<1024x128xi32>
          %reduce_max3A_455 = arith.constant dense<-2147483648> : vector<1024xi32>
          %reduce_max3A_456 = vector.multi_reduction <maxsi>, %select_n3A_454, %reduce_max3A_455 [1] : vector<1024x128xi32> to vector<1024xi32>
          %broadcast_in_dim3A_457 = vector.shape_cast %reduce_max3A_456 : vector<1024xi32> to vector<1024x1xi32>
          %eq3A_458 = vector.broadcast %broadcast_in_dim3A_457 : vector<1024x1xi32> to vector<1024x128xi32>
          %eq3A_459 = arith.cmpi eq, %get3A_447, %eq3A_458 : vector<1024x128xi32>
          %and3A_460 = arith.andi %and3A, %eq3A_459 : vector<1024x128xi1>
          %and3A_461 = arith.andi %and3A_460, %gt3A_421 : vector<1024x128xi1>
          %broadcast_in_dim3A_462 = vector.shape_cast %broadcast_in_dim3A_103 : vector<1024x1xf32> to vector<1024x1xf32>
          %broadcast_in_dim3A_463 = vector.broadcast %broadcast_in_dim3A_462 : vector<1024x1xf32> to vector<1024x128xf32>
          %select_n3A_464 = arith.select %and3A_461, %broadcast_in_dim3A_463, %get3A_444 : vector<1024x128xi1>, vector<1024x128xf32>
          %broadcast_in_dim3A_465 = vector.shape_cast %add3A_441 : vector<1024x1xi32> to vector<1024x1xi32>
          %broadcast_in_dim3A_466 = vector.broadcast %broadcast_in_dim3A_465 : vector<1024x1xi32> to vector<1024x128xi32>
          %select_n3A_467 = arith.select %and3A_461, %broadcast_in_dim3A_466, %get3A_447 : vector<1024x128xi1>, vector<1024x128xi32>
          %swap3A_468 = arith.constant 0 : index
          %swap3A_469 = arith.constant 0 : index
          %swap3A_470 = vector.load %arg7[%swap3A_468, %swap3A_469] : memref<1024x128xf32, #tpu.memory_space<vmem>>, vector<1024x128xf32>
          tpu.vector_store %arg7[%swap3A_468, %swap3A_469], %select_n3A_464 {strides = array<i32>} : memref<1024x128xf32, #tpu.memory_space<vmem>>, vector<1024x128xf32>,
          %swap3A_471 = arith.constant 0 : index
          %swap3A_472 = arith.constant 0 : index
          %swap3A_473 = vector.load %arg8[%swap3A_471, %swap3A_472] : memref<1024x128xi32, #tpu.memory_space<vmem>>, vector<1024x128xi32>
          tpu.vector_store %arg8[%swap3A_471, %swap3A_472], %select_n3A_467 {strides = array<i32>} : memref<1024x128xi32, #tpu.memory_space<vmem>>, vector<1024x128xi32>,
          %lt3A_474 = arith.constant 20 : i32
          %lt3A_475 = vector.broadcast %lt3A_474 : i32 to vector<1024x128xi32>
          %lt3A_476 = arith.cmpi slt, %iota3A, %lt3A_475 : vector<1024x128xi32>
          %jit3A_477 = arith.constant 3.000000e+38 : f32
          %broadcast_in_dim3A_478 = vector.broadcast %jit3A_477 : f32 to vector<1024x128xf32>
          %select_n3A_479 = arith.select %lt3A_476, %select_n3A_464, %broadcast_in_dim3A_478 : vector<1024x128xi1>, vector<1024x128xf32>
          %reduce_min3A_480 = arith.constant dense<0x7F800000> : vector<1024xf32>
          %reduce_min3A_481 = vector.multi_reduction <minimumf>, %select_n3A_479, %reduce_min3A_480 [1] : vector<1024x128xf32> to vector<1024xf32>
          %broadcast_in_dim3A_482 = vector.shape_cast %reduce_min3A_481 : vector<1024xf32> to vector<1024x1xf32>
          %broadcast_in_dim3A_483 = vector.shape_cast %broadcast_in_dim3A_482 : vector<1024x1xf32> to vector<1024x1xf32>
          %broadcast_in_dim3A_484 = vector.broadcast %broadcast_in_dim3A_483 : vector<1024x1xf32> to vector<1024x128xf32>
          %swap3A_485 = arith.constant 0 : index
          %swap3A_486 = arith.constant 0 : index
          %swap3A_487 = vector.load %arg9[%swap3A_485, %swap3A_486] : memref<1024x128xf32, #tpu.memory_space<vmem>>, vector<1024x128xf32>
          tpu.vector_store %arg9[%swap3A_485, %swap3A_486], %broadcast_in_dim3A_484 {strides = array<i32>} : memref<1024x128xf32, #tpu.memory_space<vmem>>, vector<1024x128xf32>,
        } else {
        }
        %gt3A_354 = arith.constant 0 : i32
        %gt3A_355 = arith.cmpi sgt, %reduce_max3A_132, %gt3A_354 : i32
        %convert_element_type3A_356 = arith.extui %gt3A_355 : i1 to i32
        %cond3A_357 = arith.constant 0 : i32
        %cond3A_358 = arith.cmpi ne, %convert_element_type3A_356, %cond3A_357 : i32
        scf.if %cond3A_358 {
          %get3A_414 = arith.constant 0 : index
          %get3A_415 = arith.constant 512 : index
          %get3A_416 = vector.load %arg6[%get3A_414, %get3A_415] : memref<1024x2048xf32, #tpu.memory_space<vmem>>, vector<1024x128xf32>
          %get3A_417 = arith.constant 0 : index
          %get3A_418 = arith.constant 0 : index
          %get3A_419 = vector.load %arg9[%get3A_417, %get3A_418] : memref<1024x128xf32, #tpu.memory_space<vmem>>, vector<1024x128xf32>
          %gt3A_420 = vector.broadcast %broadcast_in_dim3A_121 : vector<1024x1xf32> to vector<1024x128xf32>
          %gt3A_421 = arith.cmpf ogt, %gt3A_420, %get3A_419 : vector<1024x128xf32>
          %eq3A_422 = vector.broadcast %broadcast_in_dim3A_121 : vector<1024x1xf32> to vector<1024x128xf32>
          %eq3A_423 = arith.cmpf oeq, %get3A_416, %eq3A_422 : vector<1024x128xf32>
          %jit3A_424 = arith.constant 128 : i32
          %broadcast_in_dim3A_425 = vector.broadcast %jit3A_424 : i32 to vector<1024x128xi32>
          %select_n3A_426 = arith.select %eq3A_423, %iota3A, %broadcast_in_dim3A_425 : vector<1024x128xi1>, vector<1024x128xi32>
          %reduce_min3A_427 = arith.constant dense<2147483647> : vector<1024xi32>
          %reduce_min3A_428 = vector.multi_reduction <minsi>, %select_n3A_426, %reduce_min3A_427 [1] : vector<1024x128xi32> to vector<1024xi32>
          %broadcast_in_dim3A_429 = vector.shape_cast %reduce_min3A_428 : vector<1024xi32> to vector<1024x1xi32>
          %eq3A_430 = vector.broadcast %broadcast_in_dim3A_429 : vector<1024x1xi32> to vector<1024x128xi32>
          %eq3A_431 = arith.cmpi eq, %iota3A, %eq3A_430 : vector<1024x128xi32>
          %jit3A_432 = arith.constant -3.000000e+38 : f32
          %broadcast_in_dim3A_433 = vector.broadcast %jit3A_432 : f32 to vector<1024x128xf32>
          %select_n3A_434 = arith.select %eq3A_431, %broadcast_in_dim3A_433, %get3A_416 : vector<1024x128xi1>, vector<1024x128xf32>
          %swap3A_435 = arith.constant 0 : index
          %swap3A_436 = arith.constant 512 : index
          %swap3A_437 = vector.load %arg6[%swap3A_435, %swap3A_436] : memref<1024x2048xf32, #tpu.memory_space<vmem>>, vector<1024x128xf32>
          tpu.vector_store %arg6[%swap3A_435, %swap3A_436], %select_n3A_434 {strides = array<i32>} : memref<1024x2048xf32, #tpu.memory_space<vmem>>, vector<1024x128xf32>,
          %mul3A = arith.constant 2048 : i32
          %mul3A_438 = arith.muli %arg1, %mul3A : i32
          %add3A = arith.constant 512 : i32
          %add3A_439 = arith.addi %mul3A_438, %add3A : i32
          %add3A_440 = vector.broadcast %add3A_439 : i32 to vector<1024x1xi32>
          %add3A_441 = arith.addi %add3A_440, %broadcast_in_dim3A_429 : vector<1024x1xi32>
          %get3A_442 = arith.constant 0 : index
          %get3A_443 = arith.constant 0 : index
          %get3A_444 = vector.load %arg7[%get3A_442, %get3A_443] : memref<1024x128xf32, #tpu.memory_space<vmem>>, vector<1024x128xf32>
          %get3A_445 = arith.constant 0 : index
          %get3A_446 = arith.constant 0 : index
          %get3A_447 = vector.load %arg8[%get3A_445, %get3A_446] : memref<1024x128xi32, #tpu.memory_space<vmem>>, vector<1024x128xi32>
          %eq3A_448 = arith.cmpf oeq, %get3A_444, %get3A_419 : vector<1024x128xf32>
          %lt3A_449 = arith.constant 20 : i32
          %lt3A_450 = vector.broadcast %lt3A_449 : i32 to vector<1024x128xi32>
          %lt3A_451 = arith.cmpi slt, %iota3A, %lt3A_450 : vector<1024x128xi32>
          %and3A = arith.andi %eq3A_448, %lt3A_451 : vector<1024x128xi1>
          %jit3A_452 = arith.constant -1 : i32
          %broadcast_in_dim3A_453 = vector.broadcast %jit3A_452 : i32 to vector<1024x128xi32>
          %select_n3A_454 = arith.select %and3A, %get3A_447, %broadcast_in_dim3A_453 : vector<1024x128xi1>, vector<1024x128xi32>
          %reduce_max3A_455 = arith.constant dense<-2147483648> : vector<1024xi32>
          %reduce_max3A_456 = vector.multi_reduction <maxsi>, %select_n3A_454, %reduce_max3A_455 [1] : vector<1024x128xi32> to vector<1024xi32>
          %broadcast_in_dim3A_457 = vector.shape_cast %reduce_max3A_456 : vector<1024xi32> to vector<1024x1xi32>
          %eq3A_458 = vector.broadcast %broadcast_in_dim3A_457 : vector<1024x1xi32> to vector<1024x128xi32>
          %eq3A_459 = arith.cmpi eq, %get3A_447, %eq3A_458 : vector<1024x128xi32>
          %and3A_460 = arith.andi %and3A, %eq3A_459 : vector<1024x128xi1>
          %and3A_461 = arith.andi %and3A_460, %gt3A_421 : vector<1024x128xi1>
          %broadcast_in_dim3A_462 = vector.shape_cast %broadcast_in_dim3A_121 : vector<1024x1xf32> to vector<1024x1xf32>
          %broadcast_in_dim3A_463 = vector.broadcast %broadcast_in_dim3A_462 : vector<1024x1xf32> to vector<1024x128xf32>
          %select_n3A_464 = arith.select %and3A_461, %broadcast_in_dim3A_463, %get3A_444 : vector<1024x128xi1>, vector<1024x128xf32>
          %broadcast_in_dim3A_465 = vector.shape_cast %add3A_441 : vector<1024x1xi32> to vector<1024x1xi32>
          %broadcast_in_dim3A_466 = vector.broadcast %broadcast_in_dim3A_465 : vector<1024x1xi32> to vector<1024x128xi32>
          %select_n3A_467 = arith.select %and3A_461, %broadcast_in_dim3A_466, %get3A_447 : vector<1024x128xi1>, vector<1024x128xi32>
          %swap3A_468 = arith.constant 0 : index
          %swap3A_469 = arith.constant 0 : index
          %swap3A_470 = vector.load %arg7[%swap3A_468, %swap3A_469] : memref<1024x128xf32, #tpu.memory_space<vmem>>, vector<1024x128xf32>
          tpu.vector_store %arg7[%swap3A_468, %swap3A_469], %select_n3A_464 {strides = array<i32>} : memref<1024x128xf32, #tpu.memory_space<vmem>>, vector<1024x128xf32>,
          %swap3A_471 = arith.constant 0 : index
          %swap3A_472 = arith.constant 0 : index
          %swap3A_473 = vector.load %arg8[%swap3A_471, %swap3A_472] : memref<1024x128xi32, #tpu.memory_space<vmem>>, vector<1024x128xi32>
          tpu.vector_store %arg8[%swap3A_471, %swap3A_472], %select_n3A_467 {strides = array<i32>} : memref<1024x128xi32, #tpu.memory_space<vmem>>, vector<1024x128xi32>,
          %lt3A_474 = arith.constant 20 : i32
          %lt3A_475 = vector.broadcast %lt3A_474 : i32 to vector<1024x128xi32>
          %lt3A_476 = arith.cmpi slt, %iota3A, %lt3A_475 : vector<1024x128xi32>
          %jit3A_477 = arith.constant 3.000000e+38 : f32
          %broadcast_in_dim3A_478 = vector.broadcast %jit3A_477 : f32 to vector<1024x128xf32>
          %select_n3A_479 = arith.select %lt3A_476, %select_n3A_464, %broadcast_in_dim3A_478 : vector<1024x128xi1>, vector<1024x128xf32>
          %reduce_min3A_480 = arith.constant dense<0x7F800000> : vector<1024xf32>
          %reduce_min3A_481 = vector.multi_reduction <minimumf>, %select_n3A_479, %reduce_min3A_480 [1] : vector<1024x128xf32> to vector<1024xf32>
          %broadcast_in_dim3A_482 = vector.shape_cast %reduce_min3A_481 : vector<1024xf32> to vector<1024x1xf32>
          %broadcast_in_dim3A_483 = vector.shape_cast %broadcast_in_dim3A_482 : vector<1024x1xf32> to vector<1024x1xf32>
          %broadcast_in_dim3A_484 = vector.broadcast %broadcast_in_dim3A_483 : vector<1024x1xf32> to vector<1024x128xf32>
          %swap3A_485 = arith.constant 0 : index
          %swap3A_486 = arith.constant 0 : index
          %swap3A_487 = vector.load %arg9[%swap3A_485, %swap3A_486] : memref<1024x128xf32, #tpu.memory_space<vmem>>, vector<1024x128xf32>
          tpu.vector_store %arg9[%swap3A_485, %swap3A_486], %broadcast_in_dim3A_484 {strides = array<i32>} : memref<1024x128xf32, #tpu.memory_space<vmem>>, vector<1024x128xf32>,
        } else {
        }
        %gt3A_359 = arith.constant 0 : i32
        %gt3A_360 = arith.cmpi sgt, %reduce_max3A_150, %gt3A_359 : i32
        %convert_element_type3A_361 = arith.extui %gt3A_360 : i1 to i32
        %cond3A_362 = arith.constant 0 : i32
        %cond3A_363 = arith.cmpi ne, %convert_element_type3A_361, %cond3A_362 : i32
        scf.if %cond3A_363 {
          %get3A_414 = arith.constant 0 : index
          %get3A_415 = arith.constant 640 : index
          %get3A_416 = vector.load %arg6[%get3A_414, %get3A_415] : memref<1024x2048xf32, #tpu.memory_space<vmem>>, vector<1024x128xf32>
          %get3A_417 = arith.constant 0 : index
          %get3A_418 = arith.constant 0 : index
          %get3A_419 = vector.load %arg9[%get3A_417, %get3A_418] : memref<1024x128xf32, #tpu.memory_space<vmem>>, vector<1024x128xf32>
          %gt3A_420 = vector.broadcast %broadcast_in_dim3A_139 : vector<1024x1xf32> to vector<1024x128xf32>
          %gt3A_421 = arith.cmpf ogt, %gt3A_420, %get3A_419 : vector<1024x128xf32>
          %eq3A_422 = vector.broadcast %broadcast_in_dim3A_139 : vector<1024x1xf32> to vector<1024x128xf32>
          %eq3A_423 = arith.cmpf oeq, %get3A_416, %eq3A_422 : vector<1024x128xf32>
          %jit3A_424 = arith.constant 128 : i32
          %broadcast_in_dim3A_425 = vector.broadcast %jit3A_424 : i32 to vector<1024x128xi32>
          %select_n3A_426 = arith.select %eq3A_423, %iota3A, %broadcast_in_dim3A_425 : vector<1024x128xi1>, vector<1024x128xi32>
          %reduce_min3A_427 = arith.constant dense<2147483647> : vector<1024xi32>
          %reduce_min3A_428 = vector.multi_reduction <minsi>, %select_n3A_426, %reduce_min3A_427 [1] : vector<1024x128xi32> to vector<1024xi32>
          %broadcast_in_dim3A_429 = vector.shape_cast %reduce_min3A_428 : vector<1024xi32> to vector<1024x1xi32>
          %eq3A_430 = vector.broadcast %broadcast_in_dim3A_429 : vector<1024x1xi32> to vector<1024x128xi32>
          %eq3A_431 = arith.cmpi eq, %iota3A, %eq3A_430 : vector<1024x128xi32>
          %jit3A_432 = arith.constant -3.000000e+38 : f32
          %broadcast_in_dim3A_433 = vector.broadcast %jit3A_432 : f32 to vector<1024x128xf32>
          %select_n3A_434 = arith.select %eq3A_431, %broadcast_in_dim3A_433, %get3A_416 : vector<1024x128xi1>, vector<1024x128xf32>
          %swap3A_435 = arith.constant 0 : index
          %swap3A_436 = arith.constant 640 : index
          %swap3A_437 = vector.load %arg6[%swap3A_435, %swap3A_436] : memref<1024x2048xf32, #tpu.memory_space<vmem>>, vector<1024x128xf32>
          tpu.vector_store %arg6[%swap3A_435, %swap3A_436], %select_n3A_434 {strides = array<i32>} : memref<1024x2048xf32, #tpu.memory_space<vmem>>, vector<1024x128xf32>,
          %mul3A = arith.constant 2048 : i32
          %mul3A_438 = arith.muli %arg1, %mul3A : i32
          %add3A = arith.constant 640 : i32
          %add3A_439 = arith.addi %mul3A_438, %add3A : i32
          %add3A_440 = vector.broadcast %add3A_439 : i32 to vector<1024x1xi32>
          %add3A_441 = arith.addi %add3A_440, %broadcast_in_dim3A_429 : vector<1024x1xi32>
          %get3A_442 = arith.constant 0 : index
          %get3A_443 = arith.constant 0 : index
          %get3A_444 = vector.load %arg7[%get3A_442, %get3A_443] : memref<1024x128xf32, #tpu.memory_space<vmem>>, vector<1024x128xf32>
          %get3A_445 = arith.constant 0 : index
          %get3A_446 = arith.constant 0 : index
          %get3A_447 = vector.load %arg8[%get3A_445, %get3A_446] : memref<1024x128xi32, #tpu.memory_space<vmem>>, vector<1024x128xi32>
          %eq3A_448 = arith.cmpf oeq, %get3A_444, %get3A_419 : vector<1024x128xf32>
          %lt3A_449 = arith.constant 20 : i32
          %lt3A_450 = vector.broadcast %lt3A_449 : i32 to vector<1024x128xi32>
          %lt3A_451 = arith.cmpi slt, %iota3A, %lt3A_450 : vector<1024x128xi32>
          %and3A = arith.andi %eq3A_448, %lt3A_451 : vector<1024x128xi1>
          %jit3A_452 = arith.constant -1 : i32
          %broadcast_in_dim3A_453 = vector.broadcast %jit3A_452 : i32 to vector<1024x128xi32>
          %select_n3A_454 = arith.select %and3A, %get3A_447, %broadcast_in_dim3A_453 : vector<1024x128xi1>, vector<1024x128xi32>
          %reduce_max3A_455 = arith.constant dense<-2147483648> : vector<1024xi32>
          %reduce_max3A_456 = vector.multi_reduction <maxsi>, %select_n3A_454, %reduce_max3A_455 [1] : vector<1024x128xi32> to vector<1024xi32>
          %broadcast_in_dim3A_457 = vector.shape_cast %reduce_max3A_456 : vector<1024xi32> to vector<1024x1xi32>
          %eq3A_458 = vector.broadcast %broadcast_in_dim3A_457 : vector<1024x1xi32> to vector<1024x128xi32>
          %eq3A_459 = arith.cmpi eq, %get3A_447, %eq3A_458 : vector<1024x128xi32>
          %and3A_460 = arith.andi %and3A, %eq3A_459 : vector<1024x128xi1>
          %and3A_461 = arith.andi %and3A_460, %gt3A_421 : vector<1024x128xi1>
          %broadcast_in_dim3A_462 = vector.shape_cast %broadcast_in_dim3A_139 : vector<1024x1xf32> to vector<1024x1xf32>
          %broadcast_in_dim3A_463 = vector.broadcast %broadcast_in_dim3A_462 : vector<1024x1xf32> to vector<1024x128xf32>
          %select_n3A_464 = arith.select %and3A_461, %broadcast_in_dim3A_463, %get3A_444 : vector<1024x128xi1>, vector<1024x128xf32>
          %broadcast_in_dim3A_465 = vector.shape_cast %add3A_441 : vector<1024x1xi32> to vector<1024x1xi32>
          %broadcast_in_dim3A_466 = vector.broadcast %broadcast_in_dim3A_465 : vector<1024x1xi32> to vector<1024x128xi32>
          %select_n3A_467 = arith.select %and3A_461, %broadcast_in_dim3A_466, %get3A_447 : vector<1024x128xi1>, vector<1024x128xi32>
          %swap3A_468 = arith.constant 0 : index
          %swap3A_469 = arith.constant 0 : index
          %swap3A_470 = vector.load %arg7[%swap3A_468, %swap3A_469] : memref<1024x128xf32, #tpu.memory_space<vmem>>, vector<1024x128xf32>
          tpu.vector_store %arg7[%swap3A_468, %swap3A_469], %select_n3A_464 {strides = array<i32>} : memref<1024x128xf32, #tpu.memory_space<vmem>>, vector<1024x128xf32>,
          %swap3A_471 = arith.constant 0 : index
          %swap3A_472 = arith.constant 0 : index
          %swap3A_473 = vector.load %arg8[%swap3A_471, %swap3A_472] : memref<1024x128xi32, #tpu.memory_space<vmem>>, vector<1024x128xi32>
          tpu.vector_store %arg8[%swap3A_471, %swap3A_472], %select_n3A_467 {strides = array<i32>} : memref<1024x128xi32, #tpu.memory_space<vmem>>, vector<1024x128xi32>,
          %lt3A_474 = arith.constant 20 : i32
          %lt3A_475 = vector.broadcast %lt3A_474 : i32 to vector<1024x128xi32>
          %lt3A_476 = arith.cmpi slt, %iota3A, %lt3A_475 : vector<1024x128xi32>
          %jit3A_477 = arith.constant 3.000000e+38 : f32
          %broadcast_in_dim3A_478 = vector.broadcast %jit3A_477 : f32 to vector<1024x128xf32>
          %select_n3A_479 = arith.select %lt3A_476, %select_n3A_464, %broadcast_in_dim3A_478 : vector<1024x128xi1>, vector<1024x128xf32>
          %reduce_min3A_480 = arith.constant dense<0x7F800000> : vector<1024xf32>
          %reduce_min3A_481 = vector.multi_reduction <minimumf>, %select_n3A_479, %reduce_min3A_480 [1] : vector<1024x128xf32> to vector<1024xf32>
          %broadcast_in_dim3A_482 = vector.shape_cast %reduce_min3A_481 : vector<1024xf32> to vector<1024x1xf32>
          %broadcast_in_dim3A_483 = vector.shape_cast %broadcast_in_dim3A_482 : vector<1024x1xf32> to vector<1024x1xf32>
          %broadcast_in_dim3A_484 = vector.broadcast %broadcast_in_dim3A_483 : vector<1024x1xf32> to vector<1024x128xf32>
          %swap3A_485 = arith.constant 0 : index
          %swap3A_486 = arith.constant 0 : index
          %swap3A_487 = vector.load %arg9[%swap3A_485, %swap3A_486] : memref<1024x128xf32, #tpu.memory_space<vmem>>, vector<1024x128xf32>
          tpu.vector_store %arg9[%swap3A_485, %swap3A_486], %broadcast_in_dim3A_484 {strides = array<i32>} : memref<1024x128xf32, #tpu.memory_space<vmem>>, vector<1024x128xf32>,
        } else {
        }
        %gt3A_364 = arith.constant 0 : i32
        %gt3A_365 = arith.cmpi sgt, %reduce_max3A_168, %gt3A_364 : i32
        %convert_element_type3A_366 = arith.extui %gt3A_365 : i1 to i32
        %cond3A_367 = arith.constant 0 : i32
        %cond3A_368 = arith.cmpi ne, %convert_element_type3A_366, %cond3A_367 : i32
        scf.if %cond3A_368 {
          %get3A_414 = arith.constant 0 : index
          %get3A_415 = arith.constant 768 : index
          %get3A_416 = vector.load %arg6[%get3A_414, %get3A_415] : memref<1024x2048xf32, #tpu.memory_space<vmem>>, vector<1024x128xf32>
          %get3A_417 = arith.constant 0 : index
          %get3A_418 = arith.constant 0 : index
          %get3A_419 = vector.load %arg9[%get3A_417, %get3A_418] : memref<1024x128xf32, #tpu.memory_space<vmem>>, vector<1024x128xf32>
          %gt3A_420 = vector.broadcast %broadcast_in_dim3A_157 : vector<1024x1xf32> to vector<1024x128xf32>
          %gt3A_421 = arith.cmpf ogt, %gt3A_420, %get3A_419 : vector<1024x128xf32>
          %eq3A_422 = vector.broadcast %broadcast_in_dim3A_157 : vector<1024x1xf32> to vector<1024x128xf32>
          %eq3A_423 = arith.cmpf oeq, %get3A_416, %eq3A_422 : vector<1024x128xf32>
          %jit3A_424 = arith.constant 128 : i32
          %broadcast_in_dim3A_425 = vector.broadcast %jit3A_424 : i32 to vector<1024x128xi32>
          %select_n3A_426 = arith.select %eq3A_423, %iota3A, %broadcast_in_dim3A_425 : vector<1024x128xi1>, vector<1024x128xi32>
          %reduce_min3A_427 = arith.constant dense<2147483647> : vector<1024xi32>
          %reduce_min3A_428 = vector.multi_reduction <minsi>, %select_n3A_426, %reduce_min3A_427 [1] : vector<1024x128xi32> to vector<1024xi32>
          %broadcast_in_dim3A_429 = vector.shape_cast %reduce_min3A_428 : vector<1024xi32> to vector<1024x1xi32>
          %eq3A_430 = vector.broadcast %broadcast_in_dim3A_429 : vector<1024x1xi32> to vector<1024x128xi32>
          %eq3A_431 = arith.cmpi eq, %iota3A, %eq3A_430 : vector<1024x128xi32>
          %jit3A_432 = arith.constant -3.000000e+38 : f32
          %broadcast_in_dim3A_433 = vector.broadcast %jit3A_432 : f32 to vector<1024x128xf32>
          %select_n3A_434 = arith.select %eq3A_431, %broadcast_in_dim3A_433, %get3A_416 : vector<1024x128xi1>, vector<1024x128xf32>
          %swap3A_435 = arith.constant 0 : index
          %swap3A_436 = arith.constant 768 : index
          %swap3A_437 = vector.load %arg6[%swap3A_435, %swap3A_436] : memref<1024x2048xf32, #tpu.memory_space<vmem>>, vector<1024x128xf32>
          tpu.vector_store %arg6[%swap3A_435, %swap3A_436], %select_n3A_434 {strides = array<i32>} : memref<1024x2048xf32, #tpu.memory_space<vmem>>, vector<1024x128xf32>,
          %mul3A = arith.constant 2048 : i32
          %mul3A_438 = arith.muli %arg1, %mul3A : i32
          %add3A = arith.constant 768 : i32
          %add3A_439 = arith.addi %mul3A_438, %add3A : i32
          %add3A_440 = vector.broadcast %add3A_439 : i32 to vector<1024x1xi32>
          %add3A_441 = arith.addi %add3A_440, %broadcast_in_dim3A_429 : vector<1024x1xi32>
          %get3A_442 = arith.constant 0 : index
          %get3A_443 = arith.constant 0 : index
          %get3A_444 = vector.load %arg7[%get3A_442, %get3A_443] : memref<1024x128xf32, #tpu.memory_space<vmem>>, vector<1024x128xf32>
          %get3A_445 = arith.constant 0 : index
          %get3A_446 = arith.constant 0 : index
          %get3A_447 = vector.load %arg8[%get3A_445, %get3A_446] : memref<1024x128xi32, #tpu.memory_space<vmem>>, vector<1024x128xi32>
          %eq3A_448 = arith.cmpf oeq, %get3A_444, %get3A_419 : vector<1024x128xf32>
          %lt3A_449 = arith.constant 20 : i32
          %lt3A_450 = vector.broadcast %lt3A_449 : i32 to vector<1024x128xi32>
          %lt3A_451 = arith.cmpi slt, %iota3A, %lt3A_450 : vector<1024x128xi32>
          %and3A = arith.andi %eq3A_448, %lt3A_451 : vector<1024x128xi1>
          %jit3A_452 = arith.constant -1 : i32
          %broadcast_in_dim3A_453 = vector.broadcast %jit3A_452 : i32 to vector<1024x128xi32>
          %select_n3A_454 = arith.select %and3A, %get3A_447, %broadcast_in_dim3A_453 : vector<1024x128xi1>, vector<1024x128xi32>
          %reduce_max3A_455 = arith.constant dense<-2147483648> : vector<1024xi32>
          %reduce_max3A_456 = vector.multi_reduction <maxsi>, %select_n3A_454, %reduce_max3A_455 [1] : vector<1024x128xi32> to vector<1024xi32>
          %broadcast_in_dim3A_457 = vector.shape_cast %reduce_max3A_456 : vector<1024xi32> to vector<1024x1xi32>
          %eq3A_458 = vector.broadcast %broadcast_in_dim3A_457 : vector<1024x1xi32> to vector<1024x128xi32>
          %eq3A_459 = arith.cmpi eq, %get3A_447, %eq3A_458 : vector<1024x128xi32>
          %and3A_460 = arith.andi %and3A, %eq3A_459 : vector<1024x128xi1>
          %and3A_461 = arith.andi %and3A_460, %gt3A_421 : vector<1024x128xi1>
          %broadcast_in_dim3A_462 = vector.shape_cast %broadcast_in_dim3A_157 : vector<1024x1xf32> to vector<1024x1xf32>
          %broadcast_in_dim3A_463 = vector.broadcast %broadcast_in_dim3A_462 : vector<1024x1xf32> to vector<1024x128xf32>
          %select_n3A_464 = arith.select %and3A_461, %broadcast_in_dim3A_463, %get3A_444 : vector<1024x128xi1>, vector<1024x128xf32>
          %broadcast_in_dim3A_465 = vector.shape_cast %add3A_441 : vector<1024x1xi32> to vector<1024x1xi32>
          %broadcast_in_dim3A_466 = vector.broadcast %broadcast_in_dim3A_465 : vector<1024x1xi32> to vector<1024x128xi32>
          %select_n3A_467 = arith.select %and3A_461, %broadcast_in_dim3A_466, %get3A_447 : vector<1024x128xi1>, vector<1024x128xi32>
          %swap3A_468 = arith.constant 0 : index
          %swap3A_469 = arith.constant 0 : index
          %swap3A_470 = vector.load %arg7[%swap3A_468, %swap3A_469] : memref<1024x128xf32, #tpu.memory_space<vmem>>, vector<1024x128xf32>
          tpu.vector_store %arg7[%swap3A_468, %swap3A_469], %select_n3A_464 {strides = array<i32>} : memref<1024x128xf32, #tpu.memory_space<vmem>>, vector<1024x128xf32>,
          %swap3A_471 = arith.constant 0 : index
          %swap3A_472 = arith.constant 0 : index
          %swap3A_473 = vector.load %arg8[%swap3A_471, %swap3A_472] : memref<1024x128xi32, #tpu.memory_space<vmem>>, vector<1024x128xi32>
          tpu.vector_store %arg8[%swap3A_471, %swap3A_472], %select_n3A_467 {strides = array<i32>} : memref<1024x128xi32, #tpu.memory_space<vmem>>, vector<1024x128xi32>,
          %lt3A_474 = arith.constant 20 : i32
          %lt3A_475 = vector.broadcast %lt3A_474 : i32 to vector<1024x128xi32>
          %lt3A_476 = arith.cmpi slt, %iota3A, %lt3A_475 : vector<1024x128xi32>
          %jit3A_477 = arith.constant 3.000000e+38 : f32
          %broadcast_in_dim3A_478 = vector.broadcast %jit3A_477 : f32 to vector<1024x128xf32>
          %select_n3A_479 = arith.select %lt3A_476, %select_n3A_464, %broadcast_in_dim3A_478 : vector<1024x128xi1>, vector<1024x128xf32>
          %reduce_min3A_480 = arith.constant dense<0x7F800000> : vector<1024xf32>
          %reduce_min3A_481 = vector.multi_reduction <minimumf>, %select_n3A_479, %reduce_min3A_480 [1] : vector<1024x128xf32> to vector<1024xf32>
          %broadcast_in_dim3A_482 = vector.shape_cast %reduce_min3A_481 : vector<1024xf32> to vector<1024x1xf32>
          %broadcast_in_dim3A_483 = vector.shape_cast %broadcast_in_dim3A_482 : vector<1024x1xf32> to vector<1024x1xf32>
          %broadcast_in_dim3A_484 = vector.broadcast %broadcast_in_dim3A_483 : vector<1024x1xf32> to vector<1024x128xf32>
          %swap3A_485 = arith.constant 0 : index
          %swap3A_486 = arith.constant 0 : index
          %swap3A_487 = vector.load %arg9[%swap3A_485, %swap3A_486] : memref<1024x128xf32, #tpu.memory_space<vmem>>, vector<1024x128xf32>
          tpu.vector_store %arg9[%swap3A_485, %swap3A_486], %broadcast_in_dim3A_484 {strides = array<i32>} : memref<1024x128xf32, #tpu.memory_space<vmem>>, vector<1024x128xf32>,
        } else {
        }
        %gt3A_369 = arith.constant 0 : i32
        %gt3A_370 = arith.cmpi sgt, %reduce_max3A_186, %gt3A_369 : i32
        %convert_element_type3A_371 = arith.extui %gt3A_370 : i1 to i32
        %cond3A_372 = arith.constant 0 : i32
        %cond3A_373 = arith.cmpi ne, %convert_element_type3A_371, %cond3A_372 : i32
        scf.if %cond3A_373 {
          %get3A_414 = arith.constant 0 : index
          %get3A_415 = arith.constant 896 : index
          %get3A_416 = vector.load %arg6[%get3A_414, %get3A_415] : memref<1024x2048xf32, #tpu.memory_space<vmem>>, vector<1024x128xf32>
          %get3A_417 = arith.constant 0 : index
          %get3A_418 = arith.constant 0 : index
          %get3A_419 = vector.load %arg9[%get3A_417, %get3A_418] : memref<1024x128xf32, #tpu.memory_space<vmem>>, vector<1024x128xf32>
          %gt3A_420 = vector.broadcast %broadcast_in_dim3A_175 : vector<1024x1xf32> to vector<1024x128xf32>
          %gt3A_421 = arith.cmpf ogt, %gt3A_420, %get3A_419 : vector<1024x128xf32>
          %eq3A_422 = vector.broadcast %broadcast_in_dim3A_175 : vector<1024x1xf32> to vector<1024x128xf32>
          %eq3A_423 = arith.cmpf oeq, %get3A_416, %eq3A_422 : vector<1024x128xf32>
          %jit3A_424 = arith.constant 128 : i32
          %broadcast_in_dim3A_425 = vector.broadcast %jit3A_424 : i32 to vector<1024x128xi32>
          %select_n3A_426 = arith.select %eq3A_423, %iota3A, %broadcast_in_dim3A_425 : vector<1024x128xi1>, vector<1024x128xi32>
          %reduce_min3A_427 = arith.constant dense<2147483647> : vector<1024xi32>
          %reduce_min3A_428 = vector.multi_reduction <minsi>, %select_n3A_426, %reduce_min3A_427 [1] : vector<1024x128xi32> to vector<1024xi32>
          %broadcast_in_dim3A_429 = vector.shape_cast %reduce_min3A_428 : vector<1024xi32> to vector<1024x1xi32>
          %eq3A_430 = vector.broadcast %broadcast_in_dim3A_429 : vector<1024x1xi32> to vector<1024x128xi32>
          %eq3A_431 = arith.cmpi eq, %iota3A, %eq3A_430 : vector<1024x128xi32>
          %jit3A_432 = arith.constant -3.000000e+38 : f32
          %broadcast_in_dim3A_433 = vector.broadcast %jit3A_432 : f32 to vector<1024x128xf32>
          %select_n3A_434 = arith.select %eq3A_431, %broadcast_in_dim3A_433, %get3A_416 : vector<1024x128xi1>, vector<1024x128xf32>
          %swap3A_435 = arith.constant 0 : index
          %swap3A_436 = arith.constant 896 : index
          %swap3A_437 = vector.load %arg6[%swap3A_435, %swap3A_436] : memref<1024x2048xf32, #tpu.memory_space<vmem>>, vector<1024x128xf32>
          tpu.vector_store %arg6[%swap3A_435, %swap3A_436], %select_n3A_434 {strides = array<i32>} : memref<1024x2048xf32, #tpu.memory_space<vmem>>, vector<1024x128xf32>,
          %mul3A = arith.constant 2048 : i32
          %mul3A_438 = arith.muli %arg1, %mul3A : i32
          %add3A = arith.constant 896 : i32
          %add3A_439 = arith.addi %mul3A_438, %add3A : i32
          %add3A_440 = vector.broadcast %add3A_439 : i32 to vector<1024x1xi32>
          %add3A_441 = arith.addi %add3A_440, %broadcast_in_dim3A_429 : vector<1024x1xi32>
          %get3A_442 = arith.constant 0 : index
          %get3A_443 = arith.constant 0 : index
          %get3A_444 = vector.load %arg7[%get3A_442, %get3A_443] : memref<1024x128xf32, #tpu.memory_space<vmem>>, vector<1024x128xf32>
          %get3A_445 = arith.constant 0 : index
          %get3A_446 = arith.constant 0 : index
          %get3A_447 = vector.load %arg8[%get3A_445, %get3A_446] : memref<1024x128xi32, #tpu.memory_space<vmem>>, vector<1024x128xi32>
          %eq3A_448 = arith.cmpf oeq, %get3A_444, %get3A_419 : vector<1024x128xf32>
          %lt3A_449 = arith.constant 20 : i32
          %lt3A_450 = vector.broadcast %lt3A_449 : i32 to vector<1024x128xi32>
          %lt3A_451 = arith.cmpi slt, %iota3A, %lt3A_450 : vector<1024x128xi32>
          %and3A = arith.andi %eq3A_448, %lt3A_451 : vector<1024x128xi1>
          %jit3A_452 = arith.constant -1 : i32
          %broadcast_in_dim3A_453 = vector.broadcast %jit3A_452 : i32 to vector<1024x128xi32>
          %select_n3A_454 = arith.select %and3A, %get3A_447, %broadcast_in_dim3A_453 : vector<1024x128xi1>, vector<1024x128xi32>
          %reduce_max3A_455 = arith.constant dense<-2147483648> : vector<1024xi32>
          %reduce_max3A_456 = vector.multi_reduction <maxsi>, %select_n3A_454, %reduce_max3A_455 [1] : vector<1024x128xi32> to vector<1024xi32>
          %broadcast_in_dim3A_457 = vector.shape_cast %reduce_max3A_456 : vector<1024xi32> to vector<1024x1xi32>
          %eq3A_458 = vector.broadcast %broadcast_in_dim3A_457 : vector<1024x1xi32> to vector<1024x128xi32>
          %eq3A_459 = arith.cmpi eq, %get3A_447, %eq3A_458 : vector<1024x128xi32>
          %and3A_460 = arith.andi %and3A, %eq3A_459 : vector<1024x128xi1>
          %and3A_461 = arith.andi %and3A_460, %gt3A_421 : vector<1024x128xi1>
          %broadcast_in_dim3A_462 = vector.shape_cast %broadcast_in_dim3A_175 : vector<1024x1xf32> to vector<1024x1xf32>
          %broadcast_in_dim3A_463 = vector.broadcast %broadcast_in_dim3A_462 : vector<1024x1xf32> to vector<1024x128xf32>
          %select_n3A_464 = arith.select %and3A_461, %broadcast_in_dim3A_463, %get3A_444 : vector<1024x128xi1>, vector<1024x128xf32>
          %broadcast_in_dim3A_465 = vector.shape_cast %add3A_441 : vector<1024x1xi32> to vector<1024x1xi32>
          %broadcast_in_dim3A_466 = vector.broadcast %broadcast_in_dim3A_465 : vector<1024x1xi32> to vector<1024x128xi32>
          %select_n3A_467 = arith.select %and3A_461, %broadcast_in_dim3A_466, %get3A_447 : vector<1024x128xi1>, vector<1024x128xi32>
          %swap3A_468 = arith.constant 0 : index
          %swap3A_469 = arith.constant 0 : index
          %swap3A_470 = vector.load %arg7[%swap3A_468, %swap3A_469] : memref<1024x128xf32, #tpu.memory_space<vmem>>, vector<1024x128xf32>
          tpu.vector_store %arg7[%swap3A_468, %swap3A_469], %select_n3A_464 {strides = array<i32>} : memref<1024x128xf32, #tpu.memory_space<vmem>>, vector<1024x128xf32>,
          %swap3A_471 = arith.constant 0 : index
          %swap3A_472 = arith.constant 0 : index
          %swap3A_473 = vector.load %arg8[%swap3A_471, %swap3A_472] : memref<1024x128xi32, #tpu.memory_space<vmem>>, vector<1024x128xi32>
          tpu.vector_store %arg8[%swap3A_471, %swap3A_472], %select_n3A_467 {strides = array<i32>} : memref<1024x128xi32, #tpu.memory_space<vmem>>, vector<1024x128xi32>,
          %lt3A_474 = arith.constant 20 : i32
          %lt3A_475 = vector.broadcast %lt3A_474 : i32 to vector<1024x128xi32>
          %lt3A_476 = arith.cmpi slt, %iota3A, %lt3A_475 : vector<1024x128xi32>
          %jit3A_477 = arith.constant 3.000000e+38 : f32
          %broadcast_in_dim3A_478 = vector.broadcast %jit3A_477 : f32 to vector<1024x128xf32>
          %select_n3A_479 = arith.select %lt3A_476, %select_n3A_464, %broadcast_in_dim3A_478 : vector<1024x128xi1>, vector<1024x128xf32>
          %reduce_min3A_480 = arith.constant dense<0x7F800000> : vector<1024xf32>
          %reduce_min3A_481 = vector.multi_reduction <minimumf>, %select_n3A_479, %reduce_min3A_480 [1] : vector<1024x128xf32> to vector<1024xf32>
          %broadcast_in_dim3A_482 = vector.shape_cast %reduce_min3A_481 : vector<1024xf32> to vector<1024x1xf32>
          %broadcast_in_dim3A_483 = vector.shape_cast %broadcast_in_dim3A_482 : vector<1024x1xf32> to vector<1024x1xf32>
          %broadcast_in_dim3A_484 = vector.broadcast %broadcast_in_dim3A_483 : vector<1024x1xf32> to vector<1024x128xf32>
          %swap3A_485 = arith.constant 0 : index
          %swap3A_486 = arith.constant 0 : index
          %swap3A_487 = vector.load %arg9[%swap3A_485, %swap3A_486] : memref<1024x128xf32, #tpu.memory_space<vmem>>, vector<1024x128xf32>
          tpu.vector_store %arg9[%swap3A_485, %swap3A_486], %broadcast_in_dim3A_484 {strides = array<i32>} : memref<1024x128xf32, #tpu.memory_space<vmem>>, vector<1024x128xf32>,
        } else {
        }
        %gt3A_374 = arith.constant 0 : i32
        %gt3A_375 = arith.cmpi sgt, %reduce_max3A_204, %gt3A_374 : i32
        %convert_element_type3A_376 = arith.extui %gt3A_375 : i1 to i32
        %cond3A_377 = arith.constant 0 : i32
        %cond3A_378 = arith.cmpi ne, %convert_element_type3A_376, %cond3A_377 : i32
        scf.if %cond3A_378 {
          %get3A_414 = arith.constant 0 : index
          %get3A_415 = arith.constant 1024 : index
          %get3A_416 = vector.load %arg6[%get3A_414, %get3A_415] : memref<1024x2048xf32, #tpu.memory_space<vmem>>, vector<1024x128xf32>
          %get3A_417 = arith.constant 0 : index
          %get3A_418 = arith.constant 0 : index
          %get3A_419 = vector.load %arg9[%get3A_417, %get3A_418] : memref<1024x128xf32, #tpu.memory_space<vmem>>, vector<1024x128xf32>
          %gt3A_420 = vector.broadcast %broadcast_in_dim3A_193 : vector<1024x1xf32> to vector<1024x128xf32>
          %gt3A_421 = arith.cmpf ogt, %gt3A_420, %get3A_419 : vector<1024x128xf32>
          %eq3A_422 = vector.broadcast %broadcast_in_dim3A_193 : vector<1024x1xf32> to vector<1024x128xf32>
          %eq3A_423 = arith.cmpf oeq, %get3A_416, %eq3A_422 : vector<1024x128xf32>
          %jit3A_424 = arith.constant 128 : i32
          %broadcast_in_dim3A_425 = vector.broadcast %jit3A_424 : i32 to vector<1024x128xi32>
          %select_n3A_426 = arith.select %eq3A_423, %iota3A, %broadcast_in_dim3A_425 : vector<1024x128xi1>, vector<1024x128xi32>
          %reduce_min3A_427 = arith.constant dense<2147483647> : vector<1024xi32>
          %reduce_min3A_428 = vector.multi_reduction <minsi>, %select_n3A_426, %reduce_min3A_427 [1] : vector<1024x128xi32> to vector<1024xi32>
          %broadcast_in_dim3A_429 = vector.shape_cast %reduce_min3A_428 : vector<1024xi32> to vector<1024x1xi32>
          %eq3A_430 = vector.broadcast %broadcast_in_dim3A_429 : vector<1024x1xi32> to vector<1024x128xi32>
          %eq3A_431 = arith.cmpi eq, %iota3A, %eq3A_430 : vector<1024x128xi32>
          %jit3A_432 = arith.constant -3.000000e+38 : f32
          %broadcast_in_dim3A_433 = vector.broadcast %jit3A_432 : f32 to vector<1024x128xf32>
          %select_n3A_434 = arith.select %eq3A_431, %broadcast_in_dim3A_433, %get3A_416 : vector<1024x128xi1>, vector<1024x128xf32>
          %swap3A_435 = arith.constant 0 : index
          %swap3A_436 = arith.constant 1024 : index
          %swap3A_437 = vector.load %arg6[%swap3A_435, %swap3A_436] : memref<1024x2048xf32, #tpu.memory_space<vmem>>, vector<1024x128xf32>
          tpu.vector_store %arg6[%swap3A_435, %swap3A_436], %select_n3A_434 {strides = array<i32>} : memref<1024x2048xf32, #tpu.memory_space<vmem>>, vector<1024x128xf32>,
          %mul3A = arith.constant 2048 : i32
          %mul3A_438 = arith.muli %arg1, %mul3A : i32
          %add3A = arith.constant 1024 : i32
          %add3A_439 = arith.addi %mul3A_438, %add3A : i32
          %add3A_440 = vector.broadcast %add3A_439 : i32 to vector<1024x1xi32>
          %add3A_441 = arith.addi %add3A_440, %broadcast_in_dim3A_429 : vector<1024x1xi32>
          %get3A_442 = arith.constant 0 : index
          %get3A_443 = arith.constant 0 : index
          %get3A_444 = vector.load %arg7[%get3A_442, %get3A_443] : memref<1024x128xf32, #tpu.memory_space<vmem>>, vector<1024x128xf32>
          %get3A_445 = arith.constant 0 : index
          %get3A_446 = arith.constant 0 : index
          %get3A_447 = vector.load %arg8[%get3A_445, %get3A_446] : memref<1024x128xi32, #tpu.memory_space<vmem>>, vector<1024x128xi32>
          %eq3A_448 = arith.cmpf oeq, %get3A_444, %get3A_419 : vector<1024x128xf32>
          %lt3A_449 = arith.constant 20 : i32
          %lt3A_450 = vector.broadcast %lt3A_449 : i32 to vector<1024x128xi32>
          %lt3A_451 = arith.cmpi slt, %iota3A, %lt3A_450 : vector<1024x128xi32>
          %and3A = arith.andi %eq3A_448, %lt3A_451 : vector<1024x128xi1>
          %jit3A_452 = arith.constant -1 : i32
          %broadcast_in_dim3A_453 = vector.broadcast %jit3A_452 : i32 to vector<1024x128xi32>
          %select_n3A_454 = arith.select %and3A, %get3A_447, %broadcast_in_dim3A_453 : vector<1024x128xi1>, vector<1024x128xi32>
          %reduce_max3A_455 = arith.constant dense<-2147483648> : vector<1024xi32>
          %reduce_max3A_456 = vector.multi_reduction <maxsi>, %select_n3A_454, %reduce_max3A_455 [1] : vector<1024x128xi32> to vector<1024xi32>
          %broadcast_in_dim3A_457 = vector.shape_cast %reduce_max3A_456 : vector<1024xi32> to vector<1024x1xi32>
          %eq3A_458 = vector.broadcast %broadcast_in_dim3A_457 : vector<1024x1xi32> to vector<1024x128xi32>
          %eq3A_459 = arith.cmpi eq, %get3A_447, %eq3A_458 : vector<1024x128xi32>
          %and3A_460 = arith.andi %and3A, %eq3A_459 : vector<1024x128xi1>
          %and3A_461 = arith.andi %and3A_460, %gt3A_421 : vector<1024x128xi1>
          %broadcast_in_dim3A_462 = vector.shape_cast %broadcast_in_dim3A_193 : vector<1024x1xf32> to vector<1024x1xf32>
          %broadcast_in_dim3A_463 = vector.broadcast %broadcast_in_dim3A_462 : vector<1024x1xf32> to vector<1024x128xf32>
          %select_n3A_464 = arith.select %and3A_461, %broadcast_in_dim3A_463, %get3A_444 : vector<1024x128xi1>, vector<1024x128xf32>
          %broadcast_in_dim3A_465 = vector.shape_cast %add3A_441 : vector<1024x1xi32> to vector<1024x1xi32>
          %broadcast_in_dim3A_466 = vector.broadcast %broadcast_in_dim3A_465 : vector<1024x1xi32> to vector<1024x128xi32>
          %select_n3A_467 = arith.select %and3A_461, %broadcast_in_dim3A_466, %get3A_447 : vector<1024x128xi1>, vector<1024x128xi32>
          %swap3A_468 = arith.constant 0 : index
          %swap3A_469 = arith.constant 0 : index
          %swap3A_470 = vector.load %arg7[%swap3A_468, %swap3A_469] : memref<1024x128xf32, #tpu.memory_space<vmem>>, vector<1024x128xf32>
          tpu.vector_store %arg7[%swap3A_468, %swap3A_469], %select_n3A_464 {strides = array<i32>} : memref<1024x128xf32, #tpu.memory_space<vmem>>, vector<1024x128xf32>,
          %swap3A_471 = arith.constant 0 : index
          %swap3A_472 = arith.constant 0 : index
          %swap3A_473 = vector.load %arg8[%swap3A_471, %swap3A_472] : memref<1024x128xi32, #tpu.memory_space<vmem>>, vector<1024x128xi32>
          tpu.vector_store %arg8[%swap3A_471, %swap3A_472], %select_n3A_467 {strides = array<i32>} : memref<1024x128xi32, #tpu.memory_space<vmem>>, vector<1024x128xi32>,
          %lt3A_474 = arith.constant 20 : i32
          %lt3A_475 = vector.broadcast %lt3A_474 : i32 to vector<1024x128xi32>
          %lt3A_476 = arith.cmpi slt, %iota3A, %lt3A_475 : vector<1024x128xi32>
          %jit3A_477 = arith.constant 3.000000e+38 : f32
          %broadcast_in_dim3A_478 = vector.broadcast %jit3A_477 : f32 to vector<1024x128xf32>
          %select_n3A_479 = arith.select %lt3A_476, %select_n3A_464, %broadcast_in_dim3A_478 : vector<1024x128xi1>, vector<1024x128xf32>
          %reduce_min3A_480 = arith.constant dense<0x7F800000> : vector<1024xf32>
          %reduce_min3A_481 = vector.multi_reduction <minimumf>, %select_n3A_479, %reduce_min3A_480 [1] : vector<1024x128xf32> to vector<1024xf32>
          %broadcast_in_dim3A_482 = vector.shape_cast %reduce_min3A_481 : vector<1024xf32> to vector<1024x1xf32>
          %broadcast_in_dim3A_483 = vector.shape_cast %broadcast_in_dim3A_482 : vector<1024x1xf32> to vector<1024x1xf32>
          %broadcast_in_dim3A_484 = vector.broadcast %broadcast_in_dim3A_483 : vector<1024x1xf32> to vector<1024x128xf32>
          %swap3A_485 = arith.constant 0 : index
          %swap3A_486 = arith.constant 0 : index
          %swap3A_487 = vector.load %arg9[%swap3A_485, %swap3A_486] : memref<1024x128xf32, #tpu.memory_space<vmem>>, vector<1024x128xf32>
          tpu.vector_store %arg9[%swap3A_485, %swap3A_486], %broadcast_in_dim3A_484 {strides = array<i32>} : memref<1024x128xf32, #tpu.memory_space<vmem>>, vector<1024x128xf32>,
        } else {
        }
        %gt3A_379 = arith.constant 0 : i32
        %gt3A_380 = arith.cmpi sgt, %reduce_max3A_222, %gt3A_379 : i32
        %convert_element_type3A_381 = arith.extui %gt3A_380 : i1 to i32
        %cond3A_382 = arith.constant 0 : i32
        %cond3A_383 = arith.cmpi ne, %convert_element_type3A_381, %cond3A_382 : i32
        scf.if %cond3A_383 {
          %get3A_414 = arith.constant 0 : index
          %get3A_415 = arith.constant 1152 : index
          %get3A_416 = vector.load %arg6[%get3A_414, %get3A_415] : memref<1024x2048xf32, #tpu.memory_space<vmem>>, vector<1024x128xf32>
          %get3A_417 = arith.constant 0 : index
          %get3A_418 = arith.constant 0 : index
          %get3A_419 = vector.load %arg9[%get3A_417, %get3A_418] : memref<1024x128xf32, #tpu.memory_space<vmem>>, vector<1024x128xf32>
          %gt3A_420 = vector.broadcast %broadcast_in_dim3A_211 : vector<1024x1xf32> to vector<1024x128xf32>
          %gt3A_421 = arith.cmpf ogt, %gt3A_420, %get3A_419 : vector<1024x128xf32>
          %eq3A_422 = vector.broadcast %broadcast_in_dim3A_211 : vector<1024x1xf32> to vector<1024x128xf32>
          %eq3A_423 = arith.cmpf oeq, %get3A_416, %eq3A_422 : vector<1024x128xf32>
          %jit3A_424 = arith.constant 128 : i32
          %broadcast_in_dim3A_425 = vector.broadcast %jit3A_424 : i32 to vector<1024x128xi32>
          %select_n3A_426 = arith.select %eq3A_423, %iota3A, %broadcast_in_dim3A_425 : vector<1024x128xi1>, vector<1024x128xi32>
          %reduce_min3A_427 = arith.constant dense<2147483647> : vector<1024xi32>
          %reduce_min3A_428 = vector.multi_reduction <minsi>, %select_n3A_426, %reduce_min3A_427 [1] : vector<1024x128xi32> to vector<1024xi32>
          %broadcast_in_dim3A_429 = vector.shape_cast %reduce_min3A_428 : vector<1024xi32> to vector<1024x1xi32>
          %eq3A_430 = vector.broadcast %broadcast_in_dim3A_429 : vector<1024x1xi32> to vector<1024x128xi32>
          %eq3A_431 = arith.cmpi eq, %iota3A, %eq3A_430 : vector<1024x128xi32>
          %jit3A_432 = arith.constant -3.000000e+38 : f32
          %broadcast_in_dim3A_433 = vector.broadcast %jit3A_432 : f32 to vector<1024x128xf32>
          %select_n3A_434 = arith.select %eq3A_431, %broadcast_in_dim3A_433, %get3A_416 : vector<1024x128xi1>, vector<1024x128xf32>
          %swap3A_435 = arith.constant 0 : index
          %swap3A_436 = arith.constant 1152 : index
          %swap3A_437 = vector.load %arg6[%swap3A_435, %swap3A_436] : memref<1024x2048xf32, #tpu.memory_space<vmem>>, vector<1024x128xf32>
          tpu.vector_store %arg6[%swap3A_435, %swap3A_436], %select_n3A_434 {strides = array<i32>} : memref<1024x2048xf32, #tpu.memory_space<vmem>>, vector<1024x128xf32>,
          %mul3A = arith.constant 2048 : i32
          %mul3A_438 = arith.muli %arg1, %mul3A : i32
          %add3A = arith.constant 1152 : i32
          %add3A_439 = arith.addi %mul3A_438, %add3A : i32
          %add3A_440 = vector.broadcast %add3A_439 : i32 to vector<1024x1xi32>
          %add3A_441 = arith.addi %add3A_440, %broadcast_in_dim3A_429 : vector<1024x1xi32>
          %get3A_442 = arith.constant 0 : index
          %get3A_443 = arith.constant 0 : index
          %get3A_444 = vector.load %arg7[%get3A_442, %get3A_443] : memref<1024x128xf32, #tpu.memory_space<vmem>>, vector<1024x128xf32>
          %get3A_445 = arith.constant 0 : index
          %get3A_446 = arith.constant 0 : index
          %get3A_447 = vector.load %arg8[%get3A_445, %get3A_446] : memref<1024x128xi32, #tpu.memory_space<vmem>>, vector<1024x128xi32>
          %eq3A_448 = arith.cmpf oeq, %get3A_444, %get3A_419 : vector<1024x128xf32>
          %lt3A_449 = arith.constant 20 : i32
          %lt3A_450 = vector.broadcast %lt3A_449 : i32 to vector<1024x128xi32>
          %lt3A_451 = arith.cmpi slt, %iota3A, %lt3A_450 : vector<1024x128xi32>
          %and3A = arith.andi %eq3A_448, %lt3A_451 : vector<1024x128xi1>
          %jit3A_452 = arith.constant -1 : i32
          %broadcast_in_dim3A_453 = vector.broadcast %jit3A_452 : i32 to vector<1024x128xi32>
          %select_n3A_454 = arith.select %and3A, %get3A_447, %broadcast_in_dim3A_453 : vector<1024x128xi1>, vector<1024x128xi32>
          %reduce_max3A_455 = arith.constant dense<-2147483648> : vector<1024xi32>
          %reduce_max3A_456 = vector.multi_reduction <maxsi>, %select_n3A_454, %reduce_max3A_455 [1] : vector<1024x128xi32> to vector<1024xi32>
          %broadcast_in_dim3A_457 = vector.shape_cast %reduce_max3A_456 : vector<1024xi32> to vector<1024x1xi32>
          %eq3A_458 = vector.broadcast %broadcast_in_dim3A_457 : vector<1024x1xi32> to vector<1024x128xi32>
          %eq3A_459 = arith.cmpi eq, %get3A_447, %eq3A_458 : vector<1024x128xi32>
          %and3A_460 = arith.andi %and3A, %eq3A_459 : vector<1024x128xi1>
          %and3A_461 = arith.andi %and3A_460, %gt3A_421 : vector<1024x128xi1>
          %broadcast_in_dim3A_462 = vector.shape_cast %broadcast_in_dim3A_211 : vector<1024x1xf32> to vector<1024x1xf32>
          %broadcast_in_dim3A_463 = vector.broadcast %broadcast_in_dim3A_462 : vector<1024x1xf32> to vector<1024x128xf32>
          %select_n3A_464 = arith.select %and3A_461, %broadcast_in_dim3A_463, %get3A_444 : vector<1024x128xi1>, vector<1024x128xf32>
          %broadcast_in_dim3A_465 = vector.shape_cast %add3A_441 : vector<1024x1xi32> to vector<1024x1xi32>
          %broadcast_in_dim3A_466 = vector.broadcast %broadcast_in_dim3A_465 : vector<1024x1xi32> to vector<1024x128xi32>
          %select_n3A_467 = arith.select %and3A_461, %broadcast_in_dim3A_466, %get3A_447 : vector<1024x128xi1>, vector<1024x128xi32>
          %swap3A_468 = arith.constant 0 : index
          %swap3A_469 = arith.constant 0 : index
          %swap3A_470 = vector.load %arg7[%swap3A_468, %swap3A_469] : memref<1024x128xf32, #tpu.memory_space<vmem>>, vector<1024x128xf32>
          tpu.vector_store %arg7[%swap3A_468, %swap3A_469], %select_n3A_464 {strides = array<i32>} : memref<1024x128xf32, #tpu.memory_space<vmem>>, vector<1024x128xf32>,
          %swap3A_471 = arith.constant 0 : index
          %swap3A_472 = arith.constant 0 : index
          %swap3A_473 = vector.load %arg8[%swap3A_471, %swap3A_472] : memref<1024x128xi32, #tpu.memory_space<vmem>>, vector<1024x128xi32>
          tpu.vector_store %arg8[%swap3A_471, %swap3A_472], %select_n3A_467 {strides = array<i32>} : memref<1024x128xi32, #tpu.memory_space<vmem>>, vector<1024x128xi32>,
          %lt3A_474 = arith.constant 20 : i32
          %lt3A_475 = vector.broadcast %lt3A_474 : i32 to vector<1024x128xi32>
          %lt3A_476 = arith.cmpi slt, %iota3A, %lt3A_475 : vector<1024x128xi32>
          %jit3A_477 = arith.constant 3.000000e+38 : f32
          %broadcast_in_dim3A_478 = vector.broadcast %jit3A_477 : f32 to vector<1024x128xf32>
          %select_n3A_479 = arith.select %lt3A_476, %select_n3A_464, %broadcast_in_dim3A_478 : vector<1024x128xi1>, vector<1024x128xf32>
          %reduce_min3A_480 = arith.constant dense<0x7F800000> : vector<1024xf32>
          %reduce_min3A_481 = vector.multi_reduction <minimumf>, %select_n3A_479, %reduce_min3A_480 [1] : vector<1024x128xf32> to vector<1024xf32>
          %broadcast_in_dim3A_482 = vector.shape_cast %reduce_min3A_481 : vector<1024xf32> to vector<1024x1xf32>
          %broadcast_in_dim3A_483 = vector.shape_cast %broadcast_in_dim3A_482 : vector<1024x1xf32> to vector<1024x1xf32>
          %broadcast_in_dim3A_484 = vector.broadcast %broadcast_in_dim3A_483 : vector<1024x1xf32> to vector<1024x128xf32>
          %swap3A_485 = arith.constant 0 : index
          %swap3A_486 = arith.constant 0 : index
          %swap3A_487 = vector.load %arg9[%swap3A_485, %swap3A_486] : memref<1024x128xf32, #tpu.memory_space<vmem>>, vector<1024x128xf32>
          tpu.vector_store %arg9[%swap3A_485, %swap3A_486], %broadcast_in_dim3A_484 {strides = array<i32>} : memref<1024x128xf32, #tpu.memory_space<vmem>>, vector<1024x128xf32>,
        } else {
        }
        %gt3A_384 = arith.constant 0 : i32
        %gt3A_385 = arith.cmpi sgt, %reduce_max3A_240, %gt3A_384 : i32
        %convert_element_type3A_386 = arith.extui %gt3A_385 : i1 to i32
        %cond3A_387 = arith.constant 0 : i32
        %cond3A_388 = arith.cmpi ne, %convert_element_type3A_386, %cond3A_387 : i32
        scf.if %cond3A_388 {
          %get3A_414 = arith.constant 0 : index
          %get3A_415 = arith.constant 1280 : index
          %get3A_416 = vector.load %arg6[%get3A_414, %get3A_415] : memref<1024x2048xf32, #tpu.memory_space<vmem>>, vector<1024x128xf32>
          %get3A_417 = arith.constant 0 : index
          %get3A_418 = arith.constant 0 : index
          %get3A_419 = vector.load %arg9[%get3A_417, %get3A_418] : memref<1024x128xf32, #tpu.memory_space<vmem>>, vector<1024x128xf32>
          %gt3A_420 = vector.broadcast %broadcast_in_dim3A_229 : vector<1024x1xf32> to vector<1024x128xf32>
          %gt3A_421 = arith.cmpf ogt, %gt3A_420, %get3A_419 : vector<1024x128xf32>
          %eq3A_422 = vector.broadcast %broadcast_in_dim3A_229 : vector<1024x1xf32> to vector<1024x128xf32>
          %eq3A_423 = arith.cmpf oeq, %get3A_416, %eq3A_422 : vector<1024x128xf32>
          %jit3A_424 = arith.constant 128 : i32
          %broadcast_in_dim3A_425 = vector.broadcast %jit3A_424 : i32 to vector<1024x128xi32>
          %select_n3A_426 = arith.select %eq3A_423, %iota3A, %broadcast_in_dim3A_425 : vector<1024x128xi1>, vector<1024x128xi32>
          %reduce_min3A_427 = arith.constant dense<2147483647> : vector<1024xi32>
          %reduce_min3A_428 = vector.multi_reduction <minsi>, %select_n3A_426, %reduce_min3A_427 [1] : vector<1024x128xi32> to vector<1024xi32>
          %broadcast_in_dim3A_429 = vector.shape_cast %reduce_min3A_428 : vector<1024xi32> to vector<1024x1xi32>
          %eq3A_430 = vector.broadcast %broadcast_in_dim3A_429 : vector<1024x1xi32> to vector<1024x128xi32>
          %eq3A_431 = arith.cmpi eq, %iota3A, %eq3A_430 : vector<1024x128xi32>
          %jit3A_432 = arith.constant -3.000000e+38 : f32
          %broadcast_in_dim3A_433 = vector.broadcast %jit3A_432 : f32 to vector<1024x128xf32>
          %select_n3A_434 = arith.select %eq3A_431, %broadcast_in_dim3A_433, %get3A_416 : vector<1024x128xi1>, vector<1024x128xf32>
          %swap3A_435 = arith.constant 0 : index
          %swap3A_436 = arith.constant 1280 : index
          %swap3A_437 = vector.load %arg6[%swap3A_435, %swap3A_436] : memref<1024x2048xf32, #tpu.memory_space<vmem>>, vector<1024x128xf32>
          tpu.vector_store %arg6[%swap3A_435, %swap3A_436], %select_n3A_434 {strides = array<i32>} : memref<1024x2048xf32, #tpu.memory_space<vmem>>, vector<1024x128xf32>,
          %mul3A = arith.constant 2048 : i32
          %mul3A_438 = arith.muli %arg1, %mul3A : i32
          %add3A = arith.constant 1280 : i32
          %add3A_439 = arith.addi %mul3A_438, %add3A : i32
          %add3A_440 = vector.broadcast %add3A_439 : i32 to vector<1024x1xi32>
          %add3A_441 = arith.addi %add3A_440, %broadcast_in_dim3A_429 : vector<1024x1xi32>
          %get3A_442 = arith.constant 0 : index
          %get3A_443 = arith.constant 0 : index
          %get3A_444 = vector.load %arg7[%get3A_442, %get3A_443] : memref<1024x128xf32, #tpu.memory_space<vmem>>, vector<1024x128xf32>
          %get3A_445 = arith.constant 0 : index
          %get3A_446 = arith.constant 0 : index
          %get3A_447 = vector.load %arg8[%get3A_445, %get3A_446] : memref<1024x128xi32, #tpu.memory_space<vmem>>, vector<1024x128xi32>
          %eq3A_448 = arith.cmpf oeq, %get3A_444, %get3A_419 : vector<1024x128xf32>
          %lt3A_449 = arith.constant 20 : i32
          %lt3A_450 = vector.broadcast %lt3A_449 : i32 to vector<1024x128xi32>
          %lt3A_451 = arith.cmpi slt, %iota3A, %lt3A_450 : vector<1024x128xi32>
          %and3A = arith.andi %eq3A_448, %lt3A_451 : vector<1024x128xi1>
          %jit3A_452 = arith.constant -1 : i32
          %broadcast_in_dim3A_453 = vector.broadcast %jit3A_452 : i32 to vector<1024x128xi32>
          %select_n3A_454 = arith.select %and3A, %get3A_447, %broadcast_in_dim3A_453 : vector<1024x128xi1>, vector<1024x128xi32>
          %reduce_max3A_455 = arith.constant dense<-2147483648> : vector<1024xi32>
          %reduce_max3A_456 = vector.multi_reduction <maxsi>, %select_n3A_454, %reduce_max3A_455 [1] : vector<1024x128xi32> to vector<1024xi32>
          %broadcast_in_dim3A_457 = vector.shape_cast %reduce_max3A_456 : vector<1024xi32> to vector<1024x1xi32>
          %eq3A_458 = vector.broadcast %broadcast_in_dim3A_457 : vector<1024x1xi32> to vector<1024x128xi32>
          %eq3A_459 = arith.cmpi eq, %get3A_447, %eq3A_458 : vector<1024x128xi32>
          %and3A_460 = arith.andi %and3A, %eq3A_459 : vector<1024x128xi1>
          %and3A_461 = arith.andi %and3A_460, %gt3A_421 : vector<1024x128xi1>
          %broadcast_in_dim3A_462 = vector.shape_cast %broadcast_in_dim3A_229 : vector<1024x1xf32> to vector<1024x1xf32>
          %broadcast_in_dim3A_463 = vector.broadcast %broadcast_in_dim3A_462 : vector<1024x1xf32> to vector<1024x128xf32>
          %select_n3A_464 = arith.select %and3A_461, %broadcast_in_dim3A_463, %get3A_444 : vector<1024x128xi1>, vector<1024x128xf32>
          %broadcast_in_dim3A_465 = vector.shape_cast %add3A_441 : vector<1024x1xi32> to vector<1024x1xi32>
          %broadcast_in_dim3A_466 = vector.broadcast %broadcast_in_dim3A_465 : vector<1024x1xi32> to vector<1024x128xi32>
          %select_n3A_467 = arith.select %and3A_461, %broadcast_in_dim3A_466, %get3A_447 : vector<1024x128xi1>, vector<1024x128xi32>
          %swap3A_468 = arith.constant 0 : index
          %swap3A_469 = arith.constant 0 : index
          %swap3A_470 = vector.load %arg7[%swap3A_468, %swap3A_469] : memref<1024x128xf32, #tpu.memory_space<vmem>>, vector<1024x128xf32>
          tpu.vector_store %arg7[%swap3A_468, %swap3A_469], %select_n3A_464 {strides = array<i32>} : memref<1024x128xf32, #tpu.memory_space<vmem>>, vector<1024x128xf32>,
          %swap3A_471 = arith.constant 0 : index
          %swap3A_472 = arith.constant 0 : index
          %swap3A_473 = vector.load %arg8[%swap3A_471, %swap3A_472] : memref<1024x128xi32, #tpu.memory_space<vmem>>, vector<1024x128xi32>
          tpu.vector_store %arg8[%swap3A_471, %swap3A_472], %select_n3A_467 {strides = array<i32>} : memref<1024x128xi32, #tpu.memory_space<vmem>>, vector<1024x128xi32>,
          %lt3A_474 = arith.constant 20 : i32
          %lt3A_475 = vector.broadcast %lt3A_474 : i32 to vector<1024x128xi32>
          %lt3A_476 = arith.cmpi slt, %iota3A, %lt3A_475 : vector<1024x128xi32>
          %jit3A_477 = arith.constant 3.000000e+38 : f32
          %broadcast_in_dim3A_478 = vector.broadcast %jit3A_477 : f32 to vector<1024x128xf32>
          %select_n3A_479 = arith.select %lt3A_476, %select_n3A_464, %broadcast_in_dim3A_478 : vector<1024x128xi1>, vector<1024x128xf32>
          %reduce_min3A_480 = arith.constant dense<0x7F800000> : vector<1024xf32>
          %reduce_min3A_481 = vector.multi_reduction <minimumf>, %select_n3A_479, %reduce_min3A_480 [1] : vector<1024x128xf32> to vector<1024xf32>
          %broadcast_in_dim3A_482 = vector.shape_cast %reduce_min3A_481 : vector<1024xf32> to vector<1024x1xf32>
          %broadcast_in_dim3A_483 = vector.shape_cast %broadcast_in_dim3A_482 : vector<1024x1xf32> to vector<1024x1xf32>
          %broadcast_in_dim3A_484 = vector.broadcast %broadcast_in_dim3A_483 : vector<1024x1xf32> to vector<1024x128xf32>
          %swap3A_485 = arith.constant 0 : index
          %swap3A_486 = arith.constant 0 : index
          %swap3A_487 = vector.load %arg9[%swap3A_485, %swap3A_486] : memref<1024x128xf32, #tpu.memory_space<vmem>>, vector<1024x128xf32>
          tpu.vector_store %arg9[%swap3A_485, %swap3A_486], %broadcast_in_dim3A_484 {strides = array<i32>} : memref<1024x128xf32, #tpu.memory_space<vmem>>, vector<1024x128xf32>,
        } else {
        }
        %gt3A_389 = arith.constant 0 : i32
        %gt3A_390 = arith.cmpi sgt, %reduce_max3A_258, %gt3A_389 : i32
        %convert_element_type3A_391 = arith.extui %gt3A_390 : i1 to i32
        %cond3A_392 = arith.constant 0 : i32
        %cond3A_393 = arith.cmpi ne, %convert_element_type3A_391, %cond3A_392 : i32
        scf.if %cond3A_393 {
          %get3A_414 = arith.constant 0 : index
          %get3A_415 = arith.constant 1408 : index
          %get3A_416 = vector.load %arg6[%get3A_414, %get3A_415] : memref<1024x2048xf32, #tpu.memory_space<vmem>>, vector<1024x128xf32>
          %get3A_417 = arith.constant 0 : index
          %get3A_418 = arith.constant 0 : index
          %get3A_419 = vector.load %arg9[%get3A_417, %get3A_418] : memref<1024x128xf32, #tpu.memory_space<vmem>>, vector<1024x128xf32>
          %gt3A_420 = vector.broadcast %broadcast_in_dim3A_247 : vector<1024x1xf32> to vector<1024x128xf32>
          %gt3A_421 = arith.cmpf ogt, %gt3A_420, %get3A_419 : vector<1024x128xf32>
          %eq3A_422 = vector.broadcast %broadcast_in_dim3A_247 : vector<1024x1xf32> to vector<1024x128xf32>
          %eq3A_423 = arith.cmpf oeq, %get3A_416, %eq3A_422 : vector<1024x128xf32>
          %jit3A_424 = arith.constant 128 : i32
          %broadcast_in_dim3A_425 = vector.broadcast %jit3A_424 : i32 to vector<1024x128xi32>
          %select_n3A_426 = arith.select %eq3A_423, %iota3A, %broadcast_in_dim3A_425 : vector<1024x128xi1>, vector<1024x128xi32>
          %reduce_min3A_427 = arith.constant dense<2147483647> : vector<1024xi32>
          %reduce_min3A_428 = vector.multi_reduction <minsi>, %select_n3A_426, %reduce_min3A_427 [1] : vector<1024x128xi32> to vector<1024xi32>
          %broadcast_in_dim3A_429 = vector.shape_cast %reduce_min3A_428 : vector<1024xi32> to vector<1024x1xi32>
          %eq3A_430 = vector.broadcast %broadcast_in_dim3A_429 : vector<1024x1xi32> to vector<1024x128xi32>
          %eq3A_431 = arith.cmpi eq, %iota3A, %eq3A_430 : vector<1024x128xi32>
          %jit3A_432 = arith.constant -3.000000e+38 : f32
          %broadcast_in_dim3A_433 = vector.broadcast %jit3A_432 : f32 to vector<1024x128xf32>
          %select_n3A_434 = arith.select %eq3A_431, %broadcast_in_dim3A_433, %get3A_416 : vector<1024x128xi1>, vector<1024x128xf32>
          %swap3A_435 = arith.constant 0 : index
          %swap3A_436 = arith.constant 1408 : index
          %swap3A_437 = vector.load %arg6[%swap3A_435, %swap3A_436] : memref<1024x2048xf32, #tpu.memory_space<vmem>>, vector<1024x128xf32>
          tpu.vector_store %arg6[%swap3A_435, %swap3A_436], %select_n3A_434 {strides = array<i32>} : memref<1024x2048xf32, #tpu.memory_space<vmem>>, vector<1024x128xf32>,
          %mul3A = arith.constant 2048 : i32
          %mul3A_438 = arith.muli %arg1, %mul3A : i32
          %add3A = arith.constant 1408 : i32
          %add3A_439 = arith.addi %mul3A_438, %add3A : i32
          %add3A_440 = vector.broadcast %add3A_439 : i32 to vector<1024x1xi32>
          %add3A_441 = arith.addi %add3A_440, %broadcast_in_dim3A_429 : vector<1024x1xi32>
          %get3A_442 = arith.constant 0 : index
          %get3A_443 = arith.constant 0 : index
          %get3A_444 = vector.load %arg7[%get3A_442, %get3A_443] : memref<1024x128xf32, #tpu.memory_space<vmem>>, vector<1024x128xf32>
          %get3A_445 = arith.constant 0 : index
          %get3A_446 = arith.constant 0 : index
          %get3A_447 = vector.load %arg8[%get3A_445, %get3A_446] : memref<1024x128xi32, #tpu.memory_space<vmem>>, vector<1024x128xi32>
          %eq3A_448 = arith.cmpf oeq, %get3A_444, %get3A_419 : vector<1024x128xf32>
          %lt3A_449 = arith.constant 20 : i32
          %lt3A_450 = vector.broadcast %lt3A_449 : i32 to vector<1024x128xi32>
          %lt3A_451 = arith.cmpi slt, %iota3A, %lt3A_450 : vector<1024x128xi32>
          %and3A = arith.andi %eq3A_448, %lt3A_451 : vector<1024x128xi1>
          %jit3A_452 = arith.constant -1 : i32
          %broadcast_in_dim3A_453 = vector.broadcast %jit3A_452 : i32 to vector<1024x128xi32>
          %select_n3A_454 = arith.select %and3A, %get3A_447, %broadcast_in_dim3A_453 : vector<1024x128xi1>, vector<1024x128xi32>
          %reduce_max3A_455 = arith.constant dense<-2147483648> : vector<1024xi32>
          %reduce_max3A_456 = vector.multi_reduction <maxsi>, %select_n3A_454, %reduce_max3A_455 [1] : vector<1024x128xi32> to vector<1024xi32>
          %broadcast_in_dim3A_457 = vector.shape_cast %reduce_max3A_456 : vector<1024xi32> to vector<1024x1xi32>
          %eq3A_458 = vector.broadcast %broadcast_in_dim3A_457 : vector<1024x1xi32> to vector<1024x128xi32>
          %eq3A_459 = arith.cmpi eq, %get3A_447, %eq3A_458 : vector<1024x128xi32>
          %and3A_460 = arith.andi %and3A, %eq3A_459 : vector<1024x128xi1>
          %and3A_461 = arith.andi %and3A_460, %gt3A_421 : vector<1024x128xi1>
          %broadcast_in_dim3A_462 = vector.shape_cast %broadcast_in_dim3A_247 : vector<1024x1xf32> to vector<1024x1xf32>
          %broadcast_in_dim3A_463 = vector.broadcast %broadcast_in_dim3A_462 : vector<1024x1xf32> to vector<1024x128xf32>
          %select_n3A_464 = arith.select %and3A_461, %broadcast_in_dim3A_463, %get3A_444 : vector<1024x128xi1>, vector<1024x128xf32>
          %broadcast_in_dim3A_465 = vector.shape_cast %add3A_441 : vector<1024x1xi32> to vector<1024x1xi32>
          %broadcast_in_dim3A_466 = vector.broadcast %broadcast_in_dim3A_465 : vector<1024x1xi32> to vector<1024x128xi32>
          %select_n3A_467 = arith.select %and3A_461, %broadcast_in_dim3A_466, %get3A_447 : vector<1024x128xi1>, vector<1024x128xi32>
          %swap3A_468 = arith.constant 0 : index
          %swap3A_469 = arith.constant 0 : index
          %swap3A_470 = vector.load %arg7[%swap3A_468, %swap3A_469] : memref<1024x128xf32, #tpu.memory_space<vmem>>, vector<1024x128xf32>
          tpu.vector_store %arg7[%swap3A_468, %swap3A_469], %select_n3A_464 {strides = array<i32>} : memref<1024x128xf32, #tpu.memory_space<vmem>>, vector<1024x128xf32>,
          %swap3A_471 = arith.constant 0 : index
          %swap3A_472 = arith.constant 0 : index
          %swap3A_473 = vector.load %arg8[%swap3A_471, %swap3A_472] : memref<1024x128xi32, #tpu.memory_space<vmem>>, vector<1024x128xi32>
          tpu.vector_store %arg8[%swap3A_471, %swap3A_472], %select_n3A_467 {strides = array<i32>} : memref<1024x128xi32, #tpu.memory_space<vmem>>, vector<1024x128xi32>,
          %lt3A_474 = arith.constant 20 : i32
          %lt3A_475 = vector.broadcast %lt3A_474 : i32 to vector<1024x128xi32>
          %lt3A_476 = arith.cmpi slt, %iota3A, %lt3A_475 : vector<1024x128xi32>
          %jit3A_477 = arith.constant 3.000000e+38 : f32
          %broadcast_in_dim3A_478 = vector.broadcast %jit3A_477 : f32 to vector<1024x128xf32>
          %select_n3A_479 = arith.select %lt3A_476, %select_n3A_464, %broadcast_in_dim3A_478 : vector<1024x128xi1>, vector<1024x128xf32>
          %reduce_min3A_480 = arith.constant dense<0x7F800000> : vector<1024xf32>
          %reduce_min3A_481 = vector.multi_reduction <minimumf>, %select_n3A_479, %reduce_min3A_480 [1] : vector<1024x128xf32> to vector<1024xf32>
          %broadcast_in_dim3A_482 = vector.shape_cast %reduce_min3A_481 : vector<1024xf32> to vector<1024x1xf32>
          %broadcast_in_dim3A_483 = vector.shape_cast %broadcast_in_dim3A_482 : vector<1024x1xf32> to vector<1024x1xf32>
          %broadcast_in_dim3A_484 = vector.broadcast %broadcast_in_dim3A_483 : vector<1024x1xf32> to vector<1024x128xf32>
          %swap3A_485 = arith.constant 0 : index
          %swap3A_486 = arith.constant 0 : index
          %swap3A_487 = vector.load %arg9[%swap3A_485, %swap3A_486] : memref<1024x128xf32, #tpu.memory_space<vmem>>, vector<1024x128xf32>
          tpu.vector_store %arg9[%swap3A_485, %swap3A_486], %broadcast_in_dim3A_484 {strides = array<i32>} : memref<1024x128xf32, #tpu.memory_space<vmem>>, vector<1024x128xf32>,
        } else {
        }
        %gt3A_394 = arith.constant 0 : i32
        %gt3A_395 = arith.cmpi sgt, %reduce_max3A_276, %gt3A_394 : i32
        %convert_element_type3A_396 = arith.extui %gt3A_395 : i1 to i32
        %cond3A_397 = arith.constant 0 : i32
        %cond3A_398 = arith.cmpi ne, %convert_element_type3A_396, %cond3A_397 : i32
        scf.if %cond3A_398 {
          %get3A_414 = arith.constant 0 : index
          %get3A_415 = arith.constant 1536 : index
          %get3A_416 = vector.load %arg6[%get3A_414, %get3A_415] : memref<1024x2048xf32, #tpu.memory_space<vmem>>, vector<1024x128xf32>
          %get3A_417 = arith.constant 0 : index
          %get3A_418 = arith.constant 0 : index
          %get3A_419 = vector.load %arg9[%get3A_417, %get3A_418] : memref<1024x128xf32, #tpu.memory_space<vmem>>, vector<1024x128xf32>
          %gt3A_420 = vector.broadcast %broadcast_in_dim3A_265 : vector<1024x1xf32> to vector<1024x128xf32>
          %gt3A_421 = arith.cmpf ogt, %gt3A_420, %get3A_419 : vector<1024x128xf32>
          %eq3A_422 = vector.broadcast %broadcast_in_dim3A_265 : vector<1024x1xf32> to vector<1024x128xf32>
          %eq3A_423 = arith.cmpf oeq, %get3A_416, %eq3A_422 : vector<1024x128xf32>
          %jit3A_424 = arith.constant 128 : i32
          %broadcast_in_dim3A_425 = vector.broadcast %jit3A_424 : i32 to vector<1024x128xi32>
          %select_n3A_426 = arith.select %eq3A_423, %iota3A, %broadcast_in_dim3A_425 : vector<1024x128xi1>, vector<1024x128xi32>
          %reduce_min3A_427 = arith.constant dense<2147483647> : vector<1024xi32>
          %reduce_min3A_428 = vector.multi_reduction <minsi>, %select_n3A_426, %reduce_min3A_427 [1] : vector<1024x128xi32> to vector<1024xi32>
          %broadcast_in_dim3A_429 = vector.shape_cast %reduce_min3A_428 : vector<1024xi32> to vector<1024x1xi32>
          %eq3A_430 = vector.broadcast %broadcast_in_dim3A_429 : vector<1024x1xi32> to vector<1024x128xi32>
          %eq3A_431 = arith.cmpi eq, %iota3A, %eq3A_430 : vector<1024x128xi32>
          %jit3A_432 = arith.constant -3.000000e+38 : f32
          %broadcast_in_dim3A_433 = vector.broadcast %jit3A_432 : f32 to vector<1024x128xf32>
          %select_n3A_434 = arith.select %eq3A_431, %broadcast_in_dim3A_433, %get3A_416 : vector<1024x128xi1>, vector<1024x128xf32>
          %swap3A_435 = arith.constant 0 : index
          %swap3A_436 = arith.constant 1536 : index
          %swap3A_437 = vector.load %arg6[%swap3A_435, %swap3A_436] : memref<1024x2048xf32, #tpu.memory_space<vmem>>, vector<1024x128xf32>
          tpu.vector_store %arg6[%swap3A_435, %swap3A_436], %select_n3A_434 {strides = array<i32>} : memref<1024x2048xf32, #tpu.memory_space<vmem>>, vector<1024x128xf32>,
          %mul3A = arith.constant 2048 : i32
          %mul3A_438 = arith.muli %arg1, %mul3A : i32
          %add3A = arith.constant 1536 : i32
          %add3A_439 = arith.addi %mul3A_438, %add3A : i32
          %add3A_440 = vector.broadcast %add3A_439 : i32 to vector<1024x1xi32>
          %add3A_441 = arith.addi %add3A_440, %broadcast_in_dim3A_429 : vector<1024x1xi32>
          %get3A_442 = arith.constant 0 : index
          %get3A_443 = arith.constant 0 : index
          %get3A_444 = vector.load %arg7[%get3A_442, %get3A_443] : memref<1024x128xf32, #tpu.memory_space<vmem>>, vector<1024x128xf32>
          %get3A_445 = arith.constant 0 : index
          %get3A_446 = arith.constant 0 : index
          %get3A_447 = vector.load %arg8[%get3A_445, %get3A_446] : memref<1024x128xi32, #tpu.memory_space<vmem>>, vector<1024x128xi32>
          %eq3A_448 = arith.cmpf oeq, %get3A_444, %get3A_419 : vector<1024x128xf32>
          %lt3A_449 = arith.constant 20 : i32
          %lt3A_450 = vector.broadcast %lt3A_449 : i32 to vector<1024x128xi32>
          %lt3A_451 = arith.cmpi slt, %iota3A, %lt3A_450 : vector<1024x128xi32>
          %and3A = arith.andi %eq3A_448, %lt3A_451 : vector<1024x128xi1>
          %jit3A_452 = arith.constant -1 : i32
          %broadcast_in_dim3A_453 = vector.broadcast %jit3A_452 : i32 to vector<1024x128xi32>
          %select_n3A_454 = arith.select %and3A, %get3A_447, %broadcast_in_dim3A_453 : vector<1024x128xi1>, vector<1024x128xi32>
          %reduce_max3A_455 = arith.constant dense<-2147483648> : vector<1024xi32>
          %reduce_max3A_456 = vector.multi_reduction <maxsi>, %select_n3A_454, %reduce_max3A_455 [1] : vector<1024x128xi32> to vector<1024xi32>
          %broadcast_in_dim3A_457 = vector.shape_cast %reduce_max3A_456 : vector<1024xi32> to vector<1024x1xi32>
          %eq3A_458 = vector.broadcast %broadcast_in_dim3A_457 : vector<1024x1xi32> to vector<1024x128xi32>
          %eq3A_459 = arith.cmpi eq, %get3A_447, %eq3A_458 : vector<1024x128xi32>
          %and3A_460 = arith.andi %and3A, %eq3A_459 : vector<1024x128xi1>
          %and3A_461 = arith.andi %and3A_460, %gt3A_421 : vector<1024x128xi1>
          %broadcast_in_dim3A_462 = vector.shape_cast %broadcast_in_dim3A_265 : vector<1024x1xf32> to vector<1024x1xf32>
          %broadcast_in_dim3A_463 = vector.broadcast %broadcast_in_dim3A_462 : vector<1024x1xf32> to vector<1024x128xf32>
          %select_n3A_464 = arith.select %and3A_461, %broadcast_in_dim3A_463, %get3A_444 : vector<1024x128xi1>, vector<1024x128xf32>
          %broadcast_in_dim3A_465 = vector.shape_cast %add3A_441 : vector<1024x1xi32> to vector<1024x1xi32>
          %broadcast_in_dim3A_466 = vector.broadcast %broadcast_in_dim3A_465 : vector<1024x1xi32> to vector<1024x128xi32>
          %select_n3A_467 = arith.select %and3A_461, %broadcast_in_dim3A_466, %get3A_447 : vector<1024x128xi1>, vector<1024x128xi32>
          %swap3A_468 = arith.constant 0 : index
          %swap3A_469 = arith.constant 0 : index
          %swap3A_470 = vector.load %arg7[%swap3A_468, %swap3A_469] : memref<1024x128xf32, #tpu.memory_space<vmem>>, vector<1024x128xf32>
          tpu.vector_store %arg7[%swap3A_468, %swap3A_469], %select_n3A_464 {strides = array<i32>} : memref<1024x128xf32, #tpu.memory_space<vmem>>, vector<1024x128xf32>,
          %swap3A_471 = arith.constant 0 : index
          %swap3A_472 = arith.constant 0 : index
          %swap3A_473 = vector.load %arg8[%swap3A_471, %swap3A_472] : memref<1024x128xi32, #tpu.memory_space<vmem>>, vector<1024x128xi32>
          tpu.vector_store %arg8[%swap3A_471, %swap3A_472], %select_n3A_467 {strides = array<i32>} : memref<1024x128xi32, #tpu.memory_space<vmem>>, vector<1024x128xi32>,
          %lt3A_474 = arith.constant 20 : i32
          %lt3A_475 = vector.broadcast %lt3A_474 : i32 to vector<1024x128xi32>
          %lt3A_476 = arith.cmpi slt, %iota3A, %lt3A_475 : vector<1024x128xi32>
          %jit3A_477 = arith.constant 3.000000e+38 : f32
          %broadcast_in_dim3A_478 = vector.broadcast %jit3A_477 : f32 to vector<1024x128xf32>
          %select_n3A_479 = arith.select %lt3A_476, %select_n3A_464, %broadcast_in_dim3A_478 : vector<1024x128xi1>, vector<1024x128xf32>
          %reduce_min3A_480 = arith.constant dense<0x7F800000> : vector<1024xf32>
          %reduce_min3A_481 = vector.multi_reduction <minimumf>, %select_n3A_479, %reduce_min3A_480 [1] : vector<1024x128xf32> to vector<1024xf32>
          %broadcast_in_dim3A_482 = vector.shape_cast %reduce_min3A_481 : vector<1024xf32> to vector<1024x1xf32>
          %broadcast_in_dim3A_483 = vector.shape_cast %broadcast_in_dim3A_482 : vector<1024x1xf32> to vector<1024x1xf32>
          %broadcast_in_dim3A_484 = vector.broadcast %broadcast_in_dim3A_483 : vector<1024x1xf32> to vector<1024x128xf32>
          %swap3A_485 = arith.constant 0 : index
          %swap3A_486 = arith.constant 0 : index
          %swap3A_487 = vector.load %arg9[%swap3A_485, %swap3A_486] : memref<1024x128xf32, #tpu.memory_space<vmem>>, vector<1024x128xf32>
          tpu.vector_store %arg9[%swap3A_485, %swap3A_486], %broadcast_in_dim3A_484 {strides = array<i32>} : memref<1024x128xf32, #tpu.memory_space<vmem>>, vector<1024x128xf32>,
        } else {
        }
        %gt3A_399 = arith.constant 0 : i32
        %gt3A_400 = arith.cmpi sgt, %reduce_max3A_294, %gt3A_399 : i32
        %convert_element_type3A_401 = arith.extui %gt3A_400 : i1 to i32
        %cond3A_402 = arith.constant 0 : i32
        %cond3A_403 = arith.cmpi ne, %convert_element_type3A_401, %cond3A_402 : i32
        scf.if %cond3A_403 {
          %get3A_414 = arith.constant 0 : index
          %get3A_415 = arith.constant 1664 : index
          %get3A_416 = vector.load %arg6[%get3A_414, %get3A_415] : memref<1024x2048xf32, #tpu.memory_space<vmem>>, vector<1024x128xf32>
          %get3A_417 = arith.constant 0 : index
          %get3A_418 = arith.constant 0 : index
          %get3A_419 = vector.load %arg9[%get3A_417, %get3A_418] : memref<1024x128xf32, #tpu.memory_space<vmem>>, vector<1024x128xf32>
          %gt3A_420 = vector.broadcast %broadcast_in_dim3A_283 : vector<1024x1xf32> to vector<1024x128xf32>
          %gt3A_421 = arith.cmpf ogt, %gt3A_420, %get3A_419 : vector<1024x128xf32>
          %eq3A_422 = vector.broadcast %broadcast_in_dim3A_283 : vector<1024x1xf32> to vector<1024x128xf32>
          %eq3A_423 = arith.cmpf oeq, %get3A_416, %eq3A_422 : vector<1024x128xf32>
          %jit3A_424 = arith.constant 128 : i32
          %broadcast_in_dim3A_425 = vector.broadcast %jit3A_424 : i32 to vector<1024x128xi32>
          %select_n3A_426 = arith.select %eq3A_423, %iota3A, %broadcast_in_dim3A_425 : vector<1024x128xi1>, vector<1024x128xi32>
          %reduce_min3A_427 = arith.constant dense<2147483647> : vector<1024xi32>
          %reduce_min3A_428 = vector.multi_reduction <minsi>, %select_n3A_426, %reduce_min3A_427 [1] : vector<1024x128xi32> to vector<1024xi32>
          %broadcast_in_dim3A_429 = vector.shape_cast %reduce_min3A_428 : vector<1024xi32> to vector<1024x1xi32>
          %eq3A_430 = vector.broadcast %broadcast_in_dim3A_429 : vector<1024x1xi32> to vector<1024x128xi32>
          %eq3A_431 = arith.cmpi eq, %iota3A, %eq3A_430 : vector<1024x128xi32>
          %jit3A_432 = arith.constant -3.000000e+38 : f32
          %broadcast_in_dim3A_433 = vector.broadcast %jit3A_432 : f32 to vector<1024x128xf32>
          %select_n3A_434 = arith.select %eq3A_431, %broadcast_in_dim3A_433, %get3A_416 : vector<1024x128xi1>, vector<1024x128xf32>
          %swap3A_435 = arith.constant 0 : index
          %swap3A_436 = arith.constant 1664 : index
          %swap3A_437 = vector.load %arg6[%swap3A_435, %swap3A_436] : memref<1024x2048xf32, #tpu.memory_space<vmem>>, vector<1024x128xf32>
          tpu.vector_store %arg6[%swap3A_435, %swap3A_436], %select_n3A_434 {strides = array<i32>} : memref<1024x2048xf32, #tpu.memory_space<vmem>>, vector<1024x128xf32>,
          %mul3A = arith.constant 2048 : i32
          %mul3A_438 = arith.muli %arg1, %mul3A : i32
          %add3A = arith.constant 1664 : i32
          %add3A_439 = arith.addi %mul3A_438, %add3A : i32
          %add3A_440 = vector.broadcast %add3A_439 : i32 to vector<1024x1xi32>
          %add3A_441 = arith.addi %add3A_440, %broadcast_in_dim3A_429 : vector<1024x1xi32>
          %get3A_442 = arith.constant 0 : index
          %get3A_443 = arith.constant 0 : index
          %get3A_444 = vector.load %arg7[%get3A_442, %get3A_443] : memref<1024x128xf32, #tpu.memory_space<vmem>>, vector<1024x128xf32>
          %get3A_445 = arith.constant 0 : index
          %get3A_446 = arith.constant 0 : index
          %get3A_447 = vector.load %arg8[%get3A_445, %get3A_446] : memref<1024x128xi32, #tpu.memory_space<vmem>>, vector<1024x128xi32>
          %eq3A_448 = arith.cmpf oeq, %get3A_444, %get3A_419 : vector<1024x128xf32>
          %lt3A_449 = arith.constant 20 : i32
          %lt3A_450 = vector.broadcast %lt3A_449 : i32 to vector<1024x128xi32>
          %lt3A_451 = arith.cmpi slt, %iota3A, %lt3A_450 : vector<1024x128xi32>
          %and3A = arith.andi %eq3A_448, %lt3A_451 : vector<1024x128xi1>
          %jit3A_452 = arith.constant -1 : i32
          %broadcast_in_dim3A_453 = vector.broadcast %jit3A_452 : i32 to vector<1024x128xi32>
          %select_n3A_454 = arith.select %and3A, %get3A_447, %broadcast_in_dim3A_453 : vector<1024x128xi1>, vector<1024x128xi32>
          %reduce_max3A_455 = arith.constant dense<-2147483648> : vector<1024xi32>
          %reduce_max3A_456 = vector.multi_reduction <maxsi>, %select_n3A_454, %reduce_max3A_455 [1] : vector<1024x128xi32> to vector<1024xi32>
          %broadcast_in_dim3A_457 = vector.shape_cast %reduce_max3A_456 : vector<1024xi32> to vector<1024x1xi32>
          %eq3A_458 = vector.broadcast %broadcast_in_dim3A_457 : vector<1024x1xi32> to vector<1024x128xi32>
          %eq3A_459 = arith.cmpi eq, %get3A_447, %eq3A_458 : vector<1024x128xi32>
          %and3A_460 = arith.andi %and3A, %eq3A_459 : vector<1024x128xi1>
          %and3A_461 = arith.andi %and3A_460, %gt3A_421 : vector<1024x128xi1>
          %broadcast_in_dim3A_462 = vector.shape_cast %broadcast_in_dim3A_283 : vector<1024x1xf32> to vector<1024x1xf32>
          %broadcast_in_dim3A_463 = vector.broadcast %broadcast_in_dim3A_462 : vector<1024x1xf32> to vector<1024x128xf32>
          %select_n3A_464 = arith.select %and3A_461, %broadcast_in_dim3A_463, %get3A_444 : vector<1024x128xi1>, vector<1024x128xf32>
          %broadcast_in_dim3A_465 = vector.shape_cast %add3A_441 : vector<1024x1xi32> to vector<1024x1xi32>
          %broadcast_in_dim3A_466 = vector.broadcast %broadcast_in_dim3A_465 : vector<1024x1xi32> to vector<1024x128xi32>
          %select_n3A_467 = arith.select %and3A_461, %broadcast_in_dim3A_466, %get3A_447 : vector<1024x128xi1>, vector<1024x128xi32>
          %swap3A_468 = arith.constant 0 : index
          %swap3A_469 = arith.constant 0 : index
          %swap3A_470 = vector.load %arg7[%swap3A_468, %swap3A_469] : memref<1024x128xf32, #tpu.memory_space<vmem>>, vector<1024x128xf32>
          tpu.vector_store %arg7[%swap3A_468, %swap3A_469], %select_n3A_464 {strides = array<i32>} : memref<1024x128xf32, #tpu.memory_space<vmem>>, vector<1024x128xf32>,
          %swap3A_471 = arith.constant 0 : index
          %swap3A_472 = arith.constant 0 : index
          %swap3A_473 = vector.load %arg8[%swap3A_471, %swap3A_472] : memref<1024x128xi32, #tpu.memory_space<vmem>>, vector<1024x128xi32>
          tpu.vector_store %arg8[%swap3A_471, %swap3A_472], %select_n3A_467 {strides = array<i32>} : memref<1024x128xi32, #tpu.memory_space<vmem>>, vector<1024x128xi32>,
          %lt3A_474 = arith.constant 20 : i32
          %lt3A_475 = vector.broadcast %lt3A_474 : i32 to vector<1024x128xi32>
          %lt3A_476 = arith.cmpi slt, %iota3A, %lt3A_475 : vector<1024x128xi32>
          %jit3A_477 = arith.constant 3.000000e+38 : f32
          %broadcast_in_dim3A_478 = vector.broadcast %jit3A_477 : f32 to vector<1024x128xf32>
          %select_n3A_479 = arith.select %lt3A_476, %select_n3A_464, %broadcast_in_dim3A_478 : vector<1024x128xi1>, vector<1024x128xf32>
          %reduce_min3A_480 = arith.constant dense<0x7F800000> : vector<1024xf32>
          %reduce_min3A_481 = vector.multi_reduction <minimumf>, %select_n3A_479, %reduce_min3A_480 [1] : vector<1024x128xf32> to vector<1024xf32>
          %broadcast_in_dim3A_482 = vector.shape_cast %reduce_min3A_481 : vector<1024xf32> to vector<1024x1xf32>
          %broadcast_in_dim3A_483 = vector.shape_cast %broadcast_in_dim3A_482 : vector<1024x1xf32> to vector<1024x1xf32>
          %broadcast_in_dim3A_484 = vector.broadcast %broadcast_in_dim3A_483 : vector<1024x1xf32> to vector<1024x128xf32>
          %swap3A_485 = arith.constant 0 : index
          %swap3A_486 = arith.constant 0 : index
          %swap3A_487 = vector.load %arg9[%swap3A_485, %swap3A_486] : memref<1024x128xf32, #tpu.memory_space<vmem>>, vector<1024x128xf32>
          tpu.vector_store %arg9[%swap3A_485, %swap3A_486], %broadcast_in_dim3A_484 {strides = array<i32>} : memref<1024x128xf32, #tpu.memory_space<vmem>>, vector<1024x128xf32>,
        } else {
        }
        %gt3A_404 = arith.constant 0 : i32
        %gt3A_405 = arith.cmpi sgt, %reduce_max3A_312, %gt3A_404 : i32
        %convert_element_type3A_406 = arith.extui %gt3A_405 : i1 to i32
        %cond3A_407 = arith.constant 0 : i32
        %cond3A_408 = arith.cmpi ne, %convert_element_type3A_406, %cond3A_407 : i32
        scf.if %cond3A_408 {
          %get3A_414 = arith.constant 0 : index
          %get3A_415 = arith.constant 1792 : index
          %get3A_416 = vector.load %arg6[%get3A_414, %get3A_415] : memref<1024x2048xf32, #tpu.memory_space<vmem>>, vector<1024x128xf32>
          %get3A_417 = arith.constant 0 : index
          %get3A_418 = arith.constant 0 : index
          %get3A_419 = vector.load %arg9[%get3A_417, %get3A_418] : memref<1024x128xf32, #tpu.memory_space<vmem>>, vector<1024x128xf32>
          %gt3A_420 = vector.broadcast %broadcast_in_dim3A_301 : vector<1024x1xf32> to vector<1024x128xf32>
          %gt3A_421 = arith.cmpf ogt, %gt3A_420, %get3A_419 : vector<1024x128xf32>
          %eq3A_422 = vector.broadcast %broadcast_in_dim3A_301 : vector<1024x1xf32> to vector<1024x128xf32>
          %eq3A_423 = arith.cmpf oeq, %get3A_416, %eq3A_422 : vector<1024x128xf32>
          %jit3A_424 = arith.constant 128 : i32
          %broadcast_in_dim3A_425 = vector.broadcast %jit3A_424 : i32 to vector<1024x128xi32>
          %select_n3A_426 = arith.select %eq3A_423, %iota3A, %broadcast_in_dim3A_425 : vector<1024x128xi1>, vector<1024x128xi32>
          %reduce_min3A_427 = arith.constant dense<2147483647> : vector<1024xi32>
          %reduce_min3A_428 = vector.multi_reduction <minsi>, %select_n3A_426, %reduce_min3A_427 [1] : vector<1024x128xi32> to vector<1024xi32>
          %broadcast_in_dim3A_429 = vector.shape_cast %reduce_min3A_428 : vector<1024xi32> to vector<1024x1xi32>
          %eq3A_430 = vector.broadcast %broadcast_in_dim3A_429 : vector<1024x1xi32> to vector<1024x128xi32>
          %eq3A_431 = arith.cmpi eq, %iota3A, %eq3A_430 : vector<1024x128xi32>
          %jit3A_432 = arith.constant -3.000000e+38 : f32
          %broadcast_in_dim3A_433 = vector.broadcast %jit3A_432 : f32 to vector<1024x128xf32>
          %select_n3A_434 = arith.select %eq3A_431, %broadcast_in_dim3A_433, %get3A_416 : vector<1024x128xi1>, vector<1024x128xf32>
          %swap3A_435 = arith.constant 0 : index
          %swap3A_436 = arith.constant 1792 : index
          %swap3A_437 = vector.load %arg6[%swap3A_435, %swap3A_436] : memref<1024x2048xf32, #tpu.memory_space<vmem>>, vector<1024x128xf32>
          tpu.vector_store %arg6[%swap3A_435, %swap3A_436], %select_n3A_434 {strides = array<i32>} : memref<1024x2048xf32, #tpu.memory_space<vmem>>, vector<1024x128xf32>,
          %mul3A = arith.constant 2048 : i32
          %mul3A_438 = arith.muli %arg1, %mul3A : i32
          %add3A = arith.constant 1792 : i32
          %add3A_439 = arith.addi %mul3A_438, %add3A : i32
          %add3A_440 = vector.broadcast %add3A_439 : i32 to vector<1024x1xi32>
          %add3A_441 = arith.addi %add3A_440, %broadcast_in_dim3A_429 : vector<1024x1xi32>
          %get3A_442 = arith.constant 0 : index
          %get3A_443 = arith.constant 0 : index
          %get3A_444 = vector.load %arg7[%get3A_442, %get3A_443] : memref<1024x128xf32, #tpu.memory_space<vmem>>, vector<1024x128xf32>
          %get3A_445 = arith.constant 0 : index
          %get3A_446 = arith.constant 0 : index
          %get3A_447 = vector.load %arg8[%get3A_445, %get3A_446] : memref<1024x128xi32, #tpu.memory_space<vmem>>, vector<1024x128xi32>
          %eq3A_448 = arith.cmpf oeq, %get3A_444, %get3A_419 : vector<1024x128xf32>
          %lt3A_449 = arith.constant 20 : i32
          %lt3A_450 = vector.broadcast %lt3A_449 : i32 to vector<1024x128xi32>
          %lt3A_451 = arith.cmpi slt, %iota3A, %lt3A_450 : vector<1024x128xi32>
          %and3A = arith.andi %eq3A_448, %lt3A_451 : vector<1024x128xi1>
          %jit3A_452 = arith.constant -1 : i32
          %broadcast_in_dim3A_453 = vector.broadcast %jit3A_452 : i32 to vector<1024x128xi32>
          %select_n3A_454 = arith.select %and3A, %get3A_447, %broadcast_in_dim3A_453 : vector<1024x128xi1>, vector<1024x128xi32>
          %reduce_max3A_455 = arith.constant dense<-2147483648> : vector<1024xi32>
          %reduce_max3A_456 = vector.multi_reduction <maxsi>, %select_n3A_454, %reduce_max3A_455 [1] : vector<1024x128xi32> to vector<1024xi32>
          %broadcast_in_dim3A_457 = vector.shape_cast %reduce_max3A_456 : vector<1024xi32> to vector<1024x1xi32>
          %eq3A_458 = vector.broadcast %broadcast_in_dim3A_457 : vector<1024x1xi32> to vector<1024x128xi32>
          %eq3A_459 = arith.cmpi eq, %get3A_447, %eq3A_458 : vector<1024x128xi32>
          %and3A_460 = arith.andi %and3A, %eq3A_459 : vector<1024x128xi1>
          %and3A_461 = arith.andi %and3A_460, %gt3A_421 : vector<1024x128xi1>
          %broadcast_in_dim3A_462 = vector.shape_cast %broadcast_in_dim3A_301 : vector<1024x1xf32> to vector<1024x1xf32>
          %broadcast_in_dim3A_463 = vector.broadcast %broadcast_in_dim3A_462 : vector<1024x1xf32> to vector<1024x128xf32>
          %select_n3A_464 = arith.select %and3A_461, %broadcast_in_dim3A_463, %get3A_444 : vector<1024x128xi1>, vector<1024x128xf32>
          %broadcast_in_dim3A_465 = vector.shape_cast %add3A_441 : vector<1024x1xi32> to vector<1024x1xi32>
          %broadcast_in_dim3A_466 = vector.broadcast %broadcast_in_dim3A_465 : vector<1024x1xi32> to vector<1024x128xi32>
          %select_n3A_467 = arith.select %and3A_461, %broadcast_in_dim3A_466, %get3A_447 : vector<1024x128xi1>, vector<1024x128xi32>
          %swap3A_468 = arith.constant 0 : index
          %swap3A_469 = arith.constant 0 : index
          %swap3A_470 = vector.load %arg7[%swap3A_468, %swap3A_469] : memref<1024x128xf32, #tpu.memory_space<vmem>>, vector<1024x128xf32>
          tpu.vector_store %arg7[%swap3A_468, %swap3A_469], %select_n3A_464 {strides = array<i32>} : memref<1024x128xf32, #tpu.memory_space<vmem>>, vector<1024x128xf32>,
          %swap3A_471 = arith.constant 0 : index
          %swap3A_472 = arith.constant 0 : index
          %swap3A_473 = vector.load %arg8[%swap3A_471, %swap3A_472] : memref<1024x128xi32, #tpu.memory_space<vmem>>, vector<1024x128xi32>
          tpu.vector_store %arg8[%swap3A_471, %swap3A_472], %select_n3A_467 {strides = array<i32>} : memref<1024x128xi32, #tpu.memory_space<vmem>>, vector<1024x128xi32>,
          %lt3A_474 = arith.constant 20 : i32
          %lt3A_475 = vector.broadcast %lt3A_474 : i32 to vector<1024x128xi32>
          %lt3A_476 = arith.cmpi slt, %iota3A, %lt3A_475 : vector<1024x128xi32>
          %jit3A_477 = arith.constant 3.000000e+38 : f32
          %broadcast_in_dim3A_478 = vector.broadcast %jit3A_477 : f32 to vector<1024x128xf32>
          %select_n3A_479 = arith.select %lt3A_476, %select_n3A_464, %broadcast_in_dim3A_478 : vector<1024x128xi1>, vector<1024x128xf32>
          %reduce_min3A_480 = arith.constant dense<0x7F800000> : vector<1024xf32>
          %reduce_min3A_481 = vector.multi_reduction <minimumf>, %select_n3A_479, %reduce_min3A_480 [1] : vector<1024x128xf32> to vector<1024xf32>
          %broadcast_in_dim3A_482 = vector.shape_cast %reduce_min3A_481 : vector<1024xf32> to vector<1024x1xf32>
          %broadcast_in_dim3A_483 = vector.shape_cast %broadcast_in_dim3A_482 : vector<1024x1xf32> to vector<1024x1xf32>
          %broadcast_in_dim3A_484 = vector.broadcast %broadcast_in_dim3A_483 : vector<1024x1xf32> to vector<1024x128xf32>
          %swap3A_485 = arith.constant 0 : index
          %swap3A_486 = arith.constant 0 : index
          %swap3A_487 = vector.load %arg9[%swap3A_485, %swap3A_486] : memref<1024x128xf32, #tpu.memory_space<vmem>>, vector<1024x128xf32>
          tpu.vector_store %arg9[%swap3A_485, %swap3A_486], %broadcast_in_dim3A_484 {strides = array<i32>} : memref<1024x128xf32, #tpu.memory_space<vmem>>, vector<1024x128xf32>,
        } else {
        }
        %gt3A_409 = arith.constant 0 : i32
        %gt3A_410 = arith.cmpi sgt, %reduce_max3A_330, %gt3A_409 : i32
        %convert_element_type3A_411 = arith.extui %gt3A_410 : i1 to i32
        %cond3A_412 = arith.constant 0 : i32
        %cond3A_413 = arith.cmpi ne, %convert_element_type3A_411, %cond3A_412 : i32
        scf.if %cond3A_413 {
          %get3A_414 = arith.constant 0 : index
          %get3A_415 = arith.constant 1920 : index
          %get3A_416 = vector.load %arg6[%get3A_414, %get3A_415] : memref<1024x2048xf32, #tpu.memory_space<vmem>>, vector<1024x128xf32>
          %get3A_417 = arith.constant 0 : index
          %get3A_418 = arith.constant 0 : index
          %get3A_419 = vector.load %arg9[%get3A_417, %get3A_418] : memref<1024x128xf32, #tpu.memory_space<vmem>>, vector<1024x128xf32>
          %gt3A_420 = vector.broadcast %broadcast_in_dim3A_319 : vector<1024x1xf32> to vector<1024x128xf32>
          %gt3A_421 = arith.cmpf ogt, %gt3A_420, %get3A_419 : vector<1024x128xf32>
          %eq3A_422 = vector.broadcast %broadcast_in_dim3A_319 : vector<1024x1xf32> to vector<1024x128xf32>
          %eq3A_423 = arith.cmpf oeq, %get3A_416, %eq3A_422 : vector<1024x128xf32>
          %jit3A_424 = arith.constant 128 : i32
          %broadcast_in_dim3A_425 = vector.broadcast %jit3A_424 : i32 to vector<1024x128xi32>
          %select_n3A_426 = arith.select %eq3A_423, %iota3A, %broadcast_in_dim3A_425 : vector<1024x128xi1>, vector<1024x128xi32>
          %reduce_min3A_427 = arith.constant dense<2147483647> : vector<1024xi32>
          %reduce_min3A_428 = vector.multi_reduction <minsi>, %select_n3A_426, %reduce_min3A_427 [1] : vector<1024x128xi32> to vector<1024xi32>
          %broadcast_in_dim3A_429 = vector.shape_cast %reduce_min3A_428 : vector<1024xi32> to vector<1024x1xi32>
          %eq3A_430 = vector.broadcast %broadcast_in_dim3A_429 : vector<1024x1xi32> to vector<1024x128xi32>
          %eq3A_431 = arith.cmpi eq, %iota3A, %eq3A_430 : vector<1024x128xi32>
          %jit3A_432 = arith.constant -3.000000e+38 : f32
          %broadcast_in_dim3A_433 = vector.broadcast %jit3A_432 : f32 to vector<1024x128xf32>
          %select_n3A_434 = arith.select %eq3A_431, %broadcast_in_dim3A_433, %get3A_416 : vector<1024x128xi1>, vector<1024x128xf32>
          %swap3A_435 = arith.constant 0 : index
          %swap3A_436 = arith.constant 1920 : index
          %swap3A_437 = vector.load %arg6[%swap3A_435, %swap3A_436] : memref<1024x2048xf32, #tpu.memory_space<vmem>>, vector<1024x128xf32>
          tpu.vector_store %arg6[%swap3A_435, %swap3A_436], %select_n3A_434 {strides = array<i32>} : memref<1024x2048xf32, #tpu.memory_space<vmem>>, vector<1024x128xf32>,
          %mul3A = arith.constant 2048 : i32
          %mul3A_438 = arith.muli %arg1, %mul3A : i32
          %add3A = arith.constant 1920 : i32
          %add3A_439 = arith.addi %mul3A_438, %add3A : i32
          %add3A_440 = vector.broadcast %add3A_439 : i32 to vector<1024x1xi32>
          %add3A_441 = arith.addi %add3A_440, %broadcast_in_dim3A_429 : vector<1024x1xi32>
          %get3A_442 = arith.constant 0 : index
          %get3A_443 = arith.constant 0 : index
          %get3A_444 = vector.load %arg7[%get3A_442, %get3A_443] : memref<1024x128xf32, #tpu.memory_space<vmem>>, vector<1024x128xf32>
          %get3A_445 = arith.constant 0 : index
          %get3A_446 = arith.constant 0 : index
          %get3A_447 = vector.load %arg8[%get3A_445, %get3A_446] : memref<1024x128xi32, #tpu.memory_space<vmem>>, vector<1024x128xi32>
          %eq3A_448 = arith.cmpf oeq, %get3A_444, %get3A_419 : vector<1024x128xf32>
          %lt3A_449 = arith.constant 20 : i32
          %lt3A_450 = vector.broadcast %lt3A_449 : i32 to vector<1024x128xi32>
          %lt3A_451 = arith.cmpi slt, %iota3A, %lt3A_450 : vector<1024x128xi32>
          %and3A = arith.andi %eq3A_448, %lt3A_451 : vector<1024x128xi1>
          %jit3A_452 = arith.constant -1 : i32
          %broadcast_in_dim3A_453 = vector.broadcast %jit3A_452 : i32 to vector<1024x128xi32>
          %select_n3A_454 = arith.select %and3A, %get3A_447, %broadcast_in_dim3A_453 : vector<1024x128xi1>, vector<1024x128xi32>
          %reduce_max3A_455 = arith.constant dense<-2147483648> : vector<1024xi32>
          %reduce_max3A_456 = vector.multi_reduction <maxsi>, %select_n3A_454, %reduce_max3A_455 [1] : vector<1024x128xi32> to vector<1024xi32>
          %broadcast_in_dim3A_457 = vector.shape_cast %reduce_max3A_456 : vector<1024xi32> to vector<1024x1xi32>
          %eq3A_458 = vector.broadcast %broadcast_in_dim3A_457 : vector<1024x1xi32> to vector<1024x128xi32>
          %eq3A_459 = arith.cmpi eq, %get3A_447, %eq3A_458 : vector<1024x128xi32>
          %and3A_460 = arith.andi %and3A, %eq3A_459 : vector<1024x128xi1>
          %and3A_461 = arith.andi %and3A_460, %gt3A_421 : vector<1024x128xi1>
          %broadcast_in_dim3A_462 = vector.shape_cast %broadcast_in_dim3A_319 : vector<1024x1xf32> to vector<1024x1xf32>
          %broadcast_in_dim3A_463 = vector.broadcast %broadcast_in_dim3A_462 : vector<1024x1xf32> to vector<1024x128xf32>
          %select_n3A_464 = arith.select %and3A_461, %broadcast_in_dim3A_463, %get3A_444 : vector<1024x128xi1>, vector<1024x128xf32>
          %broadcast_in_dim3A_465 = vector.shape_cast %add3A_441 : vector<1024x1xi32> to vector<1024x1xi32>
          %broadcast_in_dim3A_466 = vector.broadcast %broadcast_in_dim3A_465 : vector<1024x1xi32> to vector<1024x128xi32>
          %select_n3A_467 = arith.select %and3A_461, %broadcast_in_dim3A_466, %get3A_447 : vector<1024x128xi1>, vector<1024x128xi32>
          %swap3A_468 = arith.constant 0 : index
          %swap3A_469 = arith.constant 0 : index
          %swap3A_470 = vector.load %arg7[%swap3A_468, %swap3A_469] : memref<1024x128xf32, #tpu.memory_space<vmem>>, vector<1024x128xf32>
          tpu.vector_store %arg7[%swap3A_468, %swap3A_469], %select_n3A_464 {strides = array<i32>} : memref<1024x128xf32, #tpu.memory_space<vmem>>, vector<1024x128xf32>,
          %swap3A_471 = arith.constant 0 : index
          %swap3A_472 = arith.constant 0 : index
          %swap3A_473 = vector.load %arg8[%swap3A_471, %swap3A_472] : memref<1024x128xi32, #tpu.memory_space<vmem>>, vector<1024x128xi32>
          tpu.vector_store %arg8[%swap3A_471, %swap3A_472], %select_n3A_467 {strides = array<i32>} : memref<1024x128xi32, #tpu.memory_space<vmem>>, vector<1024x128xi32>,
          %lt3A_474 = arith.constant 20 : i32
          %lt3A_475 = vector.broadcast %lt3A_474 : i32 to vector<1024x128xi32>
          %lt3A_476 = arith.cmpi slt, %iota3A, %lt3A_475 : vector<1024x128xi32>
          %jit3A_477 = arith.constant 3.000000e+38 : f32
          %broadcast_in_dim3A_478 = vector.broadcast %jit3A_477 : f32 to vector<1024x128xf32>
          %select_n3A_479 = arith.select %lt3A_476, %select_n3A_464, %broadcast_in_dim3A_478 : vector<1024x128xi1>, vector<1024x128xf32>
          %reduce_min3A_480 = arith.constant dense<0x7F800000> : vector<1024xf32>
          %reduce_min3A_481 = vector.multi_reduction <minimumf>, %select_n3A_479, %reduce_min3A_480 [1] : vector<1024x128xf32> to vector<1024xf32>
          %broadcast_in_dim3A_482 = vector.shape_cast %reduce_min3A_481 : vector<1024xf32> to vector<1024x1xf32>
          %broadcast_in_dim3A_483 = vector.shape_cast %broadcast_in_dim3A_482 : vector<1024x1xf32> to vector<1024x1xf32>
          %broadcast_in_dim3A_484 = vector.broadcast %broadcast_in_dim3A_483 : vector<1024x1xf32> to vector<1024x128xf32>
          %swap3A_485 = arith.constant 0 : index
          %swap3A_486 = arith.constant 0 : index
          %swap3A_487 = vector.load %arg9[%swap3A_485, %swap3A_486] : memref<1024x128xf32, #tpu.memory_space<vmem>>, vector<1024x128xf32>
          tpu.vector_store %arg9[%swap3A_485, %swap3A_486], %broadcast_in_dim3A_484 {strides = array<i32>} : memref<1024x128xf32, #tpu.memory_space<vmem>>, vector<1024x128xf32>,
        } else {
        }
      } else {
      }
    }
    %eq3A_21 = arith.constant 48 : i32
    %eq3A_22 = arith.cmpi eq, %arg1, %eq3A_21 : i32
    %convert_element_type3A_23 = arith.extui %eq3A_22 : i1 to i32
    %cond3A_24 = arith.constant 0 : i32
    %cond3A_25 = arith.cmpi ne, %convert_element_type3A_23, %cond3A_24 : i32
    scf.if %cond3A_25 {
      %broadcast_in_dim3A = arith.constant 0.000000e+00 : f32
      %broadcast_in_dim3A_26 = vector.broadcast %broadcast_in_dim3A : f32 to vector<1024x32xf32>
      %swap3A_27 = arith.constant 0 : index
      %swap3A_28 = arith.constant 0 : index
      %swap3A_29 = vector.load %arg4[%swap3A_27, %swap3A_28] : memref<1024x32xf32, #tpu.memory_space<vmem>>, vector<1024x32xf32>
      tpu.vector_store %arg4[%swap3A_27, %swap3A_28], %broadcast_in_dim3A_26 {strides = array<i32>} : memref<1024x32xf32, #tpu.memory_space<vmem>>, vector<1024x32xf32>,
      %broadcast_in_dim3A_30 = arith.constant 0 : i32
      %broadcast_in_dim3A_31 = vector.broadcast %broadcast_in_dim3A_30 : i32 to vector<1024x32xi32>
      %swap3A_32 = arith.constant 0 : index
      %swap3A_33 = arith.constant 0 : index
      %swap3A_34 = vector.load %arg5[%swap3A_32, %swap3A_33] : memref<1024x32xi32, #tpu.memory_space<vmem>>, vector<1024x32xi32>
      tpu.vector_store %arg5[%swap3A_32, %swap3A_33], %broadcast_in_dim3A_31 {strides = array<i32>} : memref<1024x32xi32, #tpu.memory_space<vmem>>, vector<1024x32xi32>,
      %get3A_35 = arith.constant 0 : index
      %get3A_36 = arith.constant 0 : index
      %get3A_37 = vector.load %arg7[%get3A_35, %get3A_36] : memref<1024x128xf32, #tpu.memory_space<vmem>>, vector<1024x128xf32>
      %get3A_38 = arith.constant 0 : index
      %get3A_39 = arith.constant 0 : index
      %get3A_40 = vector.load %arg8[%get3A_38, %get3A_39] : memref<1024x128xi32, #tpu.memory_space<vmem>>, vector<1024x128xi32>
      %lt3A = arith.constant 20 : i32
      %lt3A_41 = vector.broadcast %lt3A : i32 to vector<1024x128xi32>
      %lt3A_42 = arith.cmpi slt, %iota3A, %lt3A_41 : vector<1024x128xi32>
      %jit3A = arith.constant -3.000000e+38 : f32
      %broadcast_in_dim3A_43 = vector.broadcast %jit3A : f32 to vector<1024x128xf32>
      %select_n3A = arith.select %lt3A_42, %get3A_37, %broadcast_in_dim3A_43 : vector<1024x128xi1>, vector<1024x128xf32>
      %reduce_max3A = arith.constant dense<0xFF800000> : vector<1024xf32>
      %reduce_max3A_44 = vector.multi_reduction <maximumf>, %select_n3A, %reduce_max3A [1] : vector<1024x128xf32> to vector<1024xf32>
      %broadcast_in_dim3A_45 = vector.shape_cast %reduce_max3A_44 : vector<1024xf32> to vector<1024x1xf32>
      %eq3A_46 = vector.broadcast %broadcast_in_dim3A_45 : vector<1024x1xf32> to vector<1024x128xf32>
      %eq3A_47 = arith.cmpf oeq, %get3A_37, %eq3A_46 : vector<1024x128xf32>
      %lt3A_48 = arith.constant 20 : i32
      %lt3A_49 = vector.broadcast %lt3A_48 : i32 to vector<1024x128xi32>
      %lt3A_50 = arith.cmpi slt, %iota3A, %lt3A_49 : vector<1024x128xi32>
      %and3A = arith.andi %eq3A_47, %lt3A_50 : vector<1024x128xi1>
      %jit3A_51 = arith.constant 2147483647 : i32
      %broadcast_in_dim3A_52 = vector.broadcast %jit3A_51 : i32 to vector<1024x128xi32>
      %select_n3A_53 = arith.select %and3A, %get3A_40, %broadcast_in_dim3A_52 : vector<1024x128xi1>, vector<1024x128xi32>
      %reduce_min3A = arith.constant dense<2147483647> : vector<1024xi32>
      %reduce_min3A_54 = vector.multi_reduction <minsi>, %select_n3A_53, %reduce_min3A [1] : vector<1024x128xi32> to vector<1024xi32>
      %broadcast_in_dim3A_55 = vector.shape_cast %reduce_min3A_54 : vector<1024xi32> to vector<1024x1xi32>
      %swap3A_56 = arith.constant 0 : index
      %swap3A_57 = arith.constant 0 : index
      %swap3A_58 = vector.load %arg5[%swap3A_56, %swap3A_57] : memref<1024x32xi32, #tpu.memory_space<vmem>>, vector<1024x1xi32>
      tpu.vector_store %arg5[%swap3A_56, %swap3A_57], %broadcast_in_dim3A_55 {strides = array<i32>} : memref<1024x32xi32, #tpu.memory_space<vmem>>, vector<1024x1xi32>,
      %eq3A_59 = vector.broadcast %broadcast_in_dim3A_55 : vector<1024x1xi32> to vector<1024x128xi32>
      %eq3A_60 = arith.cmpi eq, %get3A_40, %eq3A_59 : vector<1024x128xi32>
      %and3A_61 = arith.andi %and3A, %eq3A_60 : vector<1024x128xi1>
      %jit3A_62 = arith.constant -3.000000e+38 : f32
      %broadcast_in_dim3A_63 = vector.broadcast %jit3A_62 : f32 to vector<1024x128xf32>
      %select_n3A_64 = arith.select %and3A_61, %broadcast_in_dim3A_63, %get3A_37 : vector<1024x128xi1>, vector<1024x128xf32>
      %lt3A_65 = arith.constant 20 : i32
      %lt3A_66 = vector.broadcast %lt3A_65 : i32 to vector<1024x128xi32>
      %lt3A_67 = arith.cmpi slt, %iota3A, %lt3A_66 : vector<1024x128xi32>
      %jit3A_68 = arith.constant -3.000000e+38 : f32
      %broadcast_in_dim3A_69 = vector.broadcast %jit3A_68 : f32 to vector<1024x128xf32>
      %select_n3A_70 = arith.select %lt3A_67, %select_n3A_64, %broadcast_in_dim3A_69 : vector<1024x128xi1>, vector<1024x128xf32>
      %reduce_max3A_71 = arith.constant dense<0xFF800000> : vector<1024xf32>
      %reduce_max3A_72 = vector.multi_reduction <maximumf>, %select_n3A_70, %reduce_max3A_71 [1] : vector<1024x128xf32> to vector<1024xf32>
      %broadcast_in_dim3A_73 = vector.shape_cast %reduce_max3A_72 : vector<1024xf32> to vector<1024x1xf32>
      %eq3A_74 = vector.broadcast %broadcast_in_dim3A_73 : vector<1024x1xf32> to vector<1024x128xf32>
      %eq3A_75 = arith.cmpf oeq, %select_n3A_64, %eq3A_74 : vector<1024x128xf32>
      %lt3A_76 = arith.constant 20 : i32
      %lt3A_77 = vector.broadcast %lt3A_76 : i32 to vector<1024x128xi32>
      %lt3A_78 = arith.cmpi slt, %iota3A, %lt3A_77 : vector<1024x128xi32>
      %and3A_79 = arith.andi %eq3A_75, %lt3A_78 : vector<1024x128xi1>
      %jit3A_80 = arith.constant 2147483647 : i32
      %broadcast_in_dim3A_81 = vector.broadcast %jit3A_80 : i32 to vector<1024x128xi32>
      %select_n3A_82 = arith.select %and3A_79, %get3A_40, %broadcast_in_dim3A_81 : vector<1024x128xi1>, vector<1024x128xi32>
      %reduce_min3A_83 = arith.constant dense<2147483647> : vector<1024xi32>
      %reduce_min3A_84 = vector.multi_reduction <minsi>, %select_n3A_82, %reduce_min3A_83 [1] : vector<1024x128xi32> to vector<1024xi32>
      %broadcast_in_dim3A_85 = vector.shape_cast %reduce_min3A_84 : vector<1024xi32> to vector<1024x1xi32>
      %swap3A_86 = arith.constant 0 : index
      %swap3A_87 = arith.constant 1 : index
      %swap3A_88 = vector.load %arg5[%swap3A_86, %swap3A_87] : memref<1024x32xi32, #tpu.memory_space<vmem>>, vector<1024x1xi32>
      tpu.vector_store %arg5[%swap3A_86, %swap3A_87], %broadcast_in_dim3A_85 {strides = array<i32>} : memref<1024x32xi32, #tpu.memory_space<vmem>>, vector<1024x1xi32>,
      %eq3A_89 = vector.broadcast %broadcast_in_dim3A_85 : vector<1024x1xi32> to vector<1024x128xi32>
      %eq3A_90 = arith.cmpi eq, %get3A_40, %eq3A_89 : vector<1024x128xi32>
      %and3A_91 = arith.andi %and3A_79, %eq3A_90 : vector<1024x128xi1>
      %jit3A_92 = arith.constant -3.000000e+38 : f32
      %broadcast_in_dim3A_93 = vector.broadcast %jit3A_92 : f32 to vector<1024x128xf32>
      %select_n3A_94 = arith.select %and3A_91, %broadcast_in_dim3A_93, %select_n3A_64 : vector<1024x128xi1>, vector<1024x128xf32>
      %lt3A_95 = arith.constant 20 : i32
      %lt3A_96 = vector.broadcast %lt3A_95 : i32 to vector<1024x128xi32>
      %lt3A_97 = arith.cmpi slt, %iota3A, %lt3A_96 : vector<1024x128xi32>
      %jit3A_98 = arith.constant -3.000000e+38 : f32
      %broadcast_in_dim3A_99 = vector.broadcast %jit3A_98 : f32 to vector<1024x128xf32>
      %select_n3A_100 = arith.select %lt3A_97, %select_n3A_94, %broadcast_in_dim3A_99 : vector<1024x128xi1>, vector<1024x128xf32>
      %reduce_max3A_101 = arith.constant dense<0xFF800000> : vector<1024xf32>
      %reduce_max3A_102 = vector.multi_reduction <maximumf>, %select_n3A_100, %reduce_max3A_101 [1] : vector<1024x128xf32> to vector<1024xf32>
      %broadcast_in_dim3A_103 = vector.shape_cast %reduce_max3A_102 : vector<1024xf32> to vector<1024x1xf32>
      %eq3A_104 = vector.broadcast %broadcast_in_dim3A_103 : vector<1024x1xf32> to vector<1024x128xf32>
      %eq3A_105 = arith.cmpf oeq, %select_n3A_94, %eq3A_104 : vector<1024x128xf32>
      %lt3A_106 = arith.constant 20 : i32
      %lt3A_107 = vector.broadcast %lt3A_106 : i32 to vector<1024x128xi32>
      %lt3A_108 = arith.cmpi slt, %iota3A, %lt3A_107 : vector<1024x128xi32>
      %and3A_109 = arith.andi %eq3A_105, %lt3A_108 : vector<1024x128xi1>
      %jit3A_110 = arith.constant 2147483647 : i32
      %broadcast_in_dim3A_111 = vector.broadcast %jit3A_110 : i32 to vector<1024x128xi32>
      %select_n3A_112 = arith.select %and3A_109, %get3A_40, %broadcast_in_dim3A_111 : vector<1024x128xi1>, vector<1024x128xi32>
      %reduce_min3A_113 = arith.constant dense<2147483647> : vector<1024xi32>
      %reduce_min3A_114 = vector.multi_reduction <minsi>, %select_n3A_112, %reduce_min3A_113 [1] : vector<1024x128xi32> to vector<1024xi32>
      %broadcast_in_dim3A_115 = vector.shape_cast %reduce_min3A_114 : vector<1024xi32> to vector<1024x1xi32>
      %swap3A_116 = arith.constant 0 : index
      %swap3A_117 = arith.constant 2 : index
      %swap3A_118 = vector.load %arg5[%swap3A_116, %swap3A_117] : memref<1024x32xi32, #tpu.memory_space<vmem>>, vector<1024x1xi32>
      tpu.vector_store %arg5[%swap3A_116, %swap3A_117], %broadcast_in_dim3A_115 {strides = array<i32>} : memref<1024x32xi32, #tpu.memory_space<vmem>>, vector<1024x1xi32>,
      %eq3A_119 = vector.broadcast %broadcast_in_dim3A_115 : vector<1024x1xi32> to vector<1024x128xi32>
      %eq3A_120 = arith.cmpi eq, %get3A_40, %eq3A_119 : vector<1024x128xi32>
      %and3A_121 = arith.andi %and3A_109, %eq3A_120 : vector<1024x128xi1>
      %jit3A_122 = arith.constant -3.000000e+38 : f32
      %broadcast_in_dim3A_123 = vector.broadcast %jit3A_122 : f32 to vector<1024x128xf32>
      %select_n3A_124 = arith.select %and3A_121, %broadcast_in_dim3A_123, %select_n3A_94 : vector<1024x128xi1>, vector<1024x128xf32>
      %lt3A_125 = arith.constant 20 : i32
      %lt3A_126 = vector.broadcast %lt3A_125 : i32 to vector<1024x128xi32>
      %lt3A_127 = arith.cmpi slt, %iota3A, %lt3A_126 : vector<1024x128xi32>
      %jit3A_128 = arith.constant -3.000000e+38 : f32
      %broadcast_in_dim3A_129 = vector.broadcast %jit3A_128 : f32 to vector<1024x128xf32>
      %select_n3A_130 = arith.select %lt3A_127, %select_n3A_124, %broadcast_in_dim3A_129 : vector<1024x128xi1>, vector<1024x128xf32>
      %reduce_max3A_131 = arith.constant dense<0xFF800000> : vector<1024xf32>
      %reduce_max3A_132 = vector.multi_reduction <maximumf>, %select_n3A_130, %reduce_max3A_131 [1] : vector<1024x128xf32> to vector<1024xf32>
      %broadcast_in_dim3A_133 = vector.shape_cast %reduce_max3A_132 : vector<1024xf32> to vector<1024x1xf32>
      %eq3A_134 = vector.broadcast %broadcast_in_dim3A_133 : vector<1024x1xf32> to vector<1024x128xf32>
      %eq3A_135 = arith.cmpf oeq, %select_n3A_124, %eq3A_134 : vector<1024x128xf32>
      %lt3A_136 = arith.constant 20 : i32
      %lt3A_137 = vector.broadcast %lt3A_136 : i32 to vector<1024x128xi32>
      %lt3A_138 = arith.cmpi slt, %iota3A, %lt3A_137 : vector<1024x128xi32>
      %and3A_139 = arith.andi %eq3A_135, %lt3A_138 : vector<1024x128xi1>
      %jit3A_140 = arith.constant 2147483647 : i32
      %broadcast_in_dim3A_141 = vector.broadcast %jit3A_140 : i32 to vector<1024x128xi32>
      %select_n3A_142 = arith.select %and3A_139, %get3A_40, %broadcast_in_dim3A_141 : vector<1024x128xi1>, vector<1024x128xi32>
      %reduce_min3A_143 = arith.constant dense<2147483647> : vector<1024xi32>
      %reduce_min3A_144 = vector.multi_reduction <minsi>, %select_n3A_142, %reduce_min3A_143 [1] : vector<1024x128xi32> to vector<1024xi32>
      %broadcast_in_dim3A_145 = vector.shape_cast %reduce_min3A_144 : vector<1024xi32> to vector<1024x1xi32>
      %swap3A_146 = arith.constant 0 : index
      %swap3A_147 = arith.constant 3 : index
      %swap3A_148 = vector.load %arg5[%swap3A_146, %swap3A_147] : memref<1024x32xi32, #tpu.memory_space<vmem>>, vector<1024x1xi32>
      tpu.vector_store %arg5[%swap3A_146, %swap3A_147], %broadcast_in_dim3A_145 {strides = array<i32>} : memref<1024x32xi32, #tpu.memory_space<vmem>>, vector<1024x1xi32>,
      %eq3A_149 = vector.broadcast %broadcast_in_dim3A_145 : vector<1024x1xi32> to vector<1024x128xi32>
      %eq3A_150 = arith.cmpi eq, %get3A_40, %eq3A_149 : vector<1024x128xi32>
      %and3A_151 = arith.andi %and3A_139, %eq3A_150 : vector<1024x128xi1>
      %jit3A_152 = arith.constant -3.000000e+38 : f32
      %broadcast_in_dim3A_153 = vector.broadcast %jit3A_152 : f32 to vector<1024x128xf32>
      %select_n3A_154 = arith.select %and3A_151, %broadcast_in_dim3A_153, %select_n3A_124 : vector<1024x128xi1>, vector<1024x128xf32>
      %lt3A_155 = arith.constant 20 : i32
      %lt3A_156 = vector.broadcast %lt3A_155 : i32 to vector<1024x128xi32>
      %lt3A_157 = arith.cmpi slt, %iota3A, %lt3A_156 : vector<1024x128xi32>
      %jit3A_158 = arith.constant -3.000000e+38 : f32
      %broadcast_in_dim3A_159 = vector.broadcast %jit3A_158 : f32 to vector<1024x128xf32>
      %select_n3A_160 = arith.select %lt3A_157, %select_n3A_154, %broadcast_in_dim3A_159 : vector<1024x128xi1>, vector<1024x128xf32>
      %reduce_max3A_161 = arith.constant dense<0xFF800000> : vector<1024xf32>
      %reduce_max3A_162 = vector.multi_reduction <maximumf>, %select_n3A_160, %reduce_max3A_161 [1] : vector<1024x128xf32> to vector<1024xf32>
      %broadcast_in_dim3A_163 = vector.shape_cast %reduce_max3A_162 : vector<1024xf32> to vector<1024x1xf32>
      %eq3A_164 = vector.broadcast %broadcast_in_dim3A_163 : vector<1024x1xf32> to vector<1024x128xf32>
      %eq3A_165 = arith.cmpf oeq, %select_n3A_154, %eq3A_164 : vector<1024x128xf32>
      %lt3A_166 = arith.constant 20 : i32
      %lt3A_167 = vector.broadcast %lt3A_166 : i32 to vector<1024x128xi32>
      %lt3A_168 = arith.cmpi slt, %iota3A, %lt3A_167 : vector<1024x128xi32>
      %and3A_169 = arith.andi %eq3A_165, %lt3A_168 : vector<1024x128xi1>
      %jit3A_170 = arith.constant 2147483647 : i32
      %broadcast_in_dim3A_171 = vector.broadcast %jit3A_170 : i32 to vector<1024x128xi32>
      %select_n3A_172 = arith.select %and3A_169, %get3A_40, %broadcast_in_dim3A_171 : vector<1024x128xi1>, vector<1024x128xi32>
      %reduce_min3A_173 = arith.constant dense<2147483647> : vector<1024xi32>
      %reduce_min3A_174 = vector.multi_reduction <minsi>, %select_n3A_172, %reduce_min3A_173 [1] : vector<1024x128xi32> to vector<1024xi32>
      %broadcast_in_dim3A_175 = vector.shape_cast %reduce_min3A_174 : vector<1024xi32> to vector<1024x1xi32>
      %swap3A_176 = arith.constant 0 : index
      %swap3A_177 = arith.constant 4 : index
      %swap3A_178 = vector.load %arg5[%swap3A_176, %swap3A_177] : memref<1024x32xi32, #tpu.memory_space<vmem>>, vector<1024x1xi32>
      tpu.vector_store %arg5[%swap3A_176, %swap3A_177], %broadcast_in_dim3A_175 {strides = array<i32>} : memref<1024x32xi32, #tpu.memory_space<vmem>>, vector<1024x1xi32>,
      %eq3A_179 = vector.broadcast %broadcast_in_dim3A_175 : vector<1024x1xi32> to vector<1024x128xi32>
      %eq3A_180 = arith.cmpi eq, %get3A_40, %eq3A_179 : vector<1024x128xi32>
      %and3A_181 = arith.andi %and3A_169, %eq3A_180 : vector<1024x128xi1>
      %jit3A_182 = arith.constant -3.000000e+38 : f32
      %broadcast_in_dim3A_183 = vector.broadcast %jit3A_182 : f32 to vector<1024x128xf32>
      %select_n3A_184 = arith.select %and3A_181, %broadcast_in_dim3A_183, %select_n3A_154 : vector<1024x128xi1>, vector<1024x128xf32>
      %lt3A_185 = arith.constant 20 : i32
      %lt3A_186 = vector.broadcast %lt3A_185 : i32 to vector<1024x128xi32>
      %lt3A_187 = arith.cmpi slt, %iota3A, %lt3A_186 : vector<1024x128xi32>
      %jit3A_188 = arith.constant -3.000000e+38 : f32
      %broadcast_in_dim3A_189 = vector.broadcast %jit3A_188 : f32 to vector<1024x128xf32>
      %select_n3A_190 = arith.select %lt3A_187, %select_n3A_184, %broadcast_in_dim3A_189 : vector<1024x128xi1>, vector<1024x128xf32>
      %reduce_max3A_191 = arith.constant dense<0xFF800000> : vector<1024xf32>
      %reduce_max3A_192 = vector.multi_reduction <maximumf>, %select_n3A_190, %reduce_max3A_191 [1] : vector<1024x128xf32> to vector<1024xf32>
      %broadcast_in_dim3A_193 = vector.shape_cast %reduce_max3A_192 : vector<1024xf32> to vector<1024x1xf32>
      %eq3A_194 = vector.broadcast %broadcast_in_dim3A_193 : vector<1024x1xf32> to vector<1024x128xf32>
      %eq3A_195 = arith.cmpf oeq, %select_n3A_184, %eq3A_194 : vector<1024x128xf32>
      %lt3A_196 = arith.constant 20 : i32
      %lt3A_197 = vector.broadcast %lt3A_196 : i32 to vector<1024x128xi32>
      %lt3A_198 = arith.cmpi slt, %iota3A, %lt3A_197 : vector<1024x128xi32>
      %and3A_199 = arith.andi %eq3A_195, %lt3A_198 : vector<1024x128xi1>
      %jit3A_200 = arith.constant 2147483647 : i32
      %broadcast_in_dim3A_201 = vector.broadcast %jit3A_200 : i32 to vector<1024x128xi32>
      %select_n3A_202 = arith.select %and3A_199, %get3A_40, %broadcast_in_dim3A_201 : vector<1024x128xi1>, vector<1024x128xi32>
      %reduce_min3A_203 = arith.constant dense<2147483647> : vector<1024xi32>
      %reduce_min3A_204 = vector.multi_reduction <minsi>, %select_n3A_202, %reduce_min3A_203 [1] : vector<1024x128xi32> to vector<1024xi32>
      %broadcast_in_dim3A_205 = vector.shape_cast %reduce_min3A_204 : vector<1024xi32> to vector<1024x1xi32>
      %swap3A_206 = arith.constant 0 : index
      %swap3A_207 = arith.constant 5 : index
      %swap3A_208 = vector.load %arg5[%swap3A_206, %swap3A_207] : memref<1024x32xi32, #tpu.memory_space<vmem>>, vector<1024x1xi32>
      tpu.vector_store %arg5[%swap3A_206, %swap3A_207], %broadcast_in_dim3A_205 {strides = array<i32>} : memref<1024x32xi32, #tpu.memory_space<vmem>>, vector<1024x1xi32>,
      %eq3A_209 = vector.broadcast %broadcast_in_dim3A_205 : vector<1024x1xi32> to vector<1024x128xi32>
      %eq3A_210 = arith.cmpi eq, %get3A_40, %eq3A_209 : vector<1024x128xi32>
      %and3A_211 = arith.andi %and3A_199, %eq3A_210 : vector<1024x128xi1>
      %jit3A_212 = arith.constant -3.000000e+38 : f32
      %broadcast_in_dim3A_213 = vector.broadcast %jit3A_212 : f32 to vector<1024x128xf32>
      %select_n3A_214 = arith.select %and3A_211, %broadcast_in_dim3A_213, %select_n3A_184 : vector<1024x128xi1>, vector<1024x128xf32>
      %lt3A_215 = arith.constant 20 : i32
      %lt3A_216 = vector.broadcast %lt3A_215 : i32 to vector<1024x128xi32>
      %lt3A_217 = arith.cmpi slt, %iota3A, %lt3A_216 : vector<1024x128xi32>
      %jit3A_218 = arith.constant -3.000000e+38 : f32
      %broadcast_in_dim3A_219 = vector.broadcast %jit3A_218 : f32 to vector<1024x128xf32>
      %select_n3A_220 = arith.select %lt3A_217, %select_n3A_214, %broadcast_in_dim3A_219 : vector<1024x128xi1>, vector<1024x128xf32>
      %reduce_max3A_221 = arith.constant dense<0xFF800000> : vector<1024xf32>
      %reduce_max3A_222 = vector.multi_reduction <maximumf>, %select_n3A_220, %reduce_max3A_221 [1] : vector<1024x128xf32> to vector<1024xf32>
      %broadcast_in_dim3A_223 = vector.shape_cast %reduce_max3A_222 : vector<1024xf32> to vector<1024x1xf32>
      %eq3A_224 = vector.broadcast %broadcast_in_dim3A_223 : vector<1024x1xf32> to vector<1024x128xf32>
      %eq3A_225 = arith.cmpf oeq, %select_n3A_214, %eq3A_224 : vector<1024x128xf32>
      %lt3A_226 = arith.constant 20 : i32
      %lt3A_227 = vector.broadcast %lt3A_226 : i32 to vector<1024x128xi32>
      %lt3A_228 = arith.cmpi slt, %iota3A, %lt3A_227 : vector<1024x128xi32>
      %and3A_229 = arith.andi %eq3A_225, %lt3A_228 : vector<1024x128xi1>
      %jit3A_230 = arith.constant 2147483647 : i32
      %broadcast_in_dim3A_231 = vector.broadcast %jit3A_230 : i32 to vector<1024x128xi32>
      %select_n3A_232 = arith.select %and3A_229, %get3A_40, %broadcast_in_dim3A_231 : vector<1024x128xi1>, vector<1024x128xi32>
      %reduce_min3A_233 = arith.constant dense<2147483647> : vector<1024xi32>
      %reduce_min3A_234 = vector.multi_reduction <minsi>, %select_n3A_232, %reduce_min3A_233 [1] : vector<1024x128xi32> to vector<1024xi32>
      %broadcast_in_dim3A_235 = vector.shape_cast %reduce_min3A_234 : vector<1024xi32> to vector<1024x1xi32>
      %swap3A_236 = arith.constant 0 : index
      %swap3A_237 = arith.constant 6 : index
      %swap3A_238 = vector.load %arg5[%swap3A_236, %swap3A_237] : memref<1024x32xi32, #tpu.memory_space<vmem>>, vector<1024x1xi32>
      tpu.vector_store %arg5[%swap3A_236, %swap3A_237], %broadcast_in_dim3A_235 {strides = array<i32>} : memref<1024x32xi32, #tpu.memory_space<vmem>>, vector<1024x1xi32>,
      %eq3A_239 = vector.broadcast %broadcast_in_dim3A_235 : vector<1024x1xi32> to vector<1024x128xi32>
      %eq3A_240 = arith.cmpi eq, %get3A_40, %eq3A_239 : vector<1024x128xi32>
      %and3A_241 = arith.andi %and3A_229, %eq3A_240 : vector<1024x128xi1>
      %jit3A_242 = arith.constant -3.000000e+38 : f32
      %broadcast_in_dim3A_243 = vector.broadcast %jit3A_242 : f32 to vector<1024x128xf32>
      %select_n3A_244 = arith.select %and3A_241, %broadcast_in_dim3A_243, %select_n3A_214 : vector<1024x128xi1>, vector<1024x128xf32>
      %lt3A_245 = arith.constant 20 : i32
      %lt3A_246 = vector.broadcast %lt3A_245 : i32 to vector<1024x128xi32>
      %lt3A_247 = arith.cmpi slt, %iota3A, %lt3A_246 : vector<1024x128xi32>
      %jit3A_248 = arith.constant -3.000000e+38 : f32
      %broadcast_in_dim3A_249 = vector.broadcast %jit3A_248 : f32 to vector<1024x128xf32>
      %select_n3A_250 = arith.select %lt3A_247, %select_n3A_244, %broadcast_in_dim3A_249 : vector<1024x128xi1>, vector<1024x128xf32>
      %reduce_max3A_251 = arith.constant dense<0xFF800000> : vector<1024xf32>
      %reduce_max3A_252 = vector.multi_reduction <maximumf>, %select_n3A_250, %reduce_max3A_251 [1] : vector<1024x128xf32> to vector<1024xf32>
      %broadcast_in_dim3A_253 = vector.shape_cast %reduce_max3A_252 : vector<1024xf32> to vector<1024x1xf32>
      %eq3A_254 = vector.broadcast %broadcast_in_dim3A_253 : vector<1024x1xf32> to vector<1024x128xf32>
      %eq3A_255 = arith.cmpf oeq, %select_n3A_244, %eq3A_254 : vector<1024x128xf32>
      %lt3A_256 = arith.constant 20 : i32
      %lt3A_257 = vector.broadcast %lt3A_256 : i32 to vector<1024x128xi32>
      %lt3A_258 = arith.cmpi slt, %iota3A, %lt3A_257 : vector<1024x128xi32>
      %and3A_259 = arith.andi %eq3A_255, %lt3A_258 : vector<1024x128xi1>
      %jit3A_260 = arith.constant 2147483647 : i32
      %broadcast_in_dim3A_261 = vector.broadcast %jit3A_260 : i32 to vector<1024x128xi32>
      %select_n3A_262 = arith.select %and3A_259, %get3A_40, %broadcast_in_dim3A_261 : vector<1024x128xi1>, vector<1024x128xi32>
      %reduce_min3A_263 = arith.constant dense<2147483647> : vector<1024xi32>
      %reduce_min3A_264 = vector.multi_reduction <minsi>, %select_n3A_262, %reduce_min3A_263 [1] : vector<1024x128xi32> to vector<1024xi32>
      %broadcast_in_dim3A_265 = vector.shape_cast %reduce_min3A_264 : vector<1024xi32> to vector<1024x1xi32>
      %swap3A_266 = arith.constant 0 : index
      %swap3A_267 = arith.constant 7 : index
      %swap3A_268 = vector.load %arg5[%swap3A_266, %swap3A_267] : memref<1024x32xi32, #tpu.memory_space<vmem>>, vector<1024x1xi32>
      tpu.vector_store %arg5[%swap3A_266, %swap3A_267], %broadcast_in_dim3A_265 {strides = array<i32>} : memref<1024x32xi32, #tpu.memory_space<vmem>>, vector<1024x1xi32>,
      %eq3A_269 = vector.broadcast %broadcast_in_dim3A_265 : vector<1024x1xi32> to vector<1024x128xi32>
      %eq3A_270 = arith.cmpi eq, %get3A_40, %eq3A_269 : vector<1024x128xi32>
      %and3A_271 = arith.andi %and3A_259, %eq3A_270 : vector<1024x128xi1>
      %jit3A_272 = arith.constant -3.000000e+38 : f32
      %broadcast_in_dim3A_273 = vector.broadcast %jit3A_272 : f32 to vector<1024x128xf32>
      %select_n3A_274 = arith.select %and3A_271, %broadcast_in_dim3A_273, %select_n3A_244 : vector<1024x128xi1>, vector<1024x128xf32>
      %lt3A_275 = arith.constant 20 : i32
      %lt3A_276 = vector.broadcast %lt3A_275 : i32 to vector<1024x128xi32>
      %lt3A_277 = arith.cmpi slt, %iota3A, %lt3A_276 : vector<1024x128xi32>
      %jit3A_278 = arith.constant -3.000000e+38 : f32
      %broadcast_in_dim3A_279 = vector.broadcast %jit3A_278 : f32 to vector<1024x128xf32>
      %select_n3A_280 = arith.select %lt3A_277, %select_n3A_274, %broadcast_in_dim3A_279 : vector<1024x128xi1>, vector<1024x128xf32>
      %reduce_max3A_281 = arith.constant dense<0xFF800000> : vector<1024xf32>
      %reduce_max3A_282 = vector.multi_reduction <maximumf>, %select_n3A_280, %reduce_max3A_281 [1] : vector<1024x128xf32> to vector<1024xf32>
      %broadcast_in_dim3A_283 = vector.shape_cast %reduce_max3A_282 : vector<1024xf32> to vector<1024x1xf32>
      %eq3A_284 = vector.broadcast %broadcast_in_dim3A_283 : vector<1024x1xf32> to vector<1024x128xf32>
      %eq3A_285 = arith.cmpf oeq, %select_n3A_274, %eq3A_284 : vector<1024x128xf32>
      %lt3A_286 = arith.constant 20 : i32
      %lt3A_287 = vector.broadcast %lt3A_286 : i32 to vector<1024x128xi32>
      %lt3A_288 = arith.cmpi slt, %iota3A, %lt3A_287 : vector<1024x128xi32>
      %and3A_289 = arith.andi %eq3A_285, %lt3A_288 : vector<1024x128xi1>
      %jit3A_290 = arith.constant 2147483647 : i32
      %broadcast_in_dim3A_291 = vector.broadcast %jit3A_290 : i32 to vector<1024x128xi32>
      %select_n3A_292 = arith.select %and3A_289, %get3A_40, %broadcast_in_dim3A_291 : vector<1024x128xi1>, vector<1024x128xi32>
      %reduce_min3A_293 = arith.constant dense<2147483647> : vector<1024xi32>
      %reduce_min3A_294 = vector.multi_reduction <minsi>, %select_n3A_292, %reduce_min3A_293 [1] : vector<1024x128xi32> to vector<1024xi32>
      %broadcast_in_dim3A_295 = vector.shape_cast %reduce_min3A_294 : vector<1024xi32> to vector<1024x1xi32>
      %swap3A_296 = arith.constant 0 : index
      %swap3A_297 = arith.constant 8 : index
      %swap3A_298 = vector.load %arg5[%swap3A_296, %swap3A_297] : memref<1024x32xi32, #tpu.memory_space<vmem>>, vector<1024x1xi32>
      tpu.vector_store %arg5[%swap3A_296, %swap3A_297], %broadcast_in_dim3A_295 {strides = array<i32>} : memref<1024x32xi32, #tpu.memory_space<vmem>>, vector<1024x1xi32>,
      %eq3A_299 = vector.broadcast %broadcast_in_dim3A_295 : vector<1024x1xi32> to vector<1024x128xi32>
      %eq3A_300 = arith.cmpi eq, %get3A_40, %eq3A_299 : vector<1024x128xi32>
      %and3A_301 = arith.andi %and3A_289, %eq3A_300 : vector<1024x128xi1>
      %jit3A_302 = arith.constant -3.000000e+38 : f32
      %broadcast_in_dim3A_303 = vector.broadcast %jit3A_302 : f32 to vector<1024x128xf32>
      %select_n3A_304 = arith.select %and3A_301, %broadcast_in_dim3A_303, %select_n3A_274 : vector<1024x128xi1>, vector<1024x128xf32>
      %lt3A_305 = arith.constant 20 : i32
      %lt3A_306 = vector.broadcast %lt3A_305 : i32 to vector<1024x128xi32>
      %lt3A_307 = arith.cmpi slt, %iota3A, %lt3A_306 : vector<1024x128xi32>
      %jit3A_308 = arith.constant -3.000000e+38 : f32
      %broadcast_in_dim3A_309 = vector.broadcast %jit3A_308 : f32 to vector<1024x128xf32>
      %select_n3A_310 = arith.select %lt3A_307, %select_n3A_304, %broadcast_in_dim3A_309 : vector<1024x128xi1>, vector<1024x128xf32>
      %reduce_max3A_311 = arith.constant dense<0xFF800000> : vector<1024xf32>
      %reduce_max3A_312 = vector.multi_reduction <maximumf>, %select_n3A_310, %reduce_max3A_311 [1] : vector<1024x128xf32> to vector<1024xf32>
      %broadcast_in_dim3A_313 = vector.shape_cast %reduce_max3A_312 : vector<1024xf32> to vector<1024x1xf32>
      %eq3A_314 = vector.broadcast %broadcast_in_dim3A_313 : vector<1024x1xf32> to vector<1024x128xf32>
      %eq3A_315 = arith.cmpf oeq, %select_n3A_304, %eq3A_314 : vector<1024x128xf32>
      %lt3A_316 = arith.constant 20 : i32
      %lt3A_317 = vector.broadcast %lt3A_316 : i32 to vector<1024x128xi32>
      %lt3A_318 = arith.cmpi slt, %iota3A, %lt3A_317 : vector<1024x128xi32>
      %and3A_319 = arith.andi %eq3A_315, %lt3A_318 : vector<1024x128xi1>
      %jit3A_320 = arith.constant 2147483647 : i32
      %broadcast_in_dim3A_321 = vector.broadcast %jit3A_320 : i32 to vector<1024x128xi32>
      %select_n3A_322 = arith.select %and3A_319, %get3A_40, %broadcast_in_dim3A_321 : vector<1024x128xi1>, vector<1024x128xi32>
      %reduce_min3A_323 = arith.constant dense<2147483647> : vector<1024xi32>
      %reduce_min3A_324 = vector.multi_reduction <minsi>, %select_n3A_322, %reduce_min3A_323 [1] : vector<1024x128xi32> to vector<1024xi32>
      %broadcast_in_dim3A_325 = vector.shape_cast %reduce_min3A_324 : vector<1024xi32> to vector<1024x1xi32>
      %swap3A_326 = arith.constant 0 : index
      %swap3A_327 = arith.constant 9 : index
      %swap3A_328 = vector.load %arg5[%swap3A_326, %swap3A_327] : memref<1024x32xi32, #tpu.memory_space<vmem>>, vector<1024x1xi32>
      tpu.vector_store %arg5[%swap3A_326, %swap3A_327], %broadcast_in_dim3A_325 {strides = array<i32>} : memref<1024x32xi32, #tpu.memory_space<vmem>>, vector<1024x1xi32>,
      %eq3A_329 = vector.broadcast %broadcast_in_dim3A_325 : vector<1024x1xi32> to vector<1024x128xi32>
      %eq3A_330 = arith.cmpi eq, %get3A_40, %eq3A_329 : vector<1024x128xi32>
      %and3A_331 = arith.andi %and3A_319, %eq3A_330 : vector<1024x128xi1>
      %jit3A_332 = arith.constant -3.000000e+38 : f32
      %broadcast_in_dim3A_333 = vector.broadcast %jit3A_332 : f32 to vector<1024x128xf32>
      %select_n3A_334 = arith.select %and3A_331, %broadcast_in_dim3A_333, %select_n3A_304 : vector<1024x128xi1>, vector<1024x128xf32>
      %lt3A_335 = arith.constant 20 : i32
      %lt3A_336 = vector.broadcast %lt3A_335 : i32 to vector<1024x128xi32>
      %lt3A_337 = arith.cmpi slt, %iota3A, %lt3A_336 : vector<1024x128xi32>
      %jit3A_338 = arith.constant -3.000000e+38 : f32
      %broadcast_in_dim3A_339 = vector.broadcast %jit3A_338 : f32 to vector<1024x128xf32>
      %select_n3A_340 = arith.select %lt3A_337, %select_n3A_334, %broadcast_in_dim3A_339 : vector<1024x128xi1>, vector<1024x128xf32>
      %reduce_max3A_341 = arith.constant dense<0xFF800000> : vector<1024xf32>
      %reduce_max3A_342 = vector.multi_reduction <maximumf>, %select_n3A_340, %reduce_max3A_341 [1] : vector<1024x128xf32> to vector<1024xf32>
      %broadcast_in_dim3A_343 = vector.shape_cast %reduce_max3A_342 : vector<1024xf32> to vector<1024x1xf32>
      %eq3A_344 = vector.broadcast %broadcast_in_dim3A_343 : vector<1024x1xf32> to vector<1024x128xf32>
      %eq3A_345 = arith.cmpf oeq, %select_n3A_334, %eq3A_344 : vector<1024x128xf32>
      %lt3A_346 = arith.constant 20 : i32
      %lt3A_347 = vector.broadcast %lt3A_346 : i32 to vector<1024x128xi32>
      %lt3A_348 = arith.cmpi slt, %iota3A, %lt3A_347 : vector<1024x128xi32>
      %and3A_349 = arith.andi %eq3A_345, %lt3A_348 : vector<1024x128xi1>
      %jit3A_350 = arith.constant 2147483647 : i32
      %broadcast_in_dim3A_351 = vector.broadcast %jit3A_350 : i32 to vector<1024x128xi32>
      %select_n3A_352 = arith.select %and3A_349, %get3A_40, %broadcast_in_dim3A_351 : vector<1024x128xi1>, vector<1024x128xi32>
      %reduce_min3A_353 = arith.constant dense<2147483647> : vector<1024xi32>
      %reduce_min3A_354 = vector.multi_reduction <minsi>, %select_n3A_352, %reduce_min3A_353 [1] : vector<1024x128xi32> to vector<1024xi32>
      %broadcast_in_dim3A_355 = vector.shape_cast %reduce_min3A_354 : vector<1024xi32> to vector<1024x1xi32>
      %swap3A_356 = arith.constant 0 : index
      %swap3A_357 = arith.constant 10 : index
      %swap3A_358 = vector.load %arg5[%swap3A_356, %swap3A_357] : memref<1024x32xi32, #tpu.memory_space<vmem>>, vector<1024x1xi32>
      tpu.vector_store %arg5[%swap3A_356, %swap3A_357], %broadcast_in_dim3A_355 {strides = array<i32>} : memref<1024x32xi32, #tpu.memory_space<vmem>>, vector<1024x1xi32>,
      %eq3A_359 = vector.broadcast %broadcast_in_dim3A_355 : vector<1024x1xi32> to vector<1024x128xi32>
      %eq3A_360 = arith.cmpi eq, %get3A_40, %eq3A_359 : vector<1024x128xi32>
      %and3A_361 = arith.andi %and3A_349, %eq3A_360 : vector<1024x128xi1>
      %jit3A_362 = arith.constant -3.000000e+38 : f32
      %broadcast_in_dim3A_363 = vector.broadcast %jit3A_362 : f32 to vector<1024x128xf32>
      %select_n3A_364 = arith.select %and3A_361, %broadcast_in_dim3A_363, %select_n3A_334 : vector<1024x128xi1>, vector<1024x128xf32>
      %lt3A_365 = arith.constant 20 : i32
      %lt3A_366 = vector.broadcast %lt3A_365 : i32 to vector<1024x128xi32>
      %lt3A_367 = arith.cmpi slt, %iota3A, %lt3A_366 : vector<1024x128xi32>
      %jit3A_368 = arith.constant -3.000000e+38 : f32
      %broadcast_in_dim3A_369 = vector.broadcast %jit3A_368 : f32 to vector<1024x128xf32>
      %select_n3A_370 = arith.select %lt3A_367, %select_n3A_364, %broadcast_in_dim3A_369 : vector<1024x128xi1>, vector<1024x128xf32>
      %reduce_max3A_371 = arith.constant dense<0xFF800000> : vector<1024xf32>
      %reduce_max3A_372 = vector.multi_reduction <maximumf>, %select_n3A_370, %reduce_max3A_371 [1] : vector<1024x128xf32> to vector<1024xf32>
      %broadcast_in_dim3A_373 = vector.shape_cast %reduce_max3A_372 : vector<1024xf32> to vector<1024x1xf32>
      %eq3A_374 = vector.broadcast %broadcast_in_dim3A_373 : vector<1024x1xf32> to vector<1024x128xf32>
      %eq3A_375 = arith.cmpf oeq, %select_n3A_364, %eq3A_374 : vector<1024x128xf32>
      %lt3A_376 = arith.constant 20 : i32
      %lt3A_377 = vector.broadcast %lt3A_376 : i32 to vector<1024x128xi32>
      %lt3A_378 = arith.cmpi slt, %iota3A, %lt3A_377 : vector<1024x128xi32>
      %and3A_379 = arith.andi %eq3A_375, %lt3A_378 : vector<1024x128xi1>
      %jit3A_380 = arith.constant 2147483647 : i32
      %broadcast_in_dim3A_381 = vector.broadcast %jit3A_380 : i32 to vector<1024x128xi32>
      %select_n3A_382 = arith.select %and3A_379, %get3A_40, %broadcast_in_dim3A_381 : vector<1024x128xi1>, vector<1024x128xi32>
      %reduce_min3A_383 = arith.constant dense<2147483647> : vector<1024xi32>
      %reduce_min3A_384 = vector.multi_reduction <minsi>, %select_n3A_382, %reduce_min3A_383 [1] : vector<1024x128xi32> to vector<1024xi32>
      %broadcast_in_dim3A_385 = vector.shape_cast %reduce_min3A_384 : vector<1024xi32> to vector<1024x1xi32>
      %swap3A_386 = arith.constant 0 : index
      %swap3A_387 = arith.constant 11 : index
      %swap3A_388 = vector.load %arg5[%swap3A_386, %swap3A_387] : memref<1024x32xi32, #tpu.memory_space<vmem>>, vector<1024x1xi32>
      tpu.vector_store %arg5[%swap3A_386, %swap3A_387], %broadcast_in_dim3A_385 {strides = array<i32>} : memref<1024x32xi32, #tpu.memory_space<vmem>>, vector<1024x1xi32>,
      %eq3A_389 = vector.broadcast %broadcast_in_dim3A_385 : vector<1024x1xi32> to vector<1024x128xi32>
      %eq3A_390 = arith.cmpi eq, %get3A_40, %eq3A_389 : vector<1024x128xi32>
      %and3A_391 = arith.andi %and3A_379, %eq3A_390 : vector<1024x128xi1>
      %jit3A_392 = arith.constant -3.000000e+38 : f32
      %broadcast_in_dim3A_393 = vector.broadcast %jit3A_392 : f32 to vector<1024x128xf32>
      %select_n3A_394 = arith.select %and3A_391, %broadcast_in_dim3A_393, %select_n3A_364 : vector<1024x128xi1>, vector<1024x128xf32>
      %lt3A_395 = arith.constant 20 : i32
      %lt3A_396 = vector.broadcast %lt3A_395 : i32 to vector<1024x128xi32>
      %lt3A_397 = arith.cmpi slt, %iota3A, %lt3A_396 : vector<1024x128xi32>
      %jit3A_398 = arith.constant -3.000000e+38 : f32
      %broadcast_in_dim3A_399 = vector.broadcast %jit3A_398 : f32 to vector<1024x128xf32>
      %select_n3A_400 = arith.select %lt3A_397, %select_n3A_394, %broadcast_in_dim3A_399 : vector<1024x128xi1>, vector<1024x128xf32>
      %reduce_max3A_401 = arith.constant dense<0xFF800000> : vector<1024xf32>
      %reduce_max3A_402 = vector.multi_reduction <maximumf>, %select_n3A_400, %reduce_max3A_401 [1] : vector<1024x128xf32> to vector<1024xf32>
      %broadcast_in_dim3A_403 = vector.shape_cast %reduce_max3A_402 : vector<1024xf32> to vector<1024x1xf32>
      %eq3A_404 = vector.broadcast %broadcast_in_dim3A_403 : vector<1024x1xf32> to vector<1024x128xf32>
      %eq3A_405 = arith.cmpf oeq, %select_n3A_394, %eq3A_404 : vector<1024x128xf32>
      %lt3A_406 = arith.constant 20 : i32
      %lt3A_407 = vector.broadcast %lt3A_406 : i32 to vector<1024x128xi32>
      %lt3A_408 = arith.cmpi slt, %iota3A, %lt3A_407 : vector<1024x128xi32>
      %and3A_409 = arith.andi %eq3A_405, %lt3A_408 : vector<1024x128xi1>
      %jit3A_410 = arith.constant 2147483647 : i32
      %broadcast_in_dim3A_411 = vector.broadcast %jit3A_410 : i32 to vector<1024x128xi32>
      %select_n3A_412 = arith.select %and3A_409, %get3A_40, %broadcast_in_dim3A_411 : vector<1024x128xi1>, vector<1024x128xi32>
      %reduce_min3A_413 = arith.constant dense<2147483647> : vector<1024xi32>
      %reduce_min3A_414 = vector.multi_reduction <minsi>, %select_n3A_412, %reduce_min3A_413 [1] : vector<1024x128xi32> to vector<1024xi32>
      %broadcast_in_dim3A_415 = vector.shape_cast %reduce_min3A_414 : vector<1024xi32> to vector<1024x1xi32>
      %swap3A_416 = arith.constant 0 : index
      %swap3A_417 = arith.constant 12 : index
      %swap3A_418 = vector.load %arg5[%swap3A_416, %swap3A_417] : memref<1024x32xi32, #tpu.memory_space<vmem>>, vector<1024x1xi32>
      tpu.vector_store %arg5[%swap3A_416, %swap3A_417], %broadcast_in_dim3A_415 {strides = array<i32>} : memref<1024x32xi32, #tpu.memory_space<vmem>>, vector<1024x1xi32>,
      %eq3A_419 = vector.broadcast %broadcast_in_dim3A_415 : vector<1024x1xi32> to vector<1024x128xi32>
      %eq3A_420 = arith.cmpi eq, %get3A_40, %eq3A_419 : vector<1024x128xi32>
      %and3A_421 = arith.andi %and3A_409, %eq3A_420 : vector<1024x128xi1>
      %jit3A_422 = arith.constant -3.000000e+38 : f32
      %broadcast_in_dim3A_423 = vector.broadcast %jit3A_422 : f32 to vector<1024x128xf32>
      %select_n3A_424 = arith.select %and3A_421, %broadcast_in_dim3A_423, %select_n3A_394 : vector<1024x128xi1>, vector<1024x128xf32>
      %lt3A_425 = arith.constant 20 : i32
      %lt3A_426 = vector.broadcast %lt3A_425 : i32 to vector<1024x128xi32>
      %lt3A_427 = arith.cmpi slt, %iota3A, %lt3A_426 : vector<1024x128xi32>
      %jit3A_428 = arith.constant -3.000000e+38 : f32
      %broadcast_in_dim3A_429 = vector.broadcast %jit3A_428 : f32 to vector<1024x128xf32>
      %select_n3A_430 = arith.select %lt3A_427, %select_n3A_424, %broadcast_in_dim3A_429 : vector<1024x128xi1>, vector<1024x128xf32>
      %reduce_max3A_431 = arith.constant dense<0xFF800000> : vector<1024xf32>
      %reduce_max3A_432 = vector.multi_reduction <maximumf>, %select_n3A_430, %reduce_max3A_431 [1] : vector<1024x128xf32> to vector<1024xf32>
      %broadcast_in_dim3A_433 = vector.shape_cast %reduce_max3A_432 : vector<1024xf32> to vector<1024x1xf32>
      %eq3A_434 = vector.broadcast %broadcast_in_dim3A_433 : vector<1024x1xf32> to vector<1024x128xf32>
      %eq3A_435 = arith.cmpf oeq, %select_n3A_424, %eq3A_434 : vector<1024x128xf32>
      %lt3A_436 = arith.constant 20 : i32
      %lt3A_437 = vector.broadcast %lt3A_436 : i32 to vector<1024x128xi32>
      %lt3A_438 = arith.cmpi slt, %iota3A, %lt3A_437 : vector<1024x128xi32>
      %and3A_439 = arith.andi %eq3A_435, %lt3A_438 : vector<1024x128xi1>
      %jit3A_440 = arith.constant 2147483647 : i32
      %broadcast_in_dim3A_441 = vector.broadcast %jit3A_440 : i32 to vector<1024x128xi32>
      %select_n3A_442 = arith.select %and3A_439, %get3A_40, %broadcast_in_dim3A_441 : vector<1024x128xi1>, vector<1024x128xi32>
      %reduce_min3A_443 = arith.constant dense<2147483647> : vector<1024xi32>
      %reduce_min3A_444 = vector.multi_reduction <minsi>, %select_n3A_442, %reduce_min3A_443 [1] : vector<1024x128xi32> to vector<1024xi32>
      %broadcast_in_dim3A_445 = vector.shape_cast %reduce_min3A_444 : vector<1024xi32> to vector<1024x1xi32>
      %swap3A_446 = arith.constant 0 : index
      %swap3A_447 = arith.constant 13 : index
      %swap3A_448 = vector.load %arg5[%swap3A_446, %swap3A_447] : memref<1024x32xi32, #tpu.memory_space<vmem>>, vector<1024x1xi32>
      tpu.vector_store %arg5[%swap3A_446, %swap3A_447], %broadcast_in_dim3A_445 {strides = array<i32>} : memref<1024x32xi32, #tpu.memory_space<vmem>>, vector<1024x1xi32>,
      %eq3A_449 = vector.broadcast %broadcast_in_dim3A_445 : vector<1024x1xi32> to vector<1024x128xi32>
      %eq3A_450 = arith.cmpi eq, %get3A_40, %eq3A_449 : vector<1024x128xi32>
      %and3A_451 = arith.andi %and3A_439, %eq3A_450 : vector<1024x128xi1>
      %jit3A_452 = arith.constant -3.000000e+38 : f32
      %broadcast_in_dim3A_453 = vector.broadcast %jit3A_452 : f32 to vector<1024x128xf32>
      %select_n3A_454 = arith.select %and3A_451, %broadcast_in_dim3A_453, %select_n3A_424 : vector<1024x128xi1>, vector<1024x128xf32>
      %lt3A_455 = arith.constant 20 : i32
      %lt3A_456 = vector.broadcast %lt3A_455 : i32 to vector<1024x128xi32>
      %lt3A_457 = arith.cmpi slt, %iota3A, %lt3A_456 : vector<1024x128xi32>
      %jit3A_458 = arith.constant -3.000000e+38 : f32
      %broadcast_in_dim3A_459 = vector.broadcast %jit3A_458 : f32 to vector<1024x128xf32>
      %select_n3A_460 = arith.select %lt3A_457, %select_n3A_454, %broadcast_in_dim3A_459 : vector<1024x128xi1>, vector<1024x128xf32>
      %reduce_max3A_461 = arith.constant dense<0xFF800000> : vector<1024xf32>
      %reduce_max3A_462 = vector.multi_reduction <maximumf>, %select_n3A_460, %reduce_max3A_461 [1] : vector<1024x128xf32> to vector<1024xf32>
      %broadcast_in_dim3A_463 = vector.shape_cast %reduce_max3A_462 : vector<1024xf32> to vector<1024x1xf32>
      %eq3A_464 = vector.broadcast %broadcast_in_dim3A_463 : vector<1024x1xf32> to vector<1024x128xf32>
      %eq3A_465 = arith.cmpf oeq, %select_n3A_454, %eq3A_464 : vector<1024x128xf32>
      %lt3A_466 = arith.constant 20 : i32
      %lt3A_467 = vector.broadcast %lt3A_466 : i32 to vector<1024x128xi32>
      %lt3A_468 = arith.cmpi slt, %iota3A, %lt3A_467 : vector<1024x128xi32>
      %and3A_469 = arith.andi %eq3A_465, %lt3A_468 : vector<1024x128xi1>
      %jit3A_470 = arith.constant 2147483647 : i32
      %broadcast_in_dim3A_471 = vector.broadcast %jit3A_470 : i32 to vector<1024x128xi32>
      %select_n3A_472 = arith.select %and3A_469, %get3A_40, %broadcast_in_dim3A_471 : vector<1024x128xi1>, vector<1024x128xi32>
      %reduce_min3A_473 = arith.constant dense<2147483647> : vector<1024xi32>
      %reduce_min3A_474 = vector.multi_reduction <minsi>, %select_n3A_472, %reduce_min3A_473 [1] : vector<1024x128xi32> to vector<1024xi32>
      %broadcast_in_dim3A_475 = vector.shape_cast %reduce_min3A_474 : vector<1024xi32> to vector<1024x1xi32>
      %swap3A_476 = arith.constant 0 : index
      %swap3A_477 = arith.constant 14 : index
      %swap3A_478 = vector.load %arg5[%swap3A_476, %swap3A_477] : memref<1024x32xi32, #tpu.memory_space<vmem>>, vector<1024x1xi32>
      tpu.vector_store %arg5[%swap3A_476, %swap3A_477], %broadcast_in_dim3A_475 {strides = array<i32>} : memref<1024x32xi32, #tpu.memory_space<vmem>>, vector<1024x1xi32>,
      %eq3A_479 = vector.broadcast %broadcast_in_dim3A_475 : vector<1024x1xi32> to vector<1024x128xi32>
      %eq3A_480 = arith.cmpi eq, %get3A_40, %eq3A_479 : vector<1024x128xi32>
      %and3A_481 = arith.andi %and3A_469, %eq3A_480 : vector<1024x128xi1>
      %jit3A_482 = arith.constant -3.000000e+38 : f32
      %broadcast_in_dim3A_483 = vector.broadcast %jit3A_482 : f32 to vector<1024x128xf32>
      %select_n3A_484 = arith.select %and3A_481, %broadcast_in_dim3A_483, %select_n3A_454 : vector<1024x128xi1>, vector<1024x128xf32>
      %lt3A_485 = arith.constant 20 : i32
      %lt3A_486 = vector.broadcast %lt3A_485 : i32 to vector<1024x128xi32>
      %lt3A_487 = arith.cmpi slt, %iota3A, %lt3A_486 : vector<1024x128xi32>
      %jit3A_488 = arith.constant -3.000000e+38 : f32
      %broadcast_in_dim3A_489 = vector.broadcast %jit3A_488 : f32 to vector<1024x128xf32>
      %select_n3A_490 = arith.select %lt3A_487, %select_n3A_484, %broadcast_in_dim3A_489 : vector<1024x128xi1>, vector<1024x128xf32>
      %reduce_max3A_491 = arith.constant dense<0xFF800000> : vector<1024xf32>
      %reduce_max3A_492 = vector.multi_reduction <maximumf>, %select_n3A_490, %reduce_max3A_491 [1] : vector<1024x128xf32> to vector<1024xf32>
      %broadcast_in_dim3A_493 = vector.shape_cast %reduce_max3A_492 : vector<1024xf32> to vector<1024x1xf32>
      %eq3A_494 = vector.broadcast %broadcast_in_dim3A_493 : vector<1024x1xf32> to vector<1024x128xf32>
      %eq3A_495 = arith.cmpf oeq, %select_n3A_484, %eq3A_494 : vector<1024x128xf32>
      %lt3A_496 = arith.constant 20 : i32
      %lt3A_497 = vector.broadcast %lt3A_496 : i32 to vector<1024x128xi32>
      %lt3A_498 = arith.cmpi slt, %iota3A, %lt3A_497 : vector<1024x128xi32>
      %and3A_499 = arith.andi %eq3A_495, %lt3A_498 : vector<1024x128xi1>
      %jit3A_500 = arith.constant 2147483647 : i32
      %broadcast_in_dim3A_501 = vector.broadcast %jit3A_500 : i32 to vector<1024x128xi32>
      %select_n3A_502 = arith.select %and3A_499, %get3A_40, %broadcast_in_dim3A_501 : vector<1024x128xi1>, vector<1024x128xi32>
      %reduce_min3A_503 = arith.constant dense<2147483647> : vector<1024xi32>
      %reduce_min3A_504 = vector.multi_reduction <minsi>, %select_n3A_502, %reduce_min3A_503 [1] : vector<1024x128xi32> to vector<1024xi32>
      %broadcast_in_dim3A_505 = vector.shape_cast %reduce_min3A_504 : vector<1024xi32> to vector<1024x1xi32>
      %swap3A_506 = arith.constant 0 : index
      %swap3A_507 = arith.constant 15 : index
      %swap3A_508 = vector.load %arg5[%swap3A_506, %swap3A_507] : memref<1024x32xi32, #tpu.memory_space<vmem>>, vector<1024x1xi32>
      tpu.vector_store %arg5[%swap3A_506, %swap3A_507], %broadcast_in_dim3A_505 {strides = array<i32>} : memref<1024x32xi32, #tpu.memory_space<vmem>>, vector<1024x1xi32>,
      %eq3A_509 = vector.broadcast %broadcast_in_dim3A_505 : vector<1024x1xi32> to vector<1024x128xi32>
      %eq3A_510 = arith.cmpi eq, %get3A_40, %eq3A_509 : vector<1024x128xi32>
      %and3A_511 = arith.andi %and3A_499, %eq3A_510 : vector<1024x128xi1>
      %jit3A_512 = arith.constant -3.000000e+38 : f32
      %broadcast_in_dim3A_513 = vector.broadcast %jit3A_512 : f32 to vector<1024x128xf32>
      %select_n3A_514 = arith.select %and3A_511, %broadcast_in_dim3A_513, %select_n3A_484 : vector<1024x128xi1>, vector<1024x128xf32>
      %lt3A_515 = arith.constant 20 : i32
      %lt3A_516 = vector.broadcast %lt3A_515 : i32 to vector<1024x128xi32>
      %lt3A_517 = arith.cmpi slt, %iota3A, %lt3A_516 : vector<1024x128xi32>
      %jit3A_518 = arith.constant -3.000000e+38 : f32
      %broadcast_in_dim3A_519 = vector.broadcast %jit3A_518 : f32 to vector<1024x128xf32>
      %select_n3A_520 = arith.select %lt3A_517, %select_n3A_514, %broadcast_in_dim3A_519 : vector<1024x128xi1>, vector<1024x128xf32>
      %reduce_max3A_521 = arith.constant dense<0xFF800000> : vector<1024xf32>
      %reduce_max3A_522 = vector.multi_reduction <maximumf>, %select_n3A_520, %reduce_max3A_521 [1] : vector<1024x128xf32> to vector<1024xf32>
      %broadcast_in_dim3A_523 = vector.shape_cast %reduce_max3A_522 : vector<1024xf32> to vector<1024x1xf32>
      %eq3A_524 = vector.broadcast %broadcast_in_dim3A_523 : vector<1024x1xf32> to vector<1024x128xf32>
      %eq3A_525 = arith.cmpf oeq, %select_n3A_514, %eq3A_524 : vector<1024x128xf32>
      %lt3A_526 = arith.constant 20 : i32
      %lt3A_527 = vector.broadcast %lt3A_526 : i32 to vector<1024x128xi32>
      %lt3A_528 = arith.cmpi slt, %iota3A, %lt3A_527 : vector<1024x128xi32>
      %and3A_529 = arith.andi %eq3A_525, %lt3A_528 : vector<1024x128xi1>
      %jit3A_530 = arith.constant 2147483647 : i32
      %broadcast_in_dim3A_531 = vector.broadcast %jit3A_530 : i32 to vector<1024x128xi32>
      %select_n3A_532 = arith.select %and3A_529, %get3A_40, %broadcast_in_dim3A_531 : vector<1024x128xi1>, vector<1024x128xi32>
      %reduce_min3A_533 = arith.constant dense<2147483647> : vector<1024xi32>
      %reduce_min3A_534 = vector.multi_reduction <minsi>, %select_n3A_532, %reduce_min3A_533 [1] : vector<1024x128xi32> to vector<1024xi32>
      %broadcast_in_dim3A_535 = vector.shape_cast %reduce_min3A_534 : vector<1024xi32> to vector<1024x1xi32>
      %swap3A_536 = arith.constant 0 : index
      %swap3A_537 = arith.constant 16 : index
      %swap3A_538 = vector.load %arg5[%swap3A_536, %swap3A_537] : memref<1024x32xi32, #tpu.memory_space<vmem>>, vector<1024x1xi32>
      tpu.vector_store %arg5[%swap3A_536, %swap3A_537], %broadcast_in_dim3A_535 {strides = array<i32>} : memref<1024x32xi32, #tpu.memory_space<vmem>>, vector<1024x1xi32>,
      %eq3A_539 = vector.broadcast %broadcast_in_dim3A_535 : vector<1024x1xi32> to vector<1024x128xi32>
      %eq3A_540 = arith.cmpi eq, %get3A_40, %eq3A_539 : vector<1024x128xi32>
      %and3A_541 = arith.andi %and3A_529, %eq3A_540 : vector<1024x128xi1>
      %jit3A_542 = arith.constant -3.000000e+38 : f32
      %broadcast_in_dim3A_543 = vector.broadcast %jit3A_542 : f32 to vector<1024x128xf32>
      %select_n3A_544 = arith.select %and3A_541, %broadcast_in_dim3A_543, %select_n3A_514 : vector<1024x128xi1>, vector<1024x128xf32>
      %lt3A_545 = arith.constant 20 : i32
      %lt3A_546 = vector.broadcast %lt3A_545 : i32 to vector<1024x128xi32>
      %lt3A_547 = arith.cmpi slt, %iota3A, %lt3A_546 : vector<1024x128xi32>
      %jit3A_548 = arith.constant -3.000000e+38 : f32
      %broadcast_in_dim3A_549 = vector.broadcast %jit3A_548 : f32 to vector<1024x128xf32>
      %select_n3A_550 = arith.select %lt3A_547, %select_n3A_544, %broadcast_in_dim3A_549 : vector<1024x128xi1>, vector<1024x128xf32>
      %reduce_max3A_551 = arith.constant dense<0xFF800000> : vector<1024xf32>
      %reduce_max3A_552 = vector.multi_reduction <maximumf>, %select_n3A_550, %reduce_max3A_551 [1] : vector<1024x128xf32> to vector<1024xf32>
      %broadcast_in_dim3A_553 = vector.shape_cast %reduce_max3A_552 : vector<1024xf32> to vector<1024x1xf32>
      %eq3A_554 = vector.broadcast %broadcast_in_dim3A_553 : vector<1024x1xf32> to vector<1024x128xf32>
      %eq3A_555 = arith.cmpf oeq, %select_n3A_544, %eq3A_554 : vector<1024x128xf32>
      %lt3A_556 = arith.constant 20 : i32
      %lt3A_557 = vector.broadcast %lt3A_556 : i32 to vector<1024x128xi32>
      %lt3A_558 = arith.cmpi slt, %iota3A, %lt3A_557 : vector<1024x128xi32>
      %and3A_559 = arith.andi %eq3A_555, %lt3A_558 : vector<1024x128xi1>
      %jit3A_560 = arith.constant 2147483647 : i32
      %broadcast_in_dim3A_561 = vector.broadcast %jit3A_560 : i32 to vector<1024x128xi32>
      %select_n3A_562 = arith.select %and3A_559, %get3A_40, %broadcast_in_dim3A_561 : vector<1024x128xi1>, vector<1024x128xi32>
      %reduce_min3A_563 = arith.constant dense<2147483647> : vector<1024xi32>
      %reduce_min3A_564 = vector.multi_reduction <minsi>, %select_n3A_562, %reduce_min3A_563 [1] : vector<1024x128xi32> to vector<1024xi32>
      %broadcast_in_dim3A_565 = vector.shape_cast %reduce_min3A_564 : vector<1024xi32> to vector<1024x1xi32>
      %swap3A_566 = arith.constant 0 : index
      %swap3A_567 = arith.constant 17 : index
      %swap3A_568 = vector.load %arg5[%swap3A_566, %swap3A_567] : memref<1024x32xi32, #tpu.memory_space<vmem>>, vector<1024x1xi32>
      tpu.vector_store %arg5[%swap3A_566, %swap3A_567], %broadcast_in_dim3A_565 {strides = array<i32>} : memref<1024x32xi32, #tpu.memory_space<vmem>>, vector<1024x1xi32>,
      %eq3A_569 = vector.broadcast %broadcast_in_dim3A_565 : vector<1024x1xi32> to vector<1024x128xi32>
      %eq3A_570 = arith.cmpi eq, %get3A_40, %eq3A_569 : vector<1024x128xi32>
      %and3A_571 = arith.andi %and3A_559, %eq3A_570 : vector<1024x128xi1>
      %jit3A_572 = arith.constant -3.000000e+38 : f32
      %broadcast_in_dim3A_573 = vector.broadcast %jit3A_572 : f32 to vector<1024x128xf32>
      %select_n3A_574 = arith.select %and3A_571, %broadcast_in_dim3A_573, %select_n3A_544 : vector<1024x128xi1>, vector<1024x128xf32>
      %lt3A_575 = arith.constant 20 : i32
      %lt3A_576 = vector.broadcast %lt3A_575 : i32 to vector<1024x128xi32>
      %lt3A_577 = arith.cmpi slt, %iota3A, %lt3A_576 : vector<1024x128xi32>
      %jit3A_578 = arith.constant -3.000000e+38 : f32
      %broadcast_in_dim3A_579 = vector.broadcast %jit3A_578 : f32 to vector<1024x128xf32>
      %select_n3A_580 = arith.select %lt3A_577, %select_n3A_574, %broadcast_in_dim3A_579 : vector<1024x128xi1>, vector<1024x128xf32>
      %reduce_max3A_581 = arith.constant dense<0xFF800000> : vector<1024xf32>
      %reduce_max3A_582 = vector.multi_reduction <maximumf>, %select_n3A_580, %reduce_max3A_581 [1] : vector<1024x128xf32> to vector<1024xf32>
      %broadcast_in_dim3A_583 = vector.shape_cast %reduce_max3A_582 : vector<1024xf32> to vector<1024x1xf32>
      %eq3A_584 = vector.broadcast %broadcast_in_dim3A_583 : vector<1024x1xf32> to vector<1024x128xf32>
      %eq3A_585 = arith.cmpf oeq, %select_n3A_574, %eq3A_584 : vector<1024x128xf32>
      %lt3A_586 = arith.constant 20 : i32
      %lt3A_587 = vector.broadcast %lt3A_586 : i32 to vector<1024x128xi32>
      %lt3A_588 = arith.cmpi slt, %iota3A, %lt3A_587 : vector<1024x128xi32>
      %and3A_589 = arith.andi %eq3A_585, %lt3A_588 : vector<1024x128xi1>
      %jit3A_590 = arith.constant 2147483647 : i32
      %broadcast_in_dim3A_591 = vector.broadcast %jit3A_590 : i32 to vector<1024x128xi32>
      %select_n3A_592 = arith.select %and3A_589, %get3A_40, %broadcast_in_dim3A_591 : vector<1024x128xi1>, vector<1024x128xi32>
      %reduce_min3A_593 = arith.constant dense<2147483647> : vector<1024xi32>
      %reduce_min3A_594 = vector.multi_reduction <minsi>, %select_n3A_592, %reduce_min3A_593 [1] : vector<1024x128xi32> to vector<1024xi32>
      %broadcast_in_dim3A_595 = vector.shape_cast %reduce_min3A_594 : vector<1024xi32> to vector<1024x1xi32>
      %swap3A_596 = arith.constant 0 : index
      %swap3A_597 = arith.constant 18 : index
      %swap3A_598 = vector.load %arg5[%swap3A_596, %swap3A_597] : memref<1024x32xi32, #tpu.memory_space<vmem>>, vector<1024x1xi32>
      tpu.vector_store %arg5[%swap3A_596, %swap3A_597], %broadcast_in_dim3A_595 {strides = array<i32>} : memref<1024x32xi32, #tpu.memory_space<vmem>>, vector<1024x1xi32>,
      %eq3A_599 = vector.broadcast %broadcast_in_dim3A_595 : vector<1024x1xi32> to vector<1024x128xi32>
      %eq3A_600 = arith.cmpi eq, %get3A_40, %eq3A_599 : vector<1024x128xi32>
      %and3A_601 = arith.andi %and3A_589, %eq3A_600 : vector<1024x128xi1>
      %jit3A_602 = arith.constant -3.000000e+38 : f32
      %broadcast_in_dim3A_603 = vector.broadcast %jit3A_602 : f32 to vector<1024x128xf32>
      %select_n3A_604 = arith.select %and3A_601, %broadcast_in_dim3A_603, %select_n3A_574 : vector<1024x128xi1>, vector<1024x128xf32>
      %lt3A_605 = arith.constant 20 : i32
      %lt3A_606 = vector.broadcast %lt3A_605 : i32 to vector<1024x128xi32>
      %lt3A_607 = arith.cmpi slt, %iota3A, %lt3A_606 : vector<1024x128xi32>
      %jit3A_608 = arith.constant -3.000000e+38 : f32
      %broadcast_in_dim3A_609 = vector.broadcast %jit3A_608 : f32 to vector<1024x128xf32>
      %select_n3A_610 = arith.select %lt3A_607, %select_n3A_604, %broadcast_in_dim3A_609 : vector<1024x128xi1>, vector<1024x128xf32>
      %reduce_max3A_611 = arith.constant dense<0xFF800000> : vector<1024xf32>
      %reduce_max3A_612 = vector.multi_reduction <maximumf>, %select_n3A_610, %reduce_max3A_611 [1] : vector<1024x128xf32> to vector<1024xf32>
      %broadcast_in_dim3A_613 = vector.shape_cast %reduce_max3A_612 : vector<1024xf32> to vector<1024x1xf32>
      %eq3A_614 = vector.broadcast %broadcast_in_dim3A_613 : vector<1024x1xf32> to vector<1024x128xf32>
      %eq3A_615 = arith.cmpf oeq, %select_n3A_604, %eq3A_614 : vector<1024x128xf32>
      %lt3A_616 = arith.constant 20 : i32
      %lt3A_617 = vector.broadcast %lt3A_616 : i32 to vector<1024x128xi32>
      %lt3A_618 = arith.cmpi slt, %iota3A, %lt3A_617 : vector<1024x128xi32>
      %and3A_619 = arith.andi %eq3A_615, %lt3A_618 : vector<1024x128xi1>
      %jit3A_620 = arith.constant 2147483647 : i32
      %broadcast_in_dim3A_621 = vector.broadcast %jit3A_620 : i32 to vector<1024x128xi32>
      %select_n3A_622 = arith.select %and3A_619, %get3A_40, %broadcast_in_dim3A_621 : vector<1024x128xi1>, vector<1024x128xi32>
      %reduce_min3A_623 = arith.constant dense<2147483647> : vector<1024xi32>
      %reduce_min3A_624 = vector.multi_reduction <minsi>, %select_n3A_622, %reduce_min3A_623 [1] : vector<1024x128xi32> to vector<1024xi32>
      %broadcast_in_dim3A_625 = vector.shape_cast %reduce_min3A_624 : vector<1024xi32> to vector<1024x1xi32>
      %swap3A_626 = arith.constant 0 : index
      %swap3A_627 = arith.constant 19 : index
      %swap3A_628 = vector.load %arg5[%swap3A_626, %swap3A_627] : memref<1024x32xi32, #tpu.memory_space<vmem>>, vector<1024x1xi32>
      tpu.vector_store %arg5[%swap3A_626, %swap3A_627], %broadcast_in_dim3A_625 {strides = array<i32>} : memref<1024x32xi32, #tpu.memory_space<vmem>>, vector<1024x1xi32>,
      %sub3A = arith.subf %broadcast_in_dim3A_45, %broadcast_in_dim3A_45 : vector<1024x1xf32>
      %exp3A = math.exp %sub3A : vector<1024x1xf32>
      %sub3A_629 = arith.subf %broadcast_in_dim3A_73, %broadcast_in_dim3A_45 : vector<1024x1xf32>
      %exp3A_630 = math.exp %sub3A_629 : vector<1024x1xf32>
      %sub3A_631 = arith.subf %broadcast_in_dim3A_103, %broadcast_in_dim3A_45 : vector<1024x1xf32>
      %exp3A_632 = math.exp %sub3A_631 : vector<1024x1xf32>
      %sub3A_633 = arith.subf %broadcast_in_dim3A_133, %broadcast_in_dim3A_45 : vector<1024x1xf32>
      %exp3A_634 = math.exp %sub3A_633 : vector<1024x1xf32>
      %sub3A_635 = arith.subf %broadcast_in_dim3A_163, %broadcast_in_dim3A_45 : vector<1024x1xf32>
      %exp3A_636 = math.exp %sub3A_635 : vector<1024x1xf32>
      %sub3A_637 = arith.subf %broadcast_in_dim3A_193, %broadcast_in_dim3A_45 : vector<1024x1xf32>
      %exp3A_638 = math.exp %sub3A_637 : vector<1024x1xf32>
      %sub3A_639 = arith.subf %broadcast_in_dim3A_223, %broadcast_in_dim3A_45 : vector<1024x1xf32>
      %exp3A_640 = math.exp %sub3A_639 : vector<1024x1xf32>
      %sub3A_641 = arith.subf %broadcast_in_dim3A_253, %broadcast_in_dim3A_45 : vector<1024x1xf32>
      %exp3A_642 = math.exp %sub3A_641 : vector<1024x1xf32>
      %sub3A_643 = arith.subf %broadcast_in_dim3A_283, %broadcast_in_dim3A_45 : vector<1024x1xf32>
      %exp3A_644 = math.exp %sub3A_643 : vector<1024x1xf32>
      %sub3A_645 = arith.subf %broadcast_in_dim3A_313, %broadcast_in_dim3A_45 : vector<1024x1xf32>
      %exp3A_646 = math.exp %sub3A_645 : vector<1024x1xf32>
      %sub3A_647 = arith.subf %broadcast_in_dim3A_343, %broadcast_in_dim3A_45 : vector<1024x1xf32>
      %exp3A_648 = math.exp %sub3A_647 : vector<1024x1xf32>
      %sub3A_649 = arith.subf %broadcast_in_dim3A_373, %broadcast_in_dim3A_45 : vector<1024x1xf32>
      %exp3A_650 = math.exp %sub3A_649 : vector<1024x1xf32>
      %sub3A_651 = arith.subf %broadcast_in_dim3A_403, %broadcast_in_dim3A_45 : vector<1024x1xf32>
      %exp3A_652 = math.exp %sub3A_651 : vector<1024x1xf32>
      %sub3A_653 = arith.subf %broadcast_in_dim3A_433, %broadcast_in_dim3A_45 : vector<1024x1xf32>
      %exp3A_654 = math.exp %sub3A_653 : vector<1024x1xf32>
      %sub3A_655 = arith.subf %broadcast_in_dim3A_463, %broadcast_in_dim3A_45 : vector<1024x1xf32>
      %exp3A_656 = math.exp %sub3A_655 : vector<1024x1xf32>
      %sub3A_657 = arith.subf %broadcast_in_dim3A_493, %broadcast_in_dim3A_45 : vector<1024x1xf32>
      %exp3A_658 = math.exp %sub3A_657 : vector<1024x1xf32>
      %sub3A_659 = arith.subf %broadcast_in_dim3A_523, %broadcast_in_dim3A_45 : vector<1024x1xf32>
      %exp3A_660 = math.exp %sub3A_659 : vector<1024x1xf32>
      %sub3A_661 = arith.subf %broadcast_in_dim3A_553, %broadcast_in_dim3A_45 : vector<1024x1xf32>
      %exp3A_662 = math.exp %sub3A_661 : vector<1024x1xf32>
      %sub3A_663 = arith.subf %broadcast_in_dim3A_583, %broadcast_in_dim3A_45 : vector<1024x1xf32>
      %exp3A_664 = math.exp %sub3A_663 : vector<1024x1xf32>
      %sub3A_665 = arith.subf %broadcast_in_dim3A_613, %broadcast_in_dim3A_45 : vector<1024x1xf32>
      %exp3A_666 = math.exp %sub3A_665 : vector<1024x1xf32>
      %add3A = arith.addf %exp3A, %exp3A_630 : vector<1024x1xf32>
      %add3A_667 = arith.addf %add3A, %exp3A_632 : vector<1024x1xf32>
      %add3A_668 = arith.addf %add3A_667, %exp3A_634 : vector<1024x1xf32>
      %add3A_669 = arith.addf %add3A_668, %exp3A_636 : vector<1024x1xf32>
      %add3A_670 = arith.addf %add3A_669, %exp3A_638 : vector<1024x1xf32>
      %add3A_671 = arith.addf %add3A_670, %exp3A_640 : vector<1024x1xf32>
      %add3A_672 = arith.addf %add3A_671, %exp3A_642 : vector<1024x1xf32>
      %add3A_673 = arith.addf %add3A_672, %exp3A_644 : vector<1024x1xf32>
      %add3A_674 = arith.addf %add3A_673, %exp3A_646 : vector<1024x1xf32>
      %add3A_675 = arith.addf %add3A_674, %exp3A_648 : vector<1024x1xf32>
      %add3A_676 = arith.addf %add3A_675, %exp3A_650 : vector<1024x1xf32>
      %add3A_677 = arith.addf %add3A_676, %exp3A_652 : vector<1024x1xf32>
      %add3A_678 = arith.addf %add3A_677, %exp3A_654 : vector<1024x1xf32>
      %add3A_679 = arith.addf %add3A_678, %exp3A_656 : vector<1024x1xf32>
      %add3A_680 = arith.addf %add3A_679, %exp3A_658 : vector<1024x1xf32>
      %add3A_681 = arith.addf %add3A_680, %exp3A_660 : vector<1024x1xf32>
      %add3A_682 = arith.addf %add3A_681, %exp3A_662 : vector<1024x1xf32>
      %add3A_683 = arith.addf %add3A_682, %exp3A_664 : vector<1024x1xf32>
      %add3A_684 = arith.addf %add3A_683, %exp3A_666 : vector<1024x1xf32>
      %div3A = arith.divf %exp3A, %add3A_684 : vector<1024x1xf32>
      %swap3A_685 = arith.constant 0 : index
      %swap3A_686 = arith.constant 0 : index
      %swap3A_687 = vector.load %arg4[%swap3A_685, %swap3A_686] : memref<1024x32xf32, #tpu.memory_space<vmem>>, vector<1024x1xf32>
      tpu.vector_store %arg4[%swap3A_685, %swap3A_686], %div3A {strides = array<i32>} : memref<1024x32xf32, #tpu.memory_space<vmem>>, vector<1024x1xf32>,
      %div3A_688 = arith.divf %exp3A_630, %add3A_684 : vector<1024x1xf32>
      %swap3A_689 = arith.constant 0 : index
      %swap3A_690 = arith.constant 1 : index
      %swap3A_691 = vector.load %arg4[%swap3A_689, %swap3A_690] : memref<1024x32xf32, #tpu.memory_space<vmem>>, vector<1024x1xf32>
      tpu.vector_store %arg4[%swap3A_689, %swap3A_690], %div3A_688 {strides = array<i32>} : memref<1024x32xf32, #tpu.memory_space<vmem>>, vector<1024x1xf32>,
      %div3A_692 = arith.divf %exp3A_632, %add3A_684 : vector<1024x1xf32>
      %swap3A_693 = arith.constant 0 : index
      %swap3A_694 = arith.constant 2 : index
      %swap3A_695 = vector.load %arg4[%swap3A_693, %swap3A_694] : memref<1024x32xf32, #tpu.memory_space<vmem>>, vector<1024x1xf32>
      tpu.vector_store %arg4[%swap3A_693, %swap3A_694], %div3A_692 {strides = array<i32>} : memref<1024x32xf32, #tpu.memory_space<vmem>>, vector<1024x1xf32>,
      %div3A_696 = arith.divf %exp3A_634, %add3A_684 : vector<1024x1xf32>
      %swap3A_697 = arith.constant 0 : index
      %swap3A_698 = arith.constant 3 : index
      %swap3A_699 = vector.load %arg4[%swap3A_697, %swap3A_698] : memref<1024x32xf32, #tpu.memory_space<vmem>>, vector<1024x1xf32>
      tpu.vector_store %arg4[%swap3A_697, %swap3A_698], %div3A_696 {strides = array<i32>} : memref<1024x32xf32, #tpu.memory_space<vmem>>, vector<1024x1xf32>,
      %div3A_700 = arith.divf %exp3A_636, %add3A_684 : vector<1024x1xf32>
      %swap3A_701 = arith.constant 0 : index
      %swap3A_702 = arith.constant 4 : index
      %swap3A_703 = vector.load %arg4[%swap3A_701, %swap3A_702] : memref<1024x32xf32, #tpu.memory_space<vmem>>, vector<1024x1xf32>
      tpu.vector_store %arg4[%swap3A_701, %swap3A_702], %div3A_700 {strides = array<i32>} : memref<1024x32xf32, #tpu.memory_space<vmem>>, vector<1024x1xf32>,
      %div3A_704 = arith.divf %exp3A_638, %add3A_684 : vector<1024x1xf32>
      %swap3A_705 = arith.constant 0 : index
      %swap3A_706 = arith.constant 5 : index
      %swap3A_707 = vector.load %arg4[%swap3A_705, %swap3A_706] : memref<1024x32xf32, #tpu.memory_space<vmem>>, vector<1024x1xf32>
      tpu.vector_store %arg4[%swap3A_705, %swap3A_706], %div3A_704 {strides = array<i32>} : memref<1024x32xf32, #tpu.memory_space<vmem>>, vector<1024x1xf32>,
      %div3A_708 = arith.divf %exp3A_640, %add3A_684 : vector<1024x1xf32>
      %swap3A_709 = arith.constant 0 : index
      %swap3A_710 = arith.constant 6 : index
      %swap3A_711 = vector.load %arg4[%swap3A_709, %swap3A_710] : memref<1024x32xf32, #tpu.memory_space<vmem>>, vector<1024x1xf32>
      tpu.vector_store %arg4[%swap3A_709, %swap3A_710], %div3A_708 {strides = array<i32>} : memref<1024x32xf32, #tpu.memory_space<vmem>>, vector<1024x1xf32>,
      %div3A_712 = arith.divf %exp3A_642, %add3A_684 : vector<1024x1xf32>
      %swap3A_713 = arith.constant 0 : index
      %swap3A_714 = arith.constant 7 : index
      %swap3A_715 = vector.load %arg4[%swap3A_713, %swap3A_714] : memref<1024x32xf32, #tpu.memory_space<vmem>>, vector<1024x1xf32>
      tpu.vector_store %arg4[%swap3A_713, %swap3A_714], %div3A_712 {strides = array<i32>} : memref<1024x32xf32, #tpu.memory_space<vmem>>, vector<1024x1xf32>,
      %div3A_716 = arith.divf %exp3A_644, %add3A_684 : vector<1024x1xf32>
      %swap3A_717 = arith.constant 0 : index
      %swap3A_718 = arith.constant 8 : index
      %swap3A_719 = vector.load %arg4[%swap3A_717, %swap3A_718] : memref<1024x32xf32, #tpu.memory_space<vmem>>, vector<1024x1xf32>
      tpu.vector_store %arg4[%swap3A_717, %swap3A_718], %div3A_716 {strides = array<i32>} : memref<1024x32xf32, #tpu.memory_space<vmem>>, vector<1024x1xf32>,
      %div3A_720 = arith.divf %exp3A_646, %add3A_684 : vector<1024x1xf32>
      %swap3A_721 = arith.constant 0 : index
      %swap3A_722 = arith.constant 9 : index
      %swap3A_723 = vector.load %arg4[%swap3A_721, %swap3A_722] : memref<1024x32xf32, #tpu.memory_space<vmem>>, vector<1024x1xf32>
      tpu.vector_store %arg4[%swap3A_721, %swap3A_722], %div3A_720 {strides = array<i32>} : memref<1024x32xf32, #tpu.memory_space<vmem>>, vector<1024x1xf32>,
      %div3A_724 = arith.divf %exp3A_648, %add3A_684 : vector<1024x1xf32>
      %swap3A_725 = arith.constant 0 : index
      %swap3A_726 = arith.constant 10 : index
      %swap3A_727 = vector.load %arg4[%swap3A_725, %swap3A_726] : memref<1024x32xf32, #tpu.memory_space<vmem>>, vector<1024x1xf32>
      tpu.vector_store %arg4[%swap3A_725, %swap3A_726], %div3A_724 {strides = array<i32>} : memref<1024x32xf32, #tpu.memory_space<vmem>>, vector<1024x1xf32>,
      %div3A_728 = arith.divf %exp3A_650, %add3A_684 : vector<1024x1xf32>
      %swap3A_729 = arith.constant 0 : index
      %swap3A_730 = arith.constant 11 : index
      %swap3A_731 = vector.load %arg4[%swap3A_729, %swap3A_730] : memref<1024x32xf32, #tpu.memory_space<vmem>>, vector<1024x1xf32>
      tpu.vector_store %arg4[%swap3A_729, %swap3A_730], %div3A_728 {strides = array<i32>} : memref<1024x32xf32, #tpu.memory_space<vmem>>, vector<1024x1xf32>,
      %div3A_732 = arith.divf %exp3A_652, %add3A_684 : vector<1024x1xf32>
      %swap3A_733 = arith.constant 0 : index
      %swap3A_734 = arith.constant 12 : index
      %swap3A_735 = vector.load %arg4[%swap3A_733, %swap3A_734] : memref<1024x32xf32, #tpu.memory_space<vmem>>, vector<1024x1xf32>
      tpu.vector_store %arg4[%swap3A_733, %swap3A_734], %div3A_732 {strides = array<i32>} : memref<1024x32xf32, #tpu.memory_space<vmem>>, vector<1024x1xf32>,
      %div3A_736 = arith.divf %exp3A_654, %add3A_684 : vector<1024x1xf32>
      %swap3A_737 = arith.constant 0 : index
      %swap3A_738 = arith.constant 13 : index
      %swap3A_739 = vector.load %arg4[%swap3A_737, %swap3A_738] : memref<1024x32xf32, #tpu.memory_space<vmem>>, vector<1024x1xf32>
      tpu.vector_store %arg4[%swap3A_737, %swap3A_738], %div3A_736 {strides = array<i32>} : memref<1024x32xf32, #tpu.memory_space<vmem>>, vector<1024x1xf32>,
      %div3A_740 = arith.divf %exp3A_656, %add3A_684 : vector<1024x1xf32>
      %swap3A_741 = arith.constant 0 : index
      %swap3A_742 = arith.constant 14 : index
      %swap3A_743 = vector.load %arg4[%swap3A_741, %swap3A_742] : memref<1024x32xf32, #tpu.memory_space<vmem>>, vector<1024x1xf32>
      tpu.vector_store %arg4[%swap3A_741, %swap3A_742], %div3A_740 {strides = array<i32>} : memref<1024x32xf32, #tpu.memory_space<vmem>>, vector<1024x1xf32>,
      %div3A_744 = arith.divf %exp3A_658, %add3A_684 : vector<1024x1xf32>
      %swap3A_745 = arith.constant 0 : index
      %swap3A_746 = arith.constant 15 : index
      %swap3A_747 = vector.load %arg4[%swap3A_745, %swap3A_746] : memref<1024x32xf32, #tpu.memory_space<vmem>>, vector<1024x1xf32>
      tpu.vector_store %arg4[%swap3A_745, %swap3A_746], %div3A_744 {strides = array<i32>} : memref<1024x32xf32, #tpu.memory_space<vmem>>, vector<1024x1xf32>,
      %div3A_748 = arith.divf %exp3A_660, %add3A_684 : vector<1024x1xf32>
      %swap3A_749 = arith.constant 0 : index
      %swap3A_750 = arith.constant 16 : index
      %swap3A_751 = vector.load %arg4[%swap3A_749, %swap3A_750] : memref<1024x32xf32, #tpu.memory_space<vmem>>, vector<1024x1xf32>
      tpu.vector_store %arg4[%swap3A_749, %swap3A_750], %div3A_748 {strides = array<i32>} : memref<1024x32xf32, #tpu.memory_space<vmem>>, vector<1024x1xf32>,
      %div3A_752 = arith.divf %exp3A_662, %add3A_684 : vector<1024x1xf32>
      %swap3A_753 = arith.constant 0 : index
      %swap3A_754 = arith.constant 17 : index
      %swap3A_755 = vector.load %arg4[%swap3A_753, %swap3A_754] : memref<1024x32xf32, #tpu.memory_space<vmem>>, vector<1024x1xf32>
      tpu.vector_store %arg4[%swap3A_753, %swap3A_754], %div3A_752 {strides = array<i32>} : memref<1024x32xf32, #tpu.memory_space<vmem>>, vector<1024x1xf32>,
      %div3A_756 = arith.divf %exp3A_664, %add3A_684 : vector<1024x1xf32>
      %swap3A_757 = arith.constant 0 : index
      %swap3A_758 = arith.constant 18 : index
      %swap3A_759 = vector.load %arg4[%swap3A_757, %swap3A_758] : memref<1024x32xf32, #tpu.memory_space<vmem>>, vector<1024x1xf32>
      tpu.vector_store %arg4[%swap3A_757, %swap3A_758], %div3A_756 {strides = array<i32>} : memref<1024x32xf32, #tpu.memory_space<vmem>>, vector<1024x1xf32>,
      %div3A_760 = arith.divf %exp3A_666, %add3A_684 : vector<1024x1xf32>
      %swap3A_761 = arith.constant 0 : index
      %swap3A_762 = arith.constant 19 : index
      %swap3A_763 = vector.load %arg4[%swap3A_761, %swap3A_762] : memref<1024x32xf32, #tpu.memory_space<vmem>>, vector<1024x1xf32>
      tpu.vector_store %arg4[%swap3A_761, %swap3A_762], %div3A_760 {strides = array<i32>} : memref<1024x32xf32, #tpu.memory_space<vmem>>, vector<1024x1xf32>,
    } else {
    }
    return
  }
  func.func @transform_0(%arg0: i32, %arg1: i32) -> (i32, i32) {
    %c0_i32 = arith.constant 0 : i32
    %c0_i32_0 = arith.constant 0 : i32
    return %arg0, %c0_i32 : i32, i32
  }
  func.func @transform_1(%arg0: i32, %arg1: i32) -> (i32, i32) {
    %c0_i32 = arith.constant 0 : i32
    %c0_i32_0 = arith.constant 0 : i32
    return %arg1, %c0_i32 : i32, i32
  }
  func.func @transform_2(%arg0: i32, %arg1: i32) -> (i32, i32) {
    %c0_i32 = arith.constant 0 : i32
    %c0_i32_0 = arith.constant 0 : i32
    return %arg0, %c0_i32 : i32, i32
  }
  func.func @transform_3(%arg0: i32, %arg1: i32) -> (i32, i32) {
    %c0_i32 = arith.constant 0 : i32
    %c0_i32_0 = arith.constant 0 : i32
    return %arg0, %c0_i32 : i32, i32
  }
}

</mosaic_0001>

<sc_bundles>
// kernel: kernel.4.cloned.1.call-start
scs
__scs_entry_jumppad:
0x0: {  	(pc) =	sbr.rel $0x88, $3  }
0x1: {  	(tag) =	ssettag $0x0;
	lr =	simm.s32 $0x1  }
0x2: {  	[smem:$0x3F9E] =	sst lr;
	_ =	strace $0xD0000000  }
0x3: {  	_ = 	snop  }
0x4: {  	_ = 	snop  }
0x5: {  	_ = 	snop  }
0x6: {  	_ = 	snop  }
0x7: {  	_ = 	snop  }
__scs_overlays_trampoline_lowered:
0x8: {  	[smem:$0x3FAD] =	sst s0  }
0x9: {  	[smem:$0x3FAE] =	sst s1  }
0xa: {  	[smem:$0x3FAF] =	sst s2  }
0xb: {  	[smem:$0x3FB0] =	sst s3  }
0xc: {  	[smem:$0x3FB1] =	sst s4  }
0xd: {  	[smem:$0x3FB2] =	sst s5  }
0xe: {  	[smem:$0x3FB3] =	sst s6  }
0xf: {  	[smem:$0x3FB4] =	sst s7  }
0x10: {  	[smem:$0x3FB5] =	sst s8  }
0x11: {  	[smem:$0x3FB6] =	sst s9;
	s0 =	simm.s32 @!p0 $0x0  }
0x12: {  	s1 =	sld [smem:$0x3F9C];
	s0 =	simm.s32 @p0 $0x1  }
0x13: {  	[smem:$0x3FB7] =	sst s0;
	s0 =	simm.s32 @!p1 $0x0  }
0x14: {  	s2 =	sld [smem:$0x3F9B];
	s0 =	simm.s32 @p1 $0x1  }
0x15: {  	[smem:$0x3FB8] =	sst s0;
	s0 =	simm.s32 @!p2 $0x0  }
0x16: {  	s3 =	sld [smem:$0x3FDB];
	s0 =	simm.s32 @p2 $0x1  }
0x17: {  	s4 =	simm.s32 $0x1BF5;
	[smem:$0x3FBA] =	sst s0  }
0x18: {  	s0 =	sld [smem:$0x3F9D];
	_ =	swait.ge [sflag:s4], $0x0  }
0x19: {  	s7 =	sld [smem:$0x3F9E]  }
0x1a: {  	s8 =	sadd.s32 $0xFFFFE003, lr  }
0x1b: {  	s9 =	sadd.s32 $0xFFFFFEF7, lr;
	s5 =	simm.s32 $0xFFFFFFFF;
	p2 =	slt.u32 s8, $0xFFFFF086  }
0x1c: {  	p1 =	slt.u32 s9, $0xF7A;
	s5 =	simm.s32 @!p2 $0x0  }
0x1d: {  	s5 =	simm.s32 @p1 $0x1;
	p0 =	seq.s32 s7, s2  }
0x1e: {  	s7 =	smul.u32 @!p0 $0xF7A, s2;
	p2 =	seq.s32 @!p0 s5, $0x0  }
0x1f: {  	s9 =	smul.u32 $0xF7A, s1;
	s8 =	simm.s32 @!p0 $0x1BF5;
	p2 =	por !p2, p0  }
0x20: {  	[sflag:s8] =	ssyncset.s32 @!p0 $0xFFFFF086;
	s6 =	sadd.s32 @!p0 s3, s7;
	s7 =	simm.s32 @!p0 $0x108  }
0x21: {  	s3 =	sadd.s32 s3, s9;
	s6 =	sadd.s32 @!p0 $0x88, s6;
	s7 =	simm.s32 @p2 $0x1082  }
0x22: {  	[simem:s7], [sflag:s8] =	dma.local @!p0 [hbm:s6], $0xF7A  }
0x23: {  	s9 =	sor.u32 $0xD0000000, s2;
	s6 =	simm.s32 $0x108;
	_ =	swait.ge @!p0 [sflag:s8], $0x0  }
0x24: {  	s3 =	sadd.s32 $0x88, s3;
	s6 =	simm.s32 @!p1 $0x1082;
	[sflag:s4] =	ssyncset.s32 $0xFFFFF086  }
0x25: {  	[simem:s6], [sflag:s4] =	dma.local [hbm:s3], $0xF7A  }
0x26: {  	[smem:$0x3F9E] =	sst s1;
	(tag) =	ssettag s2;
	_ =	strace s9  }
0x27: {  	s1 =	sld [smem:$0x3FAE]  }
0x28: {  	s2 =	sld [smem:$0x3FAF]  }
0x29: {  	s4 =	sld [smem:$0x3FB1]  }
0x2a: {  	p0 =	seq.s32 s5, $0x0;
	s5 =	sld [smem:$0x3FB2]  }
0x2b: {  	s6 =	sld [smem:$0x3FB3]  }
0x2c: {  	s7 =	sld [smem:$0x3FB4]  }
0x2d: {  	s3 =	simm.s32 $0x108;
	s8 =	sld [smem:$0x3FB5]  }
0x2e: {  	s3 =	simm.s32 @!p0 $0x1082;
	s9 =	sld [smem:$0x3FB6]  }
0x2f: {  	lr =	sadd.s32 s0, s3;
	s0 =	sld [smem:$0x3FAD]  }
0x30: {  	s3 =	sld [smem:$0x3FB0]  }
0x31: {  	[smem:$0x3FB9] =	sst s10  }
0x32: {  	s10 =	sld [smem:$0x3FB7];
	_ =	sdelay $0x3  }
0x33: {  	p0 =	seq.s32 s10, $0x1;
	s10 =	sld [smem:$0x3FB9];
	_ =	sdelay $0x3  }
0x34: {  	[smem:$0x3FB9] =	sst s10  }
0x35: {  	s10 =	sld [smem:$0x3FB8];
	_ =	sdelay $0x3  }
0x36: {  	p1 =	seq.s32 s10, $0x1;
	s10 =	sld [smem:$0x3FB9];
	_ =	sdelay $0x3  }
0x37: {  	[smem:$0x3FB9] =	sst s10  }
0x38: {  	s10 =	sld [smem:$0x3FBA]  }
0x39: {  	_ = 	snop;
	(pc) =	sbr.ind lr, $3  }
0x3a: {  	_ = 	snop  }
0x3b: {  	_ = 	snop  }
0x3c: {  	p2 =	seq.s32 s10, $0x1;
	s10 =	sld [smem:$0x3FB9]  }
0x3d: {  	_ =	shalt  }
0x3e: {  	_ =	shalt  }
0x3f: {  	_ =	shalt  }
0x40: {  	_ =	shalt  }
0x41: {  	_ =	shalt  }
0x42: {  	_ =	shalt  }
0x43: {  	_ =	shalt  }
0x44: {  	_ =	shalt  }
0x45: {  	_ =	shalt  }
0x46: {  	_ =	shalt  }
0x47: {  	_ =	shalt  }
0x48: {  	_ =	shalt  }
0x49: {  	_ =	shalt  }
0x4a: {  	_ =	shalt  }
0x4b: {  	_ =	shalt  }
0x4c: {  	_ =	shalt  }
0x4d: {  	_ =	shalt  }
0x4e: {  	_ =	shalt  }
0x4f: {  	_ =	shalt  }
0x50: {  	_ =	shalt  }
0x51: {  	_ =	shalt  }
0x52: {  	_ =	shalt  }
0x53: {  	_ =	shalt  }
0x54: {  	_ =	shalt  }
0x55: {  	_ =	shalt  }
0x56: {  	_ =	shalt  }
0x57: {  	_ =	shalt  }
0x58: {  	_ =	shalt  }
0x59: {  	_ =	shalt  }
0x5a: {  	_ =	shalt  }
0x5b: {  	_ =	shalt  }
0x5c: {  	_ =	shalt  }
0x5d: {  	_ =	shalt  }
0x5e: {  	_ =	shalt  }
0x5f: {  	_ =	shalt  }
0x60: {  	_ =	shalt  }
0x61: {  	_ =	shalt  }
0x62: {  	_ =	shalt  }
0x63: {  	_ =	shalt  }
0x64: {  	_ =	shalt  }
0x65: {  	_ =	shalt  }
0x66: {  	_ =	shalt  }
0x67: {  	_ =	shalt  }
0x68: {  	_ =	shalt  }
0x69: {  	_ =	shalt  }
0x6a: {  	_ =	shalt  }
0x6b: {  	_ =	shalt  }
0x6c: {  	_ =	shalt  }
0x6d: {  	_ =	shalt  }
0x6e: {  	_ =	shalt  }
0x6f: {  	_ =	shalt  }
0x70: {  	_ =	shalt  }
0x71: {  	_ =	shalt  }
0x72: {  	_ =	shalt  }
0x73: {  	_ =	shalt  }
0x74: {  	_ =	shalt  }
0x75: {  	_ =	shalt  }
0x76: {  	_ =	shalt  }
0x77: {  	_ =	shalt  }
0x78: {  	_ =	shalt  }
0x79: {  	_ =	shalt  }
0x7a: {  	_ =	shalt  }
0x7b: {  	_ =	shalt  }
0x7c: {  	_ =	shalt  }
0x7d: {  	_ =	shalt  }
0x7e: {  	_ =	shalt  }
0x7f: {  	_ =	shalt  }
0x80: {  	_ =	shalt  }
0x81: {  	_ =	shalt  }
0x82: {  	_ =	shalt  }
0x83: {  	_ =	shalt  }
0x84: {  	_ =	shalt  }
0x85: {  	_ =	shalt  }
0x86: {  	_ =	shalt  }
0x87: {  	_ =	shalt  }
.Lfunc_end0:
.L_simem_size_0:
called_computation_lowered:
.L_overlay_start_0:
0x88: {  	s2 =	sld [smem:$0x3FD9]  }
0x89: {  	s3 =	sld [smem:$0x3FFE];
	_ =	sdelay $0x1  }
0x8a: {  	s1 =	srdreg.scid  }
0x8b: {  	s0 =	sand.u32 $0x1, s1  }
0x8c: {  	s14 =	sshll.u32 s0, $0xA;
	s2 =	sadd.s32 s3, s2  }
0x8d: {  	s2 =	sadd.s32 s2, s14  }
0x8e: {  	[smem:$0x3FC5] =	sst s2  }
0x8f: {  	_ = 	snop  }
0x90: {  	s2 =	sld [smem:$0x3FD0];
	_ =	sdelay $0x2  }
0x91: {  	s15 =	simm.s32 $0xA;
	s4 =	simm.s32 $0x10  }
0x92: {  	[smem:s4], [sflag:s15] =	dma.local [hbm:s2], $0x1  }
0x93: {  	_ =	swait.eq [sflag:s15], $0x1  }
0x94: {  	[sflag:s15] =	ssyncset.done $0x0  }
0x95: {  	[sflag:s15] =	ssyncadd.s32 $0xFFFFFFFF  }
0x96: {  	s16 =	sld [smem:$0x11];
	(tm) =	ssettm $0x1  }
0x97: {  	s17 =	sld [smem:$0x3FFB];
	_ =	sdelay $0x3  }
0x98: {  	_ =	strace s17  }
0x99: {  	s3 =	sld [smem:$0x3FFC];
	_ =	sdelay $0x3  }
0x9a: {  	_ =	strace s3  }
0x9b: {  	s3 =	sld [smem:$0x3FFD];
	_ =	sdelay $0x3  }
0x9c: {  	_ =	strace s3  }
0x9d: {  	_ =	strace $0x8FFFFFFF  }
0x9e: {  	s18 =	sld [smem:$0x3FDB];
	_ =	sdelay $0x1  }
0x9f: {  	s19 =	simm.s32 $_scs_section_size  }
0xa0: {  	s5 =	simm.s32 $_size__tile_overlayer_lowered;
	s6 =	simm.s32 $_tile_overlayer_lowered  }
0xa1: {  	s22 =	simm.s32 $0x1BFF;
	s21 =	sshll.u32 s6, $0x1;
	s3 =	sadd.s32 s19, s18  }
0xa2: {  	s7 =	simm.s32 $0x0;
	s20 =	sshll.u32 s5, $0x1;
	s5 =	sadd.s32 s21, s3  }
0xa3: {  	[timem:s7], [sflag:s22] =	dma.local [hbm:s5], s20  }
0xa4: {  	_ =	swait.ge [sflag:s22], s20  }
0xa5: {  	s4 =	ssub.s32 $0x0, s20;
	[sflag:s22] =	ssyncset.done $0x0  }
0xa6: {  	[sflag:s22] =	ssyncadd.s32 s4;
	_ =	sdelay $0x1  }
0xa7: {  	s23 =	simm.s32 $0x1B8B  }
0xa8: {  	_ =	swait.ge [sflag:s23], $0x1  }
0xa9: {  	[sflag:s23] =	ssyncset.done $0x0  }
0xaa: {  	s25 =	simm.s32 $0x1B8E;
	s24 =	sld [smem:$0x3FFE];
	[sflag:s23] =	ssyncadd.s32 $0xFFFFFFFF  }
0xab: {  	s26 =	simm.s32 $execute0_lowered;
	[smem:$0x3FD2] =	sst s25  }
0xac: {  	s5 =	sshll.u32 s26, $0x1;
	_ =	strace $0x80000046;
	[dreg:$0x1] =	wrdreg $0xFFFFFFFF  }
0xad: {  	s28 =	simm.s32 $_size_execute0_lowered;
	s3 =	sadd.s32 s3, s5;
	[dreg:$0x0] =	wrdreg $0x0  }
0xae: {  	s5 =	sshll.u32 s28, $0x1;
	[dreg:$0x2] =	wrdreg s3  }
0xaf: {  	[dreg:$0x3] =	wrdreg s5  }
0xb0: {  	[dreg:$0x4] =	wrdreg $0xC0  }
0xb1: {  	_ =	task [dreg:s7], $0x5FFFF  }
0xb2: {  	[dreg:$0x1] =	wrdreg $0xFFFFFFFF  }
0xb3: {  	[dreg:$0x0] =	wrdreg $0x60  }
0xb4: {  	[dreg:$0x2] =	wrdreg s16  }
0xb5: {  	[dreg:$0x3] =	wrdreg s24  }
0xb6: {  	[dreg:$0x4] =	wrdreg $0x9  }
0xb7: {  	_ =	task.clear_ibuf [dreg:s7], $0x5FFFF;
	_ =	strace $0x90000046  }
0xb8: {  	s29 =	simm.s32 $0x9;
	_ =	strace $0x80000048  }
0xb9: {  	_ =	swait.ge [sflag:s29], $0x1  }
0xba: {  	[sflag:s29] =	ssyncadd.s32 $0xFFFFFFFF  }
0xbb: {  	_ =	strace $0x90000048  }
0xbc: {  	_ =	sfence  }
0xbd: {  	s30 =	sld [smem:$0x0];
	_ =	sdelay $0x2  }
0xbe: {  	s31 =	sshll.u32 s1, $0xD;
	s1 =	sshrl.u32 s1, $0x2  }
0xbf: {  	s3 =	sand.u32 $0x4000, s31;
	s1 =	sadd.s32 s1, s30  }
0xc0: {  	s0 =	sor.u32 s3, s0;
	s1 =	sshll.u32 s1, $0x11  }
0xc1: {  	s0 =	sor.u32 s1, s0  }
0xc2: {  	s0 =	sadd.s32 $0x8F2B, s0  }
0xc3: {  	[sflag:s0] =	ssyncadd.remote.s32 $0x1  }
0xc4: {  	_ =	sfence.sel $0xFFFF  }
0xc5: {  	[dreg:$0x0] =	wrdreg $0xFFFFFFFF;
	(pc) =	sbr.abs _section_cstart, $3  }
0xc6: {  	[dreg:$0x1] =	wrdreg $0xFFFFFFFF  }
0xc7: {  	_ =	task.clear_ibuf [dreg:s7], $0x2FFFF;
	_ =	strace $0x9FFFFFFF  }
0xc8: {  	(tm) =	ssettm $0x7FFFFFFF  }
0xc9: {  	_ =	shalt  }
tec
execute0_lowered:
.L_overlay_start_1:
0x0: {  	(tag) =	ssettag $0x1  }
0x1: {  	s6 =	rddreg [dreg:$0x0]  }
0x2: {  	s5 =	rddreg [dreg:$0x1]  }
0x3: {  	s2 =	srdreg.scid;
	s1 =	stileid.u32  }
0x4: {  	s0 =	rddreg [dreg:$0x2];
	s7 =	smul.u32 $0x1400, s1  }
0x5: {  	s4 =	sand.u32 $0x1, s2;
	s2 =	simm.s32 $0x0;
	s10 =	smul.u32 $0x14000, s1  }
0x6: {  	s3 =	ssub.s32 $0x2, s4;
	[smem:$0x7FF] =	sst s2;
	s9 =	smul.u32 $0xA00, s4  }
0x7: {  	s11 =	smul.u32 $0xA000, s4;
	s8 =	sshrl.u32 s3, $0x1;
	_ =	strace $0x80000047  }
0x8: {  	s8 =	ssub.s32 s3, s8;
	s3 =	sadd.s32 $0x186A00, s5;
	s7 =	sadd.s32 s9, s7  }
0x9: {  	s5 =	sadd.s32 s10, s5;
	s9 =	simm.s32 $0x1;
	s10 =	simm.s32 $0x0  }
0xa: {  	s4 =	smax.u32 s8, $0x1;
	s7 =	sshrl.u32 s7, $0x3;
	s5 =	sadd.s32 s11, s5  }
0xb: {  	s8 =	simm.s32 $0x80;
	s6 =	sadd.s32 s7, s6;
	s7 =	simm.s32 $0x2  }
.LBB2_1:
0xc: {  	s11 =	sadd.s32 $0x0, s6  }
0xd: {  	[tilespmem:s2], [sflag:$0x2] =	stream.linear.gather [hbm4b:s11+s2], $0x80, $0x38;
	[tilespmem:$0x4080] =	vst v63  }
0xe: {  	_ =	swait.ge [sflag:s7], $0x80  }
0xf: {  	[sflag:s7] =	ssyncset.done $0x0  }
0x10: {  	[sflag:s7] =	ssyncadd.s32 $0xFFFFFF80  }
0x11: {  	[tilespmem:s8], [sflag:$0x1] =	stream.indirect.gather [hbm4b:s3+s8], $0x80, s2, s8, $0xb8;
	[tilespmem:$0x4080] =	vst v63  }
0x12: {  	_ =	swait.ge [sflag:s9], $0x4000  }
0x13: {  	[sflag:s9] =	ssyncset.done $0x0  }
0x14: {  	[sflag:s9] =	ssyncadd.s32 $0xFFFFC000  }
0x15: {  	[hbm4b:s5+s2] =	stream.linear.scatter [tilespmem:s8], [sflag:$0x2], $0x4000, $0x38;
	[tilespmem:$0x4080] =	vst v63  }
0x16: {  	s12 =	simm.s32 $0x10;
	_ =	swait.ge [sflag:s7], $0x4000  }
0x17: {  	s13 =	simm.s32 $0x20;
	s11 =	sadd.s32 $0x800, s5;
	[sflag:s7] =	ssyncset.done $0x0  }
.LBB2_2:
0x18: {  	s14 =	sadd.s32 s12, s6  }
0x19: {  	[sflag:s7] =	ssyncadd.s32 $0xFFFFC000;
	s12 =	smov.u32 s13;
	s15 =	sadd.s32 $0x10, s13  }
0x1a: {  	[tilespmem:s2], [sflag:$0x2] =	stream.linear.gather [hbm4b:s14+s2], $0x80, $0x38;
	[tilespmem:$0x4080] =	vst v63  }
0x1b: {  	p0 =	sne.s32 s13, $0x130;
	_ =	swait.ge [sflag:s7], $0x80  }
0x1c: {  	[sflag:s7] =	ssyncset.done $0x0  }
0x1d: {  	[sflag:s7] =	ssyncadd.s32 $0xFFFFFF80  }
0x1e: {  	[tilespmem:s8], [sflag:$0x1] =	stream.indirect.gather [hbm4b:s3+s8], $0x80, s2, s8, $0xb8;
	[tilespmem:$0x4080] =	vst v63  }
0x1f: {  	_ =	swait.ge [sflag:s9], $0x4000  }
.Ltmp0:
0x20: {  	[sflag:s9] =	ssyncset.done $0x0;
	(pc) =	sbr.rel @p0 .LBB2_2-.Ltmp0, $4  }
0x21: {  	[sflag:s9] =	ssyncadd.s32 $0xFFFFC000  }
0x22: {  	[hbm4b:s11+s2] =	stream.linear.scatter [tilespmem:s8], [sflag:$0x2], $0x4000, $0x38;
	[tilespmem:$0x4080] =	vst v63  }
0x23: {  	_ =	swait.ge [sflag:s7], $0x4000  }
0x24: {  	s13 =	smov.u32 s15;
	s11 =	sadd.s32 $0x800, s11;
	[sflag:s7] =	ssyncset.done $0x0  }
0x25: {  	s12 =	sadd.s32 s12, s6;
	[sflag:s7] =	ssyncadd.s32 $0xFFFFC000  }
0x26: {  	[tilespmem:s2], [sflag:$0x2] =	stream.linear.gather [hbm4b:s12+s2], $0x80, $0x38;
	[tilespmem:$0x4080] =	vst v63  }
0x27: {  	_ =	swait.ge [sflag:s7], $0x80  }
0x28: {  	[sflag:s7] =	ssyncset.done $0x0  }
0x29: {  	[sflag:s7] =	ssyncadd.s32 $0xFFFFFF80  }
0x2a: {  	[tilespmem:s8], [sflag:$0x1] =	stream.indirect.gather [hbm4b:s3+s8], $0x80, s2, s8, $0xb8;
	[tilespmem:$0x4080] =	vst v63  }
0x2b: {  	s10 =	sadd.s32 $0x1, s10;
	_ =	swait.ge [sflag:s9], $0x4000  }
0x2c: {  	p0 =	sne.s32 s10, s4;
	[sflag:s9] =	ssyncset.done $0x0  }
.Ltmp1:
0x2d: {  	[sflag:s9] =	ssyncadd.s32 $0xFFFFC000;
	(pc) =	sbr.rel @p0 .LBB2_1-.Ltmp1, $4  }
0x2e: {  	[hbm4b:s11+s2] =	stream.linear.scatter [tilespmem:s8], [sflag:$0x2], $0x4000, $0x38;
	[tilespmem:$0x4080] =	vst v63  }
0x2f: {  	_ =	swait.ge [sflag:s7], $0x4000  }
0x30: {  	[sflag:s7] =	ssyncset.done $0x0  }
0x31: {  	[sflag:s7] =	ssyncadd.s32 $0xFFFFC000  }
0x32: {  	_ =	sfence.sel $0x180000  }
0x33: {  	[bflag:$0x0] =	sbarrier.arrive $0xFFFF  }
0x34: {  	p0 =	sne.s32 s1, $0x0;
	_ =	strace $0x90000047  }
0x35: {  	s0 =	sadd.s32 @!p0 $0x100000, s0;
	[bflag:$0x2] =	sbarrier.arrive $0xFFFF  }
0x36: {  	[sflag:s0] =	ssyncadd.tile.s32 @!p0 $0x1;
	_ =	shalt  }
.Lfunc_end2:
_tile_overlayer_lowered:
.L_overlay_start_2:
0x37: {  	(tag) =	ssettag $0x2  }
0x38: {  	s0 =	rddreg [dreg:$0x0];
	s2 =	stileid.u32  }
0x39: {  	s1 =	rddreg [dreg:$0x1];
	p0 =	sne.s32 s2, $0x0  }
0x3a: {  	s3 =	rddreg [dreg:$0x2];
	[bflag:$0x3] =	sbarrier.arrive $0xFFFF;
	s2 =	simm.s32 @!p0 $0x1C02  }
0x3b: {  	[timem:s3], [sflag:s2] =	dma.local @!p0 [hbm:s0], s1  }
0x3c: {  	s0 =	simm.s32 @!p0 $0x2  }
0x3d: {  	_ =	swait.ge @!p0 [sflag:s0], s1  }
0x3e: {  	s1 =	ssub.s32 @!p0 $0x0, s1;
	[sflag:s0] =	ssyncset.done @!p0 $0x0  }
0x3f: {  	[sflag:s0] =	ssyncadd.s32 @!p0 s1  }
0x40: {  	[bflag:$0x3] =	sbarrier.arrive $0xFFFF  }
0x41: {  	_ =	shalt  }

</sc_bundles>
